<compile_context>
chip_gen: v7x
topology: tpu7x:2x2x1
jax: 0.10.2.dev20260603
libtpu: 0.0.44.dev20260713+nightly
codegen_flags: <defaults>
</compile_context>

<pallas_src>
import functools

import jax
import jax.numpy as jnp
from jax import lax
from jax.experimental import pallas as pl
from jax.experimental.pallas import tpu as pltpu
from jax.experimental.pallas import tpu_sc as plsc

B = 16384
E = 64
G = 32
H = 128

NC = 2
NS = 16
NW = NC * NS
BPW = B // NW
CHUNK = 128


def _sc_gather(sid, aid, songEmb, artistEmb, sbias16, abias16):
    mesh = plsc.VectorSubcoreMesh(core_axis_name="c", subcore_axis_name="s")
    L = 16
    NCH = BPW // CHUNK

    @functools.partial(
        pl.kernel,
        mesh=mesh,
        compiler_params=pltpu.CompilerParams(
            use_tc_tiling_on_sc=False, needs_layout_passes=False),
        out_type=[
            jax.ShapeDtypeStruct((B, E), jnp.float32),
            jax.ShapeDtypeStruct((B, E), jnp.float32),
            jax.ShapeDtypeStruct((B,), jnp.float32),
            jax.ShapeDtypeStruct((B,), jnp.float32),
        ],
        scratch_types=(
            [pltpu.VMEM((CHUNK,), jnp.int32)] * NCH
            + [pltpu.VMEM((CHUNK,), jnp.int32)] * NCH
            + [pltpu.VMEM((CHUNK,), jnp.int32)] * NCH
            + [pltpu.VMEM((CHUNK,), jnp.int32)] * NCH
            + [
                pltpu.VMEM((NCH, CHUNK), jnp.int32),
                pltpu.VMEM((NCH, CHUNK), jnp.int32),
                pltpu.VMEM((BPW, E), jnp.float32),
                pltpu.VMEM((BPW, E), jnp.float32),
                pltpu.VMEM((BPW, L), jnp.float32),
                pltpu.VMEM((BPW, L), jnp.float32),
                pltpu.VMEM((BPW,), jnp.float32),
                pltpu.VMEM((BPW,), jnp.float32),
                pltpu.SemaphoreType.DMA,
            ]
        ),
    )
    def gk(sid_hbm, aid_hbm, semb_hbm, aemb_hbm, sbias_hbm, abias_hbm,
           se_out, ae_out, sb_out, ab_out, *scratch):
        sidx = scratch[0:NCH]
        aidx = scratch[NCH:2 * NCH]
        shi = scratch[2 * NCH:3 * NCH]
        ahi = scratch[3 * NCH:4 * NCH]
        (slo, alo, se_v, ae_v, sbrows, abrows, sb_v, ab_v, sem) = scratch[4 * NCH:]
        wid = lax.axis_index("s") * NC + lax.axis_index("c")
        base = wid * BPW
        for j in range(NCH):
            pltpu.sync_copy(sid_hbm.at[pl.ds(base + j * CHUNK, CHUNK)], sidx[j])
            pltpu.sync_copy(aid_hbm.at[pl.ds(base + j * CHUNK, CHUNK)], aidx[j])
        for j in range(NCH):
            for k in range(CHUNK // L):
                cols = pl.ds(k * L, L)
                sv = sidx[j][cols]
                av = aidx[j][cols]
                shi[j][cols] = lax.shift_right_logical(sv, 4)
                slo[j, cols] = lax.bitwise_and(sv, 15)
                ahi[j][cols] = lax.shift_right_logical(av, 4)
                alo[j, cols] = lax.bitwise_and(av, 15)
        copies = []
        for j in range(NCH):
            rows = pl.ds(j * CHUNK, CHUNK)
            copies.append(pltpu.async_copy(semb_hbm.at[sidx[j]], se_v.at[rows], sem))
            copies.append(pltpu.async_copy(aemb_hbm.at[aidx[j]], ae_v.at[rows], sem))
            copies.append(pltpu.async_copy(sbias_hbm.at[shi[j]], sbrows.at[rows], sem))
            copies.append(pltpu.async_copy(abias_hbm.at[ahi[j]], abrows.at[rows], sem))
        for c in copies:
            c.wait()
        for c in range(BPW // L):
            j, k = divmod(c, CHUNK // L)
            cols = pl.ds(k * L, L)
            rid = lax.iota(jnp.int32, L) + c * L
            sb_v[pl.ds(c * L, L)] = plsc.load_gather(sbrows, [rid, slo[j, cols]])
            ab_v[pl.ds(c * L, L)] = plsc.load_gather(abrows, [rid, alo[j, cols]])
        out_rows = pl.ds(base, BPW)
        pltpu.sync_copy(se_v, se_out.at[out_rows])
        pltpu.sync_copy(ae_v, ae_out.at[out_rows])
        pltpu.sync_copy(sb_v, sb_out.at[out_rows])
        pltpu.sync_copy(ab_v, ab_out.at[out_rows])

    return gk(sid, aid, songEmb, artistEmb, sbias16, abias16)


def _tc_body(genreT_ref, se_ref, ae_ref, sb_ref, ab_ref, gw_ref, gb_ref,
             w1s_ref, w1a_ref, w1g_ref, b1_ref, w2_ref, cc_ref, out_ref):
    dnT = (((1,), (0,)), ((), ()))
    dnR = (((1,), (1,)), ((), ()))
    gT = jnp.maximum(
        lax.dot_general(gw_ref[...], genreT_ref[...], dnT) + gb_ref[...], 0.0)
    se = se_ref[...]
    ae = ae_ref[...]
    hT = (lax.dot_general(w1s_ref[...], se, dnR)
          + lax.dot_general(w1a_ref[...], ae, dnR)
          + lax.dot_general(w1g_ref[...], gT, dnT)
          + b1_ref[...])
    hT = jnp.maximum(hT, 0.0)
    mlpT = lax.dot_general(w2_ref[...], hT, dnT)
    ones = jnp.ones((1, E), jnp.float32)
    dotT = lax.dot_general(ones, se * ae, dnR)
    out_ref[...] = (dotT + mlpT + sb_ref[0] + ab_ref[0] + cc_ref[...])[None]


def _tc_forward(genreT, se, ae, sb3, ab3, gW, gbc, w1s, w1a, w1g, b1c, w2, cc):
    NGEN = genreT.shape[0]
    BB = 512
    grid = (B // BB,)
    return pl.pallas_call(
        _tc_body,
        grid=grid,
        in_specs=[
            pl.BlockSpec((NGEN, BB), lambda i: (0, i)),
            pl.BlockSpec((BB, E), lambda i: (i, 0)),
            pl.BlockSpec((BB, E), lambda i: (i, 0)),
            pl.BlockSpec((1, 1, BB), lambda i: (i, 0, 0)),
            pl.BlockSpec((1, 1, BB), lambda i: (i, 0, 0)),
            pl.BlockSpec((G, NGEN), lambda i: (0, 0)),
            pl.BlockSpec((G, 1), lambda i: (0, 0)),
            pl.BlockSpec((H, E), lambda i: (0, 0)),
            pl.BlockSpec((H, E), lambda i: (0, 0)),
            pl.BlockSpec((H, G), lambda i: (0, 0)),
            pl.BlockSpec((H, 1), lambda i: (0, 0)),
            pl.BlockSpec((1, H), lambda i: (0, 0)),
            pl.BlockSpec((1, 1), lambda i: (0, 0)),
        ],
        out_specs=pl.BlockSpec((1, 1, BB), lambda i: (i, 0, 0)),
        out_shape=jax.ShapeDtypeStruct((B // BB, 1, BB), jnp.float32),
    )(genreT, se, ae, sb3, ab3, gW, gbc, w1s, w1a, w1g, b1c, w2, cc)


def kernel(songIDs, artistIDs, genreMH, songEmb, artistEmb, songBiasT,
           artistBiasT, bias, gW, gb, w1, b1, w2, b2):
    sid = songIDs.astype(jnp.int32)
    aid = artistIDs.astype(jnp.int32)
    se, ae, sb, ab = _sc_gather(sid, aid, songEmb, artistEmb,
                                songBiasT.reshape(-1, 16),
                                artistBiasT.reshape(-1, 16))
    sb3 = sb.reshape(B // BPW, 1, BPW)
    ab3 = ab.reshape(B // BPW, 1, BPW)
    w1s = w1[:, :E]
    w1a = w1[:, E:2 * E]
    w1g = w1[:, 2 * E:]
    gbc = gb.reshape(G, 1)
    b1c = b1.reshape(H, 1)
    cc = (b2 + bias).reshape(1, 1)
    out3 = _tc_forward(genreMH.T, se, ae, sb3, ab3, gW, gbc, w1s, w1a, w1g,
                       b1c, w2, cc)
    return out3.reshape(B)

# --- scband reference (transcript-rebuilt; emitter-appended) ---
"""Pipeline reference for scband-artist-rec-model-27152783245713 (READ-ONLY COPY).

The authoritative reference and input builder live on the scoring server;
editing this copy changes nothing except your own understanding.
"""

import jax, jax.numpy as jnp
import numpy as np

B = 16384
NUM_SONGS = 1000000
NUM_ARTISTS = 100000
NUM_GENRES = 1000
E = 64
G = 32
H = 128


def setup_inputs(seed: int = 0) -> dict:
    key = jax.random.key(seed)
    ks = jax.random.split(key, 12)
    songIDs = jax.random.randint(ks[0], (B,), 0, NUM_SONGS)
    artistIDs = jax.random.randint(ks[1], (B,), 0, NUM_ARTISTS)
    genreMH = jax.random.uniform(ks[2], (B, NUM_GENRES), dtype=jnp.float32)
    songEmb = jax.random.normal(ks[3], (NUM_SONGS, E), dtype=jnp.float32) * 0.02
    artistEmb = jax.random.normal(ks[4], (NUM_ARTISTS, E), dtype=jnp.float32) * 0.02
    songBiasT = jax.random.normal(ks[5], (NUM_SONGS, 1), dtype=jnp.float32) * 0.02
    artistBiasT = jax.random.normal(ks[6], (NUM_ARTISTS, 1), dtype=jnp.float32) * 0.02
    bias = jnp.zeros((1,), dtype=jnp.float32)
    gW = jax.random.normal(ks[7], (G, NUM_GENRES), dtype=jnp.float32) * 0.02
    gb = jnp.zeros((G,), dtype=jnp.float32)
    w1 = jax.random.normal(ks[8], (H, 2 * E + G), dtype=jnp.float32) * 0.02
    b1 = jnp.zeros((H,), dtype=jnp.float32)
    w2 = jax.random.normal(ks[9], (1, H), dtype=jnp.float32) * 0.02
    b2 = jnp.zeros((1,), dtype=jnp.float32)
    return {
        "songIDs": songIDs,
        "artistIDs": artistIDs,
        "genreMH": genreMH,
        "songEmb": songEmb,
        "artistEmb": artistEmb,
        "songBiasT": songBiasT,
        "artistBiasT": artistBiasT,
        "bias": bias,
        "gW": gW,
        "gb": gb,
        "w1": w1,
        "b1": b1,
        "w2": w2,
        "b2": b2,
    }


def reference(songIDs, artistIDs, genreMH, songEmb, artistEmb, songBiasT, artistBiasT, bias, gW, gb, w1, b1, w2, b2):
    songEmbeds = jnp.take(songEmb, songIDs, axis=0)
    artistEmbeds = jnp.take(artistEmb, artistIDs, axis=0)
    genreEmbeds = jax.nn.relu(genreMH @ gW.T + gb)
    songBias = jnp.take(songBiasT, songIDs, axis=0)[:, 0]
    artistBias = jnp.take(artistBiasT, artistIDs, axis=0)[:, 0]
    dotProduct = (songEmbeds * artistEmbeds).sum(axis=1)
    x = jnp.concatenate([songEmbeds, artistEmbeds, genreEmbeds], axis=1)
    x = jax.nn.relu(x @ w1.T + b1)
    mlp = (x @ w2.T + b2)[:, 0]
    return dotProduct + mlp + songBias + artistBias + bias[0]

if __name__ == "__main__":
    import jax
    _d = setup_inputs()
    print(jax.jit(kernel)(*tuple(_d.values())))

</pallas_src>

<mosaic_0001>
#map = affine_map<(d0, d1) -> (0)>
#map1 = affine_map<(d0, d1) -> (0, 0)>
module attributes {stable_mosaic.version = 14 : i64} {
  func.func @gk(%arg0: i32, %arg1: i32, %arg2: memref<16384xi32, #tpu.memory_space<hbm>>, %arg3: memref<16384xi32, #tpu.memory_space<hbm>>, %arg4: memref<1000000x64xf32, #tpu.memory_space<hbm>>, %arg5: memref<100000x64xf32, #tpu.memory_space<hbm>>, %arg6: memref<62500x16xf32, #tpu.memory_space<hbm>>, %arg7: memref<6250x16xf32, #tpu.memory_space<hbm>>, %arg8: memref<16384x64xf32, #tpu.memory_space<hbm>>, %arg9: memref<16384x64xf32, #tpu.memory_space<hbm>>, %arg10: memref<16384xf32, #tpu.memory_space<hbm>>, %arg11: memref<16384xf32, #tpu.memory_space<hbm>>, %arg12: memref<128xi32, #tpu.memory_space<vmem>>, %arg13: memref<128xi32, #tpu.memory_space<vmem>>, %arg14: memref<128xi32, #tpu.memory_space<vmem>>, %arg15: memref<128xi32, #tpu.memory_space<vmem>>, %arg16: memref<128xi32, #tpu.memory_space<vmem>>, %arg17: memref<128xi32, #tpu.memory_space<vmem>>, %arg18: memref<128xi32, #tpu.memory_space<vmem>>, %arg19: memref<128xi32, #tpu.memory_space<vmem>>, %arg20: memref<128xi32, #tpu.memory_space<vmem>>, %arg21: memref<128xi32, #tpu.memory_space<vmem>>, %arg22: memref<128xi32, #tpu.memory_space<vmem>>, %arg23: memref<128xi32, #tpu.memory_space<vmem>>, %arg24: memref<128xi32, #tpu.memory_space<vmem>>, %arg25: memref<128xi32, #tpu.memory_space<vmem>>, %arg26: memref<128xi32, #tpu.memory_space<vmem>>, %arg27: memref<128xi32, #tpu.memory_space<vmem>>, %arg28: memref<4x128xi32, #tpu.memory_space<vmem>>, %arg29: memref<4x128xi32, #tpu.memory_space<vmem>>, %arg30: memref<512x64xf32, #tpu.memory_space<vmem>>, %arg31: memref<512x64xf32, #tpu.memory_space<vmem>>, %arg32: memref<512x16xf32, #tpu.memory_space<vmem>>, %arg33: memref<512x16xf32, #tpu.memory_space<vmem>>, %arg34: memref<512xf32, #tpu.memory_space<vmem>>, %arg35: memref<512xf32, #tpu.memory_space<vmem>>, %arg36: memref<!tpu.dma_semaphore, #tpu.memory_space<semaphore_mem>>) attributes {dimension_semantics = [#tpu.dimension_semantics<core_parallel>, #tpu.dimension_semantics<subcore_parallel>], iteration_bounds = array<i64: 2, 16>, scalar_prefetch = 0 : i64, scratch_operands = 25 : i64, tpu.core_type = #tpu.core_type<sc_vector_subcore>, window_params = [{transform_indices = #map}, {transform_indices = #map}, {transform_indices = #map1}, {transform_indices = #map1}, {transform_indices = #map1}, {transform_indices = #map1}, {transform_indices = #map1}, {transform_indices = #map1}, {transform_indices = #map}, {transform_indices = #map}]} {
    %mul3A = arith.constant 2 : i32
    %mul3A_0 = arith.muli %arg1, %mul3A : i32
    %add3A = arith.addi %mul3A_0, %arg0 : i32
    %mul3A_1 = arith.constant 512 : i32
    %mul3A_2 = arith.muli %add3A, %mul3A_1 : i32
    %add3A_3 = arith.constant 0 : i32
    %add3A_4 = arith.addi %mul3A_2, %add3A_3 : i32
    "tpu.region"() ({
      %run_scoped3A = tpu.sem_alloc : memref<!tpu.dma_semaphore, #tpu.memory_space<semaphore_mem>>
      %dma_start3A_1675 = tpu.memref_slice %arg2[%add3A_4] : memref<16384xi32, #tpu.memory_space<hbm>> -> memref<128xi32, #tpu.memory_space<hbm>>
      %dma_start3A_1676 = tpu.memref_slice %arg2[%add3A_4] : memref<16384xi32, #tpu.memory_space<hbm>> -> memref<128xi32, #tpu.memory_space<hbm>>
      tpu.enqueue_dma source(%dma_start3A_1676 : memref<128xi32, #tpu.memory_space<hbm>>) target(%arg12 : memref<128xi32, #tpu.memory_space<vmem>>) target_semaphore(%run_scoped3A : memref<!tpu.dma_semaphore, #tpu.memory_space<semaphore_mem>>)
      %dma_wait3A_1677 = tpu.memref_slice %arg2[%add3A_4] : memref<16384xi32, #tpu.memory_space<hbm>> -> memref<128xi32, #tpu.memory_space<hbm>>
      %dma_wait3A_1678 = tpu.memref_slice %arg2[%add3A_4] : memref<16384xi32, #tpu.memory_space<hbm>> -> memref<128xi32, #tpu.memory_space<hbm>>
      tpu.wait_dma2 semaphore(%run_scoped3A : memref<!tpu.dma_semaphore, #tpu.memory_space<semaphore_mem>>) src(%dma_wait3A_1678 : memref<128xi32, #tpu.memory_space<hbm>>) dst(%arg12 : memref<128xi32, #tpu.memory_space<vmem>>)
      tpu.yield
    }) : () -> ()
    %add3A_5 = arith.constant 0 : i32
    %add3A_6 = arith.addi %mul3A_2, %add3A_5 : i32
    "tpu.region"() ({
      %run_scoped3A = tpu.sem_alloc : memref<!tpu.dma_semaphore, #tpu.memory_space<semaphore_mem>>
      %dma_start3A_1675 = tpu.memref_slice %arg3[%add3A_6] : memref<16384xi32, #tpu.memory_space<hbm>> -> memref<128xi32, #tpu.memory_space<hbm>>
      %dma_start3A_1676 = tpu.memref_slice %arg3[%add3A_6] : memref<16384xi32, #tpu.memory_space<hbm>> -> memref<128xi32, #tpu.memory_space<hbm>>
      tpu.enqueue_dma source(%dma_start3A_1676 : memref<128xi32, #tpu.memory_space<hbm>>) target(%arg16 : memref<128xi32, #tpu.memory_space<vmem>>) target_semaphore(%run_scoped3A : memref<!tpu.dma_semaphore, #tpu.memory_space<semaphore_mem>>)
      %dma_wait3A_1677 = tpu.memref_slice %arg3[%add3A_6] : memref<16384xi32, #tpu.memory_space<hbm>> -> memref<128xi32, #tpu.memory_space<hbm>>
      %dma_wait3A_1678 = tpu.memref_slice %arg3[%add3A_6] : memref<16384xi32, #tpu.memory_space<hbm>> -> memref<128xi32, #tpu.memory_space<hbm>>
      tpu.wait_dma2 semaphore(%run_scoped3A : memref<!tpu.dma_semaphore, #tpu.memory_space<semaphore_mem>>) src(%dma_wait3A_1678 : memref<128xi32, #tpu.memory_space<hbm>>) dst(%arg16 : memref<128xi32, #tpu.memory_space<vmem>>)
      tpu.yield
    }) : () -> ()
    %add3A_7 = arith.constant 128 : i32
    %add3A_8 = arith.addi %mul3A_2, %add3A_7 : i32
    "tpu.region"() ({
      %run_scoped3A = tpu.sem_alloc : memref<!tpu.dma_semaphore, #tpu.memory_space<semaphore_mem>>
      %dma_start3A_1675 = tpu.memref_slice %arg2[%add3A_8] : memref<16384xi32, #tpu.memory_space<hbm>> -> memref<128xi32, #tpu.memory_space<hbm>>
      %dma_start3A_1676 = tpu.memref_slice %arg2[%add3A_8] : memref<16384xi32, #tpu.memory_space<hbm>> -> memref<128xi32, #tpu.memory_space<hbm>>
      tpu.enqueue_dma source(%dma_start3A_1676 : memref<128xi32, #tpu.memory_space<hbm>>) target(%arg13 : memref<128xi32, #tpu.memory_space<vmem>>) target_semaphore(%run_scoped3A : memref<!tpu.dma_semaphore, #tpu.memory_space<semaphore_mem>>)
      %dma_wait3A_1677 = tpu.memref_slice %arg2[%add3A_8] : memref<16384xi32, #tpu.memory_space<hbm>> -> memref<128xi32, #tpu.memory_space<hbm>>
      %dma_wait3A_1678 = tpu.memref_slice %arg2[%add3A_8] : memref<16384xi32, #tpu.memory_space<hbm>> -> memref<128xi32, #tpu.memory_space<hbm>>
      tpu.wait_dma2 semaphore(%run_scoped3A : memref<!tpu.dma_semaphore, #tpu.memory_space<semaphore_mem>>) src(%dma_wait3A_1678 : memref<128xi32, #tpu.memory_space<hbm>>) dst(%arg13 : memref<128xi32, #tpu.memory_space<vmem>>)
      tpu.yield
    }) : () -> ()
    %add3A_9 = arith.constant 128 : i32
    %add3A_10 = arith.addi %mul3A_2, %add3A_9 : i32
    "tpu.region"() ({
      %run_scoped3A = tpu.sem_alloc : memref<!tpu.dma_semaphore, #tpu.memory_space<semaphore_mem>>
      %dma_start3A_1675 = tpu.memref_slice %arg3[%add3A_10] : memref<16384xi32, #tpu.memory_space<hbm>> -> memref<128xi32, #tpu.memory_space<hbm>>
      %dma_start3A_1676 = tpu.memref_slice %arg3[%add3A_10] : memref<16384xi32, #tpu.memory_space<hbm>> -> memref<128xi32, #tpu.memory_space<hbm>>
      tpu.enqueue_dma source(%dma_start3A_1676 : memref<128xi32, #tpu.memory_space<hbm>>) target(%arg17 : memref<128xi32, #tpu.memory_space<vmem>>) target_semaphore(%run_scoped3A : memref<!tpu.dma_semaphore, #tpu.memory_space<semaphore_mem>>)
      %dma_wait3A_1677 = tpu.memref_slice %arg3[%add3A_10] : memref<16384xi32, #tpu.memory_space<hbm>> -> memref<128xi32, #tpu.memory_space<hbm>>
      %dma_wait3A_1678 = tpu.memref_slice %arg3[%add3A_10] : memref<16384xi32, #tpu.memory_space<hbm>> -> memref<128xi32, #tpu.memory_space<hbm>>
      tpu.wait_dma2 semaphore(%run_scoped3A : memref<!tpu.dma_semaphore, #tpu.memory_space<semaphore_mem>>) src(%dma_wait3A_1678 : memref<128xi32, #tpu.memory_space<hbm>>) dst(%arg17 : memref<128xi32, #tpu.memory_space<vmem>>)
      tpu.yield
    }) : () -> ()
    %add3A_11 = arith.constant 256 : i32
    %add3A_12 = arith.addi %mul3A_2, %add3A_11 : i32
    "tpu.region"() ({
      %run_scoped3A = tpu.sem_alloc : memref<!tpu.dma_semaphore, #tpu.memory_space<semaphore_mem>>
      %dma_start3A_1675 = tpu.memref_slice %arg2[%add3A_12] : memref<16384xi32, #tpu.memory_space<hbm>> -> memref<128xi32, #tpu.memory_space<hbm>>
      %dma_start3A_1676 = tpu.memref_slice %arg2[%add3A_12] : memref<16384xi32, #tpu.memory_space<hbm>> -> memref<128xi32, #tpu.memory_space<hbm>>
      tpu.enqueue_dma source(%dma_start3A_1676 : memref<128xi32, #tpu.memory_space<hbm>>) target(%arg14 : memref<128xi32, #tpu.memory_space<vmem>>) target_semaphore(%run_scoped3A : memref<!tpu.dma_semaphore, #tpu.memory_space<semaphore_mem>>)
      %dma_wait3A_1677 = tpu.memref_slice %arg2[%add3A_12] : memref<16384xi32, #tpu.memory_space<hbm>> -> memref<128xi32, #tpu.memory_space<hbm>>
      %dma_wait3A_1678 = tpu.memref_slice %arg2[%add3A_12] : memref<16384xi32, #tpu.memory_space<hbm>> -> memref<128xi32, #tpu.memory_space<hbm>>
      tpu.wait_dma2 semaphore(%run_scoped3A : memref<!tpu.dma_semaphore, #tpu.memory_space<semaphore_mem>>) src(%dma_wait3A_1678 : memref<128xi32, #tpu.memory_space<hbm>>) dst(%arg14 : memref<128xi32, #tpu.memory_space<vmem>>)
      tpu.yield
    }) : () -> ()
    %add3A_13 = arith.constant 256 : i32
    %add3A_14 = arith.addi %mul3A_2, %add3A_13 : i32
    "tpu.region"() ({
      %run_scoped3A = tpu.sem_alloc : memref<!tpu.dma_semaphore, #tpu.memory_space<semaphore_mem>>
      %dma_start3A_1675 = tpu.memref_slice %arg3[%add3A_14] : memref<16384xi32, #tpu.memory_space<hbm>> -> memref<128xi32, #tpu.memory_space<hbm>>
      %dma_start3A_1676 = tpu.memref_slice %arg3[%add3A_14] : memref<16384xi32, #tpu.memory_space<hbm>> -> memref<128xi32, #tpu.memory_space<hbm>>
      tpu.enqueue_dma source(%dma_start3A_1676 : memref<128xi32, #tpu.memory_space<hbm>>) target(%arg18 : memref<128xi32, #tpu.memory_space<vmem>>) target_semaphore(%run_scoped3A : memref<!tpu.dma_semaphore, #tpu.memory_space<semaphore_mem>>)
      %dma_wait3A_1677 = tpu.memref_slice %arg3[%add3A_14] : memref<16384xi32, #tpu.memory_space<hbm>> -> memref<128xi32, #tpu.memory_space<hbm>>
      %dma_wait3A_1678 = tpu.memref_slice %arg3[%add3A_14] : memref<16384xi32, #tpu.memory_space<hbm>> -> memref<128xi32, #tpu.memory_space<hbm>>
      tpu.wait_dma2 semaphore(%run_scoped3A : memref<!tpu.dma_semaphore, #tpu.memory_space<semaphore_mem>>) src(%dma_wait3A_1678 : memref<128xi32, #tpu.memory_space<hbm>>) dst(%arg18 : memref<128xi32, #tpu.memory_space<vmem>>)
      tpu.yield
    }) : () -> ()
    %add3A_15 = arith.constant 384 : i32
    %add3A_16 = arith.addi %mul3A_2, %add3A_15 : i32
    "tpu.region"() ({
      %run_scoped3A = tpu.sem_alloc : memref<!tpu.dma_semaphore, #tpu.memory_space<semaphore_mem>>
      %dma_start3A_1675 = tpu.memref_slice %arg2[%add3A_16] : memref<16384xi32, #tpu.memory_space<hbm>> -> memref<128xi32, #tpu.memory_space<hbm>>
      %dma_start3A_1676 = tpu.memref_slice %arg2[%add3A_16] : memref<16384xi32, #tpu.memory_space<hbm>> -> memref<128xi32, #tpu.memory_space<hbm>>
      tpu.enqueue_dma source(%dma_start3A_1676 : memref<128xi32, #tpu.memory_space<hbm>>) target(%arg15 : memref<128xi32, #tpu.memory_space<vmem>>) target_semaphore(%run_scoped3A : memref<!tpu.dma_semaphore, #tpu.memory_space<semaphore_mem>>)
      %dma_wait3A_1677 = tpu.memref_slice %arg2[%add3A_16] : memref<16384xi32, #tpu.memory_space<hbm>> -> memref<128xi32, #tpu.memory_space<hbm>>
      %dma_wait3A_1678 = tpu.memref_slice %arg2[%add3A_16] : memref<16384xi32, #tpu.memory_space<hbm>> -> memref<128xi32, #tpu.memory_space<hbm>>
      tpu.wait_dma2 semaphore(%run_scoped3A : memref<!tpu.dma_semaphore, #tpu.memory_space<semaphore_mem>>) src(%dma_wait3A_1678 : memref<128xi32, #tpu.memory_space<hbm>>) dst(%arg15 : memref<128xi32, #tpu.memory_space<vmem>>)
      tpu.yield
    }) : () -> ()
    %add3A_17 = arith.constant 384 : i32
    %add3A_18 = arith.addi %mul3A_2, %add3A_17 : i32
    "tpu.region"() ({
      %run_scoped3A = tpu.sem_alloc : memref<!tpu.dma_semaphore, #tpu.memory_space<semaphore_mem>>
      %dma_start3A_1675 = tpu.memref_slice %arg3[%add3A_18] : memref<16384xi32, #tpu.memory_space<hbm>> -> memref<128xi32, #tpu.memory_space<hbm>>
      %dma_start3A_1676 = tpu.memref_slice %arg3[%add3A_18] : memref<16384xi32, #tpu.memory_space<hbm>> -> memref<128xi32, #tpu.memory_space<hbm>>
      tpu.enqueue_dma source(%dma_start3A_1676 : memref<128xi32, #tpu.memory_space<hbm>>) target(%arg19 : memref<128xi32, #tpu.memory_space<vmem>>) target_semaphore(%run_scoped3A : memref<!tpu.dma_semaphore, #tpu.memory_space<semaphore_mem>>)
      %dma_wait3A_1677 = tpu.memref_slice %arg3[%add3A_18] : memref<16384xi32, #tpu.memory_space<hbm>> -> memref<128xi32, #tpu.memory_space<hbm>>
      %dma_wait3A_1678 = tpu.memref_slice %arg3[%add3A_18] : memref<16384xi32, #tpu.memory_space<hbm>> -> memref<128xi32, #tpu.memory_space<hbm>>
      tpu.wait_dma2 semaphore(%run_scoped3A : memref<!tpu.dma_semaphore, #tpu.memory_space<semaphore_mem>>) src(%dma_wait3A_1678 : memref<128xi32, #tpu.memory_space<hbm>>) dst(%arg19 : memref<128xi32, #tpu.memory_space<vmem>>)
      tpu.yield
    }) : () -> ()
    %get3A = arith.constant 0 : index
    %get3A_19 = tpu.vector_load %arg12[%get3A] {strides = array<i32>} : memref<128xi32, #tpu.memory_space<vmem>>, vector<16xi32>,
    %get3A_20 = arith.constant 0 : index
    %get3A_21 = tpu.vector_load %arg16[%get3A_20] {strides = array<i32>} : memref<128xi32, #tpu.memory_space<vmem>>, vector<16xi32>,
    %shift_right_logical3A = arith.constant 4 : i32
    %shift_right_logical3A_22 = vector.broadcast %shift_right_logical3A : i32 to vector<16xi32>
    %shift_right_logical3A_23 = arith.shrui %get3A_19, %shift_right_logical3A_22 : vector<16xi32>
    %swap3A = arith.constant 0 : index
    %swap3A_24 = tpu.vector_load %arg20[%swap3A] {strides = array<i32>} : memref<128xi32, #tpu.memory_space<vmem>>, vector<16xi32>,
    tpu.vector_store %arg20[%swap3A], %shift_right_logical3A_23 {strides = array<i32>} : memref<128xi32, #tpu.memory_space<vmem>>, vector<16xi32>,
    %and3A = arith.constant 15 : i32
    %and3A_25 = vector.broadcast %and3A : i32 to vector<16xi32>
    %and3A_26 = arith.andi %get3A_19, %and3A_25 : vector<16xi32>
    %swap3A_27 = arith.constant 0 : i32
    %swap3A_28 = arith.index_cast %swap3A_27 : i32 to index
    %swap3A_29 = arith.constant 0 : index
    %swap3A_30 = tpu.vector_load %arg28[%swap3A_28, %swap3A_29] {strides = array<i32>} : memref<4x128xi32, #tpu.memory_space<vmem>>, vector<16xi32>,
    tpu.vector_store %arg28[%swap3A_28, %swap3A_29], %and3A_26 {strides = array<i32>} : memref<4x128xi32, #tpu.memory_space<vmem>>, vector<16xi32>,
    %shift_right_logical3A_31 = arith.constant 4 : i32
    %shift_right_logical3A_32 = vector.broadcast %shift_right_logical3A_31 : i32 to vector<16xi32>
    %shift_right_logical3A_33 = arith.shrui %get3A_21, %shift_right_logical3A_32 : vector<16xi32>
    %swap3A_34 = arith.constant 0 : index
    %swap3A_35 = tpu.vector_load %arg24[%swap3A_34] {strides = array<i32>} : memref<128xi32, #tpu.memory_space<vmem>>, vector<16xi32>,
    tpu.vector_store %arg24[%swap3A_34], %shift_right_logical3A_33 {strides = array<i32>} : memref<128xi32, #tpu.memory_space<vmem>>, vector<16xi32>,
    %and3A_36 = arith.constant 15 : i32
    %and3A_37 = vector.broadcast %and3A_36 : i32 to vector<16xi32>
    %and3A_38 = arith.andi %get3A_21, %and3A_37 : vector<16xi32>
    %swap3A_39 = arith.constant 0 : i32
    %swap3A_40 = arith.index_cast %swap3A_39 : i32 to index
    %swap3A_41 = arith.constant 0 : index
    %swap3A_42 = tpu.vector_load %arg29[%swap3A_40, %swap3A_41] {strides = array<i32>} : memref<4x128xi32, #tpu.memory_space<vmem>>, vector<16xi32>,
    tpu.vector_store %arg29[%swap3A_40, %swap3A_41], %and3A_38 {strides = array<i32>} : memref<4x128xi32, #tpu.memory_space<vmem>>, vector<16xi32>,
    %get3A_43 = arith.constant 16 : index
    %get3A_44 = tpu.vector_load %arg12[%get3A_43] {strides = array<i32>} : memref<128xi32, #tpu.memory_space<vmem>>, vector<16xi32>,
    %get3A_45 = arith.constant 16 : index
    %get3A_46 = tpu.vector_load %arg16[%get3A_45] {strides = array<i32>} : memref<128xi32, #tpu.memory_space<vmem>>, vector<16xi32>,
    %shift_right_logical3A_47 = arith.constant 4 : i32
    %shift_right_logical3A_48 = vector.broadcast %shift_right_logical3A_47 : i32 to vector<16xi32>
    %shift_right_logical3A_49 = arith.shrui %get3A_44, %shift_right_logical3A_48 : vector<16xi32>
    %swap3A_50 = arith.constant 16 : index
    %swap3A_51 = tpu.vector_load %arg20[%swap3A_50] {strides = array<i32>} : memref<128xi32, #tpu.memory_space<vmem>>, vector<16xi32>,
    tpu.vector_store %arg20[%swap3A_50], %shift_right_logical3A_49 {strides = array<i32>} : memref<128xi32, #tpu.memory_space<vmem>>, vector<16xi32>,
    %and3A_52 = arith.constant 15 : i32
    %and3A_53 = vector.broadcast %and3A_52 : i32 to vector<16xi32>
    %and3A_54 = arith.andi %get3A_44, %and3A_53 : vector<16xi32>
    %swap3A_55 = arith.constant 0 : i32
    %swap3A_56 = arith.index_cast %swap3A_55 : i32 to index
    %swap3A_57 = arith.constant 16 : index
    %swap3A_58 = tpu.vector_load %arg28[%swap3A_56, %swap3A_57] {strides = array<i32>} : memref<4x128xi32, #tpu.memory_space<vmem>>, vector<16xi32>,
    tpu.vector_store %arg28[%swap3A_56, %swap3A_57], %and3A_54 {strides = array<i32>} : memref<4x128xi32, #tpu.memory_space<vmem>>, vector<16xi32>,
    %shift_right_logical3A_59 = arith.constant 4 : i32
    %shift_right_logical3A_60 = vector.broadcast %shift_right_logical3A_59 : i32 to vector<16xi32>
    %shift_right_logical3A_61 = arith.shrui %get3A_46, %shift_right_logical3A_60 : vector<16xi32>
    %swap3A_62 = arith.constant 16 : index
    %swap3A_63 = tpu.vector_load %arg24[%swap3A_62] {strides = array<i32>} : memref<128xi32, #tpu.memory_space<vmem>>, vector<16xi32>,
    tpu.vector_store %arg24[%swap3A_62], %shift_right_logical3A_61 {strides = array<i32>} : memref<128xi32, #tpu.memory_space<vmem>>, vector<16xi32>,
    %and3A_64 = arith.constant 15 : i32
    %and3A_65 = vector.broadcast %and3A_64 : i32 to vector<16xi32>
    %and3A_66 = arith.andi %get3A_46, %and3A_65 : vector<16xi32>
    %swap3A_67 = arith.constant 0 : i32
    %swap3A_68 = arith.index_cast %swap3A_67 : i32 to index
    %swap3A_69 = arith.constant 16 : index
    %swap3A_70 = tpu.vector_load %arg29[%swap3A_68, %swap3A_69] {strides = array<i32>} : memref<4x128xi32, #tpu.memory_space<vmem>>, vector<16xi32>,
    tpu.vector_store %arg29[%swap3A_68, %swap3A_69], %and3A_66 {strides = array<i32>} : memref<4x128xi32, #tpu.memory_space<vmem>>, vector<16xi32>,
    %get3A_71 = arith.constant 32 : index
    %get3A_72 = tpu.vector_load %arg12[%get3A_71] {strides = array<i32>} : memref<128xi32, #tpu.memory_space<vmem>>, vector<16xi32>,
    %get3A_73 = arith.constant 32 : index
    %get3A_74 = tpu.vector_load %arg16[%get3A_73] {strides = array<i32>} : memref<128xi32, #tpu.memory_space<vmem>>, vector<16xi32>,
    %shift_right_logical3A_75 = arith.constant 4 : i32
    %shift_right_logical3A_76 = vector.broadcast %shift_right_logical3A_75 : i32 to vector<16xi32>
    %shift_right_logical3A_77 = arith.shrui %get3A_72, %shift_right_logical3A_76 : vector<16xi32>
    %swap3A_78 = arith.constant 32 : index
    %swap3A_79 = tpu.vector_load %arg20[%swap3A_78] {strides = array<i32>} : memref<128xi32, #tpu.memory_space<vmem>>, vector<16xi32>,
    tpu.vector_store %arg20[%swap3A_78], %shift_right_logical3A_77 {strides = array<i32>} : memref<128xi32, #tpu.memory_space<vmem>>, vector<16xi32>,
    %and3A_80 = arith.constant 15 : i32
    %and3A_81 = vector.broadcast %and3A_80 : i32 to vector<16xi32>
    %and3A_82 = arith.andi %get3A_72, %and3A_81 : vector<16xi32>
    %swap3A_83 = arith.constant 0 : i32
    %swap3A_84 = arith.index_cast %swap3A_83 : i32 to index
    %swap3A_85 = arith.constant 32 : index
    %swap3A_86 = tpu.vector_load %arg28[%swap3A_84, %swap3A_85] {strides = array<i32>} : memref<4x128xi32, #tpu.memory_space<vmem>>, vector<16xi32>,
    tpu.vector_store %arg28[%swap3A_84, %swap3A_85], %and3A_82 {strides = array<i32>} : memref<4x128xi32, #tpu.memory_space<vmem>>, vector<16xi32>,
    %shift_right_logical3A_87 = arith.constant 4 : i32
    %shift_right_logical3A_88 = vector.broadcast %shift_right_logical3A_87 : i32 to vector<16xi32>
    %shift_right_logical3A_89 = arith.shrui %get3A_74, %shift_right_logical3A_88 : vector<16xi32>
    %swap3A_90 = arith.constant 32 : index
    %swap3A_91 = tpu.vector_load %arg24[%swap3A_90] {strides = array<i32>} : memref<128xi32, #tpu.memory_space<vmem>>, vector<16xi32>,
    tpu.vector_store %arg24[%swap3A_90], %shift_right_logical3A_89 {strides = array<i32>} : memref<128xi32, #tpu.memory_space<vmem>>, vector<16xi32>,
    %and3A_92 = arith.constant 15 : i32
    %and3A_93 = vector.broadcast %and3A_92 : i32 to vector<16xi32>
    %and3A_94 = arith.andi %get3A_74, %and3A_93 : vector<16xi32>
    %swap3A_95 = arith.constant 0 : i32
    %swap3A_96 = arith.index_cast %swap3A_95 : i32 to index
    %swap3A_97 = arith.constant 32 : index
    %swap3A_98 = tpu.vector_load %arg29[%swap3A_96, %swap3A_97] {strides = array<i32>} : memref<4x128xi32, #tpu.memory_space<vmem>>, vector<16xi32>,
    tpu.vector_store %arg29[%swap3A_96, %swap3A_97], %and3A_94 {strides = array<i32>} : memref<4x128xi32, #tpu.memory_space<vmem>>, vector<16xi32>,
    %get3A_99 = arith.constant 48 : index
    %get3A_100 = tpu.vector_load %arg12[%get3A_99] {strides = array<i32>} : memref<128xi32, #tpu.memory_space<vmem>>, vector<16xi32>,
    %get3A_101 = arith.constant 48 : index
    %get3A_102 = tpu.vector_load %arg16[%get3A_101] {strides = array<i32>} : memref<128xi32, #tpu.memory_space<vmem>>, vector<16xi32>,
    %shift_right_logical3A_103 = arith.constant 4 : i32
    %shift_right_logical3A_104 = vector.broadcast %shift_right_logical3A_103 : i32 to vector<16xi32>
    %shift_right_logical3A_105 = arith.shrui %get3A_100, %shift_right_logical3A_104 : vector<16xi32>
    %swap3A_106 = arith.constant 48 : index
    %swap3A_107 = tpu.vector_load %arg20[%swap3A_106] {strides = array<i32>} : memref<128xi32, #tpu.memory_space<vmem>>, vector<16xi32>,
    tpu.vector_store %arg20[%swap3A_106], %shift_right_logical3A_105 {strides = array<i32>} : memref<128xi32, #tpu.memory_space<vmem>>, vector<16xi32>,
    %and3A_108 = arith.constant 15 : i32
    %and3A_109 = vector.broadcast %and3A_108 : i32 to vector<16xi32>
    %and3A_110 = arith.andi %get3A_100, %and3A_109 : vector<16xi32>
    %swap3A_111 = arith.constant 0 : i32
    %swap3A_112 = arith.index_cast %swap3A_111 : i32 to index
    %swap3A_113 = arith.constant 48 : index
    %swap3A_114 = tpu.vector_load %arg28[%swap3A_112, %swap3A_113] {strides = array<i32>} : memref<4x128xi32, #tpu.memory_space<vmem>>, vector<16xi32>,
    tpu.vector_store %arg28[%swap3A_112, %swap3A_113], %and3A_110 {strides = array<i32>} : memref<4x128xi32, #tpu.memory_space<vmem>>, vector<16xi32>,
    %shift_right_logical3A_115 = arith.constant 4 : i32
    %shift_right_logical3A_116 = vector.broadcast %shift_right_logical3A_115 : i32 to vector<16xi32>
    %shift_right_logical3A_117 = arith.shrui %get3A_102, %shift_right_logical3A_116 : vector<16xi32>
    %swap3A_118 = arith.constant 48 : index
    %swap3A_119 = tpu.vector_load %arg24[%swap3A_118] {strides = array<i32>} : memref<128xi32, #tpu.memory_space<vmem>>, vector<16xi32>,
    tpu.vector_store %arg24[%swap3A_118], %shift_right_logical3A_117 {strides = array<i32>} : memref<128xi32, #tpu.memory_space<vmem>>, vector<16xi32>,
    %and3A_120 = arith.constant 15 : i32
    %and3A_121 = vector.broadcast %and3A_120 : i32 to vector<16xi32>
    %and3A_122 = arith.andi %get3A_102, %and3A_121 : vector<16xi32>
    %swap3A_123 = arith.constant 0 : i32
    %swap3A_124 = arith.index_cast %swap3A_123 : i32 to index
    %swap3A_125 = arith.constant 48 : index
    %swap3A_126 = tpu.vector_load %arg29[%swap3A_124, %swap3A_125] {strides = array<i32>} : memref<4x128xi32, #tpu.memory_space<vmem>>, vector<16xi32>,
    tpu.vector_store %arg29[%swap3A_124, %swap3A_125], %and3A_122 {strides = array<i32>} : memref<4x128xi32, #tpu.memory_space<vmem>>, vector<16xi32>,
    %get3A_127 = arith.constant 64 : index
    %get3A_128 = tpu.vector_load %arg12[%get3A_127] {strides = array<i32>} : memref<128xi32, #tpu.memory_space<vmem>>, vector<16xi32>,
    %get3A_129 = arith.constant 64 : index
    %get3A_130 = tpu.vector_load %arg16[%get3A_129] {strides = array<i32>} : memref<128xi32, #tpu.memory_space<vmem>>, vector<16xi32>,
    %shift_right_logical3A_131 = arith.constant 4 : i32
    %shift_right_logical3A_132 = vector.broadcast %shift_right_logical3A_131 : i32 to vector<16xi32>
    %shift_right_logical3A_133 = arith.shrui %get3A_128, %shift_right_logical3A_132 : vector<16xi32>
    %swap3A_134 = arith.constant 64 : index
    %swap3A_135 = tpu.vector_load %arg20[%swap3A_134] {strides = array<i32>} : memref<128xi32, #tpu.memory_space<vmem>>, vector<16xi32>,
    tpu.vector_store %arg20[%swap3A_134], %shift_right_logical3A_133 {strides = array<i32>} : memref<128xi32, #tpu.memory_space<vmem>>, vector<16xi32>,
    %and3A_136 = arith.constant 15 : i32
    %and3A_137 = vector.broadcast %and3A_136 : i32 to vector<16xi32>
    %and3A_138 = arith.andi %get3A_128, %and3A_137 : vector<16xi32>
    %swap3A_139 = arith.constant 0 : i32
    %swap3A_140 = arith.index_cast %swap3A_139 : i32 to index
    %swap3A_141 = arith.constant 64 : index
    %swap3A_142 = tpu.vector_load %arg28[%swap3A_140, %swap3A_141] {strides = array<i32>} : memref<4x128xi32, #tpu.memory_space<vmem>>, vector<16xi32>,
    tpu.vector_store %arg28[%swap3A_140, %swap3A_141], %and3A_138 {strides = array<i32>} : memref<4x128xi32, #tpu.memory_space<vmem>>, vector<16xi32>,
    %shift_right_logical3A_143 = arith.constant 4 : i32
    %shift_right_logical3A_144 = vector.broadcast %shift_right_logical3A_143 : i32 to vector<16xi32>
    %shift_right_logical3A_145 = arith.shrui %get3A_130, %shift_right_logical3A_144 : vector<16xi32>
    %swap3A_146 = arith.constant 64 : index
    %swap3A_147 = tpu.vector_load %arg24[%swap3A_146] {strides = array<i32>} : memref<128xi32, #tpu.memory_space<vmem>>, vector<16xi32>,
    tpu.vector_store %arg24[%swap3A_146], %shift_right_logical3A_145 {strides = array<i32>} : memref<128xi32, #tpu.memory_space<vmem>>, vector<16xi32>,
    %and3A_148 = arith.constant 15 : i32
    %and3A_149 = vector.broadcast %and3A_148 : i32 to vector<16xi32>
    %and3A_150 = arith.andi %get3A_130, %and3A_149 : vector<16xi32>
    %swap3A_151 = arith.constant 0 : i32
    %swap3A_152 = arith.index_cast %swap3A_151 : i32 to index
    %swap3A_153 = arith.constant 64 : index
    %swap3A_154 = tpu.vector_load %arg29[%swap3A_152, %swap3A_153] {strides = array<i32>} : memref<4x128xi32, #tpu.memory_space<vmem>>, vector<16xi32>,
    tpu.vector_store %arg29[%swap3A_152, %swap3A_153], %and3A_150 {strides = array<i32>} : memref<4x128xi32, #tpu.memory_space<vmem>>, vector<16xi32>,
    %get3A_155 = arith.constant 80 : index
    %get3A_156 = tpu.vector_load %arg12[%get3A_155] {strides = array<i32>} : memref<128xi32, #tpu.memory_space<vmem>>, vector<16xi32>,
    %get3A_157 = arith.constant 80 : index
    %get3A_158 = tpu.vector_load %arg16[%get3A_157] {strides = array<i32>} : memref<128xi32, #tpu.memory_space<vmem>>, vector<16xi32>,
    %shift_right_logical3A_159 = arith.constant 4 : i32
    %shift_right_logical3A_160 = vector.broadcast %shift_right_logical3A_159 : i32 to vector<16xi32>
    %shift_right_logical3A_161 = arith.shrui %get3A_156, %shift_right_logical3A_160 : vector<16xi32>
    %swap3A_162 = arith.constant 80 : index
    %swap3A_163 = tpu.vector_load %arg20[%swap3A_162] {strides = array<i32>} : memref<128xi32, #tpu.memory_space<vmem>>, vector<16xi32>,
    tpu.vector_store %arg20[%swap3A_162], %shift_right_logical3A_161 {strides = array<i32>} : memref<128xi32, #tpu.memory_space<vmem>>, vector<16xi32>,
    %and3A_164 = arith.constant 15 : i32
    %and3A_165 = vector.broadcast %and3A_164 : i32 to vector<16xi32>
    %and3A_166 = arith.andi %get3A_156, %and3A_165 : vector<16xi32>
    %swap3A_167 = arith.constant 0 : i32
    %swap3A_168 = arith.index_cast %swap3A_167 : i32 to index
    %swap3A_169 = arith.constant 80 : index
    %swap3A_170 = tpu.vector_load %arg28[%swap3A_168, %swap3A_169] {strides = array<i32>} : memref<4x128xi32, #tpu.memory_space<vmem>>, vector<16xi32>,
    tpu.vector_store %arg28[%swap3A_168, %swap3A_169], %and3A_166 {strides = array<i32>} : memref<4x128xi32, #tpu.memory_space<vmem>>, vector<16xi32>,
    %shift_right_logical3A_171 = arith.constant 4 : i32
    %shift_right_logical3A_172 = vector.broadcast %shift_right_logical3A_171 : i32 to vector<16xi32>
    %shift_right_logical3A_173 = arith.shrui %get3A_158, %shift_right_logical3A_172 : vector<16xi32>
    %swap3A_174 = arith.constant 80 : index
    %swap3A_175 = tpu.vector_load %arg24[%swap3A_174] {strides = array<i32>} : memref<128xi32, #tpu.memory_space<vmem>>, vector<16xi32>,
    tpu.vector_store %arg24[%swap3A_174], %shift_right_logical3A_173 {strides = array<i32>} : memref<128xi32, #tpu.memory_space<vmem>>, vector<16xi32>,
    %and3A_176 = arith.constant 15 : i32
    %and3A_177 = vector.broadcast %and3A_176 : i32 to vector<16xi32>
    %and3A_178 = arith.andi %get3A_158, %and3A_177 : vector<16xi32>
    %swap3A_179 = arith.constant 0 : i32
    %swap3A_180 = arith.index_cast %swap3A_179 : i32 to index
    %swap3A_181 = arith.constant 80 : index
    %swap3A_182 = tpu.vector_load %arg29[%swap3A_180, %swap3A_181] {strides = array<i32>} : memref<4x128xi32, #tpu.memory_space<vmem>>, vector<16xi32>,
    tpu.vector_store %arg29[%swap3A_180, %swap3A_181], %and3A_178 {strides = array<i32>} : memref<4x128xi32, #tpu.memory_space<vmem>>, vector<16xi32>,
    %get3A_183 = arith.constant 96 : index
    %get3A_184 = tpu.vector_load %arg12[%get3A_183] {strides = array<i32>} : memref<128xi32, #tpu.memory_space<vmem>>, vector<16xi32>,
    %get3A_185 = arith.constant 96 : index
    %get3A_186 = tpu.vector_load %arg16[%get3A_185] {strides = array<i32>} : memref<128xi32, #tpu.memory_space<vmem>>, vector<16xi32>,
    %shift_right_logical3A_187 = arith.constant 4 : i32
    %shift_right_logical3A_188 = vector.broadcast %shift_right_logical3A_187 : i32 to vector<16xi32>
    %shift_right_logical3A_189 = arith.shrui %get3A_184, %shift_right_logical3A_188 : vector<16xi32>
    %swap3A_190 = arith.constant 96 : index
    %swap3A_191 = tpu.vector_load %arg20[%swap3A_190] {strides = array<i32>} : memref<128xi32, #tpu.memory_space<vmem>>, vector<16xi32>,
    tpu.vector_store %arg20[%swap3A_190], %shift_right_logical3A_189 {strides = array<i32>} : memref<128xi32, #tpu.memory_space<vmem>>, vector<16xi32>,
    %and3A_192 = arith.constant 15 : i32
    %and3A_193 = vector.broadcast %and3A_192 : i32 to vector<16xi32>
    %and3A_194 = arith.andi %get3A_184, %and3A_193 : vector<16xi32>
    %swap3A_195 = arith.constant 0 : i32
    %swap3A_196 = arith.index_cast %swap3A_195 : i32 to index
    %swap3A_197 = arith.constant 96 : index
    %swap3A_198 = tpu.vector_load %arg28[%swap3A_196, %swap3A_197] {strides = array<i32>} : memref<4x128xi32, #tpu.memory_space<vmem>>, vector<16xi32>,
    tpu.vector_store %arg28[%swap3A_196, %swap3A_197], %and3A_194 {strides = array<i32>} : memref<4x128xi32, #tpu.memory_space<vmem>>, vector<16xi32>,
    %shift_right_logical3A_199 = arith.constant 4 : i32
    %shift_right_logical3A_200 = vector.broadcast %shift_right_logical3A_199 : i32 to vector<16xi32>
    %shift_right_logical3A_201 = arith.shrui %get3A_186, %shift_right_logical3A_200 : vector<16xi32>
    %swap3A_202 = arith.constant 96 : index
    %swap3A_203 = tpu.vector_load %arg24[%swap3A_202] {strides = array<i32>} : memref<128xi32, #tpu.memory_space<vmem>>, vector<16xi32>,
    tpu.vector_store %arg24[%swap3A_202], %shift_right_logical3A_201 {strides = array<i32>} : memref<128xi32, #tpu.memory_space<vmem>>, vector<16xi32>,
    %and3A_204 = arith.constant 15 : i32
    %and3A_205 = vector.broadcast %and3A_204 : i32 to vector<16xi32>
    %and3A_206 = arith.andi %get3A_186, %and3A_205 : vector<16xi32>
    %swap3A_207 = arith.constant 0 : i32
    %swap3A_208 = arith.index_cast %swap3A_207 : i32 to index
    %swap3A_209 = arith.constant 96 : index
    %swap3A_210 = tpu.vector_load %arg29[%swap3A_208, %swap3A_209] {strides = array<i32>} : memref<4x128xi32, #tpu.memory_space<vmem>>, vector<16xi32>,
    tpu.vector_store %arg29[%swap3A_208, %swap3A_209], %and3A_206 {strides = array<i32>} : memref<4x128xi32, #tpu.memory_space<vmem>>, vector<16xi32>,
    %get3A_211 = arith.constant 112 : index
    %get3A_212 = tpu.vector_load %arg12[%get3A_211] {strides = array<i32>} : memref<128xi32, #tpu.memory_space<vmem>>, vector<16xi32>,
    %get3A_213 = arith.constant 112 : index
    %get3A_214 = tpu.vector_load %arg16[%get3A_213] {strides = array<i32>} : memref<128xi32, #tpu.memory_space<vmem>>, vector<16xi32>,
    %shift_right_logical3A_215 = arith.constant 4 : i32
    %shift_right_logical3A_216 = vector.broadcast %shift_right_logical3A_215 : i32 to vector<16xi32>
    %shift_right_logical3A_217 = arith.shrui %get3A_212, %shift_right_logical3A_216 : vector<16xi32>
    %swap3A_218 = arith.constant 112 : index
    %swap3A_219 = tpu.vector_load %arg20[%swap3A_218] {strides = array<i32>} : memref<128xi32, #tpu.memory_space<vmem>>, vector<16xi32>,
    tpu.vector_store %arg20[%swap3A_218], %shift_right_logical3A_217 {strides = array<i32>} : memref<128xi32, #tpu.memory_space<vmem>>, vector<16xi32>,
    %and3A_220 = arith.constant 15 : i32
    %and3A_221 = vector.broadcast %and3A_220 : i32 to vector<16xi32>
    %and3A_222 = arith.andi %get3A_212, %and3A_221 : vector<16xi32>
    %swap3A_223 = arith.constant 0 : i32
    %swap3A_224 = arith.index_cast %swap3A_223 : i32 to index
    %swap3A_225 = arith.constant 112 : index
    %swap3A_226 = tpu.vector_load %arg28[%swap3A_224, %swap3A_225] {strides = array<i32>} : memref<4x128xi32, #tpu.memory_space<vmem>>, vector<16xi32>,
    tpu.vector_store %arg28[%swap3A_224, %swap3A_225], %and3A_222 {strides = array<i32>} : memref<4x128xi32, #tpu.memory_space<vmem>>, vector<16xi32>,
    %shift_right_logical3A_227 = arith.constant 4 : i32
    %shift_right_logical3A_228 = vector.broadcast %shift_right_logical3A_227 : i32 to vector<16xi32>
    %shift_right_logical3A_229 = arith.shrui %get3A_214, %shift_right_logical3A_228 : vector<16xi32>
    %swap3A_230 = arith.constant 112 : index
    %swap3A_231 = tpu.vector_load %arg24[%swap3A_230] {strides = array<i32>} : memref<128xi32, #tpu.memory_space<vmem>>, vector<16xi32>,
    tpu.vector_store %arg24[%swap3A_230], %shift_right_logical3A_229 {strides = array<i32>} : memref<128xi32, #tpu.memory_space<vmem>>, vector<16xi32>,
    %and3A_232 = arith.constant 15 : i32
    %and3A_233 = vector.broadcast %and3A_232 : i32 to vector<16xi32>
    %and3A_234 = arith.andi %get3A_214, %and3A_233 : vector<16xi32>
    %swap3A_235 = arith.constant 0 : i32
    %swap3A_236 = arith.index_cast %swap3A_235 : i32 to index
    %swap3A_237 = arith.constant 112 : index
    %swap3A_238 = tpu.vector_load %arg29[%swap3A_236, %swap3A_237] {strides = array<i32>} : memref<4x128xi32, #tpu.memory_space<vmem>>, vector<16xi32>,
    tpu.vector_store %arg29[%swap3A_236, %swap3A_237], %and3A_234 {strides = array<i32>} : memref<4x128xi32, #tpu.memory_space<vmem>>, vector<16xi32>,
    %get3A_239 = arith.constant 0 : index
    %get3A_240 = tpu.vector_load %arg13[%get3A_239] {strides = array<i32>} : memref<128xi32, #tpu.memory_space<vmem>>, vector<16xi32>,
    %get3A_241 = arith.constant 0 : index
    %get3A_242 = tpu.vector_load %arg17[%get3A_241] {strides = array<i32>} : memref<128xi32, #tpu.memory_space<vmem>>, vector<16xi32>,
    %shift_right_logical3A_243 = arith.constant 4 : i32
    %shift_right_logical3A_244 = vector.broadcast %shift_right_logical3A_243 : i32 to vector<16xi32>
    %shift_right_logical3A_245 = arith.shrui %get3A_240, %shift_right_logical3A_244 : vector<16xi32>
    %swap3A_246 = arith.constant 0 : index
    %swap3A_247 = tpu.vector_load %arg21[%swap3A_246] {strides = array<i32>} : memref<128xi32, #tpu.memory_space<vmem>>, vector<16xi32>,
    tpu.vector_store %arg21[%swap3A_246], %shift_right_logical3A_245 {strides = array<i32>} : memref<128xi32, #tpu.memory_space<vmem>>, vector<16xi32>,
    %and3A_248 = arith.constant 15 : i32
    %and3A_249 = vector.broadcast %and3A_248 : i32 to vector<16xi32>
    %and3A_250 = arith.andi %get3A_240, %and3A_249 : vector<16xi32>
    %swap3A_251 = arith.constant 1 : i32
    %swap3A_252 = arith.index_cast %swap3A_251 : i32 to index
    %swap3A_253 = arith.constant 0 : index
    %swap3A_254 = tpu.vector_load %arg28[%swap3A_252, %swap3A_253] {strides = array<i32>} : memref<4x128xi32, #tpu.memory_space<vmem>>, vector<16xi32>,
    tpu.vector_store %arg28[%swap3A_252, %swap3A_253], %and3A_250 {strides = array<i32>} : memref<4x128xi32, #tpu.memory_space<vmem>>, vector<16xi32>,
    %shift_right_logical3A_255 = arith.constant 4 : i32
    %shift_right_logical3A_256 = vector.broadcast %shift_right_logical3A_255 : i32 to vector<16xi32>
    %shift_right_logical3A_257 = arith.shrui %get3A_242, %shift_right_logical3A_256 : vector<16xi32>
    %swap3A_258 = arith.constant 0 : index
    %swap3A_259 = tpu.vector_load %arg25[%swap3A_258] {strides = array<i32>} : memref<128xi32, #tpu.memory_space<vmem>>, vector<16xi32>,
    tpu.vector_store %arg25[%swap3A_258], %shift_right_logical3A_257 {strides = array<i32>} : memref<128xi32, #tpu.memory_space<vmem>>, vector<16xi32>,
    %and3A_260 = arith.constant 15 : i32
    %and3A_261 = vector.broadcast %and3A_260 : i32 to vector<16xi32>
    %and3A_262 = arith.andi %get3A_242, %and3A_261 : vector<16xi32>
    %swap3A_263 = arith.constant 1 : i32
    %swap3A_264 = arith.index_cast %swap3A_263 : i32 to index
    %swap3A_265 = arith.constant 0 : index
    %swap3A_266 = tpu.vector_load %arg29[%swap3A_264, %swap3A_265] {strides = array<i32>} : memref<4x128xi32, #tpu.memory_space<vmem>>, vector<16xi32>,
    tpu.vector_store %arg29[%swap3A_264, %swap3A_265], %and3A_262 {strides = array<i32>} : memref<4x128xi32, #tpu.memory_space<vmem>>, vector<16xi32>,
    %get3A_267 = arith.constant 16 : index
    %get3A_268 = tpu.vector_load %arg13[%get3A_267] {strides = array<i32>} : memref<128xi32, #tpu.memory_space<vmem>>, vector<16xi32>,
    %get3A_269 = arith.constant 16 : index
    %get3A_270 = tpu.vector_load %arg17[%get3A_269] {strides = array<i32>} : memref<128xi32, #tpu.memory_space<vmem>>, vector<16xi32>,
    %shift_right_logical3A_271 = arith.constant 4 : i32
    %shift_right_logical3A_272 = vector.broadcast %shift_right_logical3A_271 : i32 to vector<16xi32>
    %shift_right_logical3A_273 = arith.shrui %get3A_268, %shift_right_logical3A_272 : vector<16xi32>
    %swap3A_274 = arith.constant 16 : index
    %swap3A_275 = tpu.vector_load %arg21[%swap3A_274] {strides = array<i32>} : memref<128xi32, #tpu.memory_space<vmem>>, vector<16xi32>,
    tpu.vector_store %arg21[%swap3A_274], %shift_right_logical3A_273 {strides = array<i32>} : memref<128xi32, #tpu.memory_space<vmem>>, vector<16xi32>,
    %and3A_276 = arith.constant 15 : i32
    %and3A_277 = vector.broadcast %and3A_276 : i32 to vector<16xi32>
    %and3A_278 = arith.andi %get3A_268, %and3A_277 : vector<16xi32>
    %swap3A_279 = arith.constant 1 : i32
    %swap3A_280 = arith.index_cast %swap3A_279 : i32 to index
    %swap3A_281 = arith.constant 16 : index
    %swap3A_282 = tpu.vector_load %arg28[%swap3A_280, %swap3A_281] {strides = array<i32>} : memref<4x128xi32, #tpu.memory_space<vmem>>, vector<16xi32>,
    tpu.vector_store %arg28[%swap3A_280, %swap3A_281], %and3A_278 {strides = array<i32>} : memref<4x128xi32, #tpu.memory_space<vmem>>, vector<16xi32>,
    %shift_right_logical3A_283 = arith.constant 4 : i32
    %shift_right_logical3A_284 = vector.broadcast %shift_right_logical3A_283 : i32 to vector<16xi32>
    %shift_right_logical3A_285 = arith.shrui %get3A_270, %shift_right_logical3A_284 : vector<16xi32>
    %swap3A_286 = arith.constant 16 : index
    %swap3A_287 = tpu.vector_load %arg25[%swap3A_286] {strides = array<i32>} : memref<128xi32, #tpu.memory_space<vmem>>, vector<16xi32>,
    tpu.vector_store %arg25[%swap3A_286], %shift_right_logical3A_285 {strides = array<i32>} : memref<128xi32, #tpu.memory_space<vmem>>, vector<16xi32>,
    %and3A_288 = arith.constant 15 : i32
    %and3A_289 = vector.broadcast %and3A_288 : i32 to vector<16xi32>
    %and3A_290 = arith.andi %get3A_270, %and3A_289 : vector<16xi32>
    %swap3A_291 = arith.constant 1 : i32
    %swap3A_292 = arith.index_cast %swap3A_291 : i32 to index
    %swap3A_293 = arith.constant 16 : index
    %swap3A_294 = tpu.vector_load %arg29[%swap3A_292, %swap3A_293] {strides = array<i32>} : memref<4x128xi32, #tpu.memory_space<vmem>>, vector<16xi32>,
    tpu.vector_store %arg29[%swap3A_292, %swap3A_293], %and3A_290 {strides = array<i32>} : memref<4x128xi32, #tpu.memory_space<vmem>>, vector<16xi32>,
    %get3A_295 = arith.constant 32 : index
    %get3A_296 = tpu.vector_load %arg13[%get3A_295] {strides = array<i32>} : memref<128xi32, #tpu.memory_space<vmem>>, vector<16xi32>,
    %get3A_297 = arith.constant 32 : index
    %get3A_298 = tpu.vector_load %arg17[%get3A_297] {strides = array<i32>} : memref<128xi32, #tpu.memory_space<vmem>>, vector<16xi32>,
    %shift_right_logical3A_299 = arith.constant 4 : i32
    %shift_right_logical3A_300 = vector.broadcast %shift_right_logical3A_299 : i32 to vector<16xi32>
    %shift_right_logical3A_301 = arith.shrui %get3A_296, %shift_right_logical3A_300 : vector<16xi32>
    %swap3A_302 = arith.constant 32 : index
    %swap3A_303 = tpu.vector_load %arg21[%swap3A_302] {strides = array<i32>} : memref<128xi32, #tpu.memory_space<vmem>>, vector<16xi32>,
    tpu.vector_store %arg21[%swap3A_302], %shift_right_logical3A_301 {strides = array<i32>} : memref<128xi32, #tpu.memory_space<vmem>>, vector<16xi32>,
    %and3A_304 = arith.constant 15 : i32
    %and3A_305 = vector.broadcast %and3A_304 : i32 to vector<16xi32>
    %and3A_306 = arith.andi %get3A_296, %and3A_305 : vector<16xi32>
    %swap3A_307 = arith.constant 1 : i32
    %swap3A_308 = arith.index_cast %swap3A_307 : i32 to index
    %swap3A_309 = arith.constant 32 : index
    %swap3A_310 = tpu.vector_load %arg28[%swap3A_308, %swap3A_309] {strides = array<i32>} : memref<4x128xi32, #tpu.memory_space<vmem>>, vector<16xi32>,
    tpu.vector_store %arg28[%swap3A_308, %swap3A_309], %and3A_306 {strides = array<i32>} : memref<4x128xi32, #tpu.memory_space<vmem>>, vector<16xi32>,
    %shift_right_logical3A_311 = arith.constant 4 : i32
    %shift_right_logical3A_312 = vector.broadcast %shift_right_logical3A_311 : i32 to vector<16xi32>
    %shift_right_logical3A_313 = arith.shrui %get3A_298, %shift_right_logical3A_312 : vector<16xi32>
    %swap3A_314 = arith.constant 32 : index
    %swap3A_315 = tpu.vector_load %arg25[%swap3A_314] {strides = array<i32>} : memref<128xi32, #tpu.memory_space<vmem>>, vector<16xi32>,
    tpu.vector_store %arg25[%swap3A_314], %shift_right_logical3A_313 {strides = array<i32>} : memref<128xi32, #tpu.memory_space<vmem>>, vector<16xi32>,
    %and3A_316 = arith.constant 15 : i32
    %and3A_317 = vector.broadcast %and3A_316 : i32 to vector<16xi32>
    %and3A_318 = arith.andi %get3A_298, %and3A_317 : vector<16xi32>
    %swap3A_319 = arith.constant 1 : i32
    %swap3A_320 = arith.index_cast %swap3A_319 : i32 to index
    %swap3A_321 = arith.constant 32 : index
    %swap3A_322 = tpu.vector_load %arg29[%swap3A_320, %swap3A_321] {strides = array<i32>} : memref<4x128xi32, #tpu.memory_space<vmem>>, vector<16xi32>,
    tpu.vector_store %arg29[%swap3A_320, %swap3A_321], %and3A_318 {strides = array<i32>} : memref<4x128xi32, #tpu.memory_space<vmem>>, vector<16xi32>,
    %get3A_323 = arith.constant 48 : index
    %get3A_324 = tpu.vector_load %arg13[%get3A_323] {strides = array<i32>} : memref<128xi32, #tpu.memory_space<vmem>>, vector<16xi32>,
    %get3A_325 = arith.constant 48 : index
    %get3A_326 = tpu.vector_load %arg17[%get3A_325] {strides = array<i32>} : memref<128xi32, #tpu.memory_space<vmem>>, vector<16xi32>,
    %shift_right_logical3A_327 = arith.constant 4 : i32
    %shift_right_logical3A_328 = vector.broadcast %shift_right_logical3A_327 : i32 to vector<16xi32>
    %shift_right_logical3A_329 = arith.shrui %get3A_324, %shift_right_logical3A_328 : vector<16xi32>
    %swap3A_330 = arith.constant 48 : index
    %swap3A_331 = tpu.vector_load %arg21[%swap3A_330] {strides = array<i32>} : memref<128xi32, #tpu.memory_space<vmem>>, vector<16xi32>,
    tpu.vector_store %arg21[%swap3A_330], %shift_right_logical3A_329 {strides = array<i32>} : memref<128xi32, #tpu.memory_space<vmem>>, vector<16xi32>,
    %and3A_332 = arith.constant 15 : i32
    %and3A_333 = vector.broadcast %and3A_332 : i32 to vector<16xi32>
    %and3A_334 = arith.andi %get3A_324, %and3A_333 : vector<16xi32>
    %swap3A_335 = arith.constant 1 : i32
    %swap3A_336 = arith.index_cast %swap3A_335 : i32 to index
    %swap3A_337 = arith.constant 48 : index
    %swap3A_338 = tpu.vector_load %arg28[%swap3A_336, %swap3A_337] {strides = array<i32>} : memref<4x128xi32, #tpu.memory_space<vmem>>, vector<16xi32>,
    tpu.vector_store %arg28[%swap3A_336, %swap3A_337], %and3A_334 {strides = array<i32>} : memref<4x128xi32, #tpu.memory_space<vmem>>, vector<16xi32>,
    %shift_right_logical3A_339 = arith.constant 4 : i32
    %shift_right_logical3A_340 = vector.broadcast %shift_right_logical3A_339 : i32 to vector<16xi32>
    %shift_right_logical3A_341 = arith.shrui %get3A_326, %shift_right_logical3A_340 : vector<16xi32>
    %swap3A_342 = arith.constant 48 : index
    %swap3A_343 = tpu.vector_load %arg25[%swap3A_342] {strides = array<i32>} : memref<128xi32, #tpu.memory_space<vmem>>, vector<16xi32>,
    tpu.vector_store %arg25[%swap3A_342], %shift_right_logical3A_341 {strides = array<i32>} : memref<128xi32, #tpu.memory_space<vmem>>, vector<16xi32>,
    %and3A_344 = arith.constant 15 : i32
    %and3A_345 = vector.broadcast %and3A_344 : i32 to vector<16xi32>
    %and3A_346 = arith.andi %get3A_326, %and3A_345 : vector<16xi32>
    %swap3A_347 = arith.constant 1 : i32
    %swap3A_348 = arith.index_cast %swap3A_347 : i32 to index
    %swap3A_349 = arith.constant 48 : index
    %swap3A_350 = tpu.vector_load %arg29[%swap3A_348, %swap3A_349] {strides = array<i32>} : memref<4x128xi32, #tpu.memory_space<vmem>>, vector<16xi32>,
    tpu.vector_store %arg29[%swap3A_348, %swap3A_349], %and3A_346 {strides = array<i32>} : memref<4x128xi32, #tpu.memory_space<vmem>>, vector<16xi32>,
    %get3A_351 = arith.constant 64 : index
    %get3A_352 = tpu.vector_load %arg13[%get3A_351] {strides = array<i32>} : memref<128xi32, #tpu.memory_space<vmem>>, vector<16xi32>,
    %get3A_353 = arith.constant 64 : index
    %get3A_354 = tpu.vector_load %arg17[%get3A_353] {strides = array<i32>} : memref<128xi32, #tpu.memory_space<vmem>>, vector<16xi32>,
    %shift_right_logical3A_355 = arith.constant 4 : i32
    %shift_right_logical3A_356 = vector.broadcast %shift_right_logical3A_355 : i32 to vector<16xi32>
    %shift_right_logical3A_357 = arith.shrui %get3A_352, %shift_right_logical3A_356 : vector<16xi32>
    %swap3A_358 = arith.constant 64 : index
    %swap3A_359 = tpu.vector_load %arg21[%swap3A_358] {strides = array<i32>} : memref<128xi32, #tpu.memory_space<vmem>>, vector<16xi32>,
    tpu.vector_store %arg21[%swap3A_358], %shift_right_logical3A_357 {strides = array<i32>} : memref<128xi32, #tpu.memory_space<vmem>>, vector<16xi32>,
    %and3A_360 = arith.constant 15 : i32
    %and3A_361 = vector.broadcast %and3A_360 : i32 to vector<16xi32>
    %and3A_362 = arith.andi %get3A_352, %and3A_361 : vector<16xi32>
    %swap3A_363 = arith.constant 1 : i32
    %swap3A_364 = arith.index_cast %swap3A_363 : i32 to index
    %swap3A_365 = arith.constant 64 : index
    %swap3A_366 = tpu.vector_load %arg28[%swap3A_364, %swap3A_365] {strides = array<i32>} : memref<4x128xi32, #tpu.memory_space<vmem>>, vector<16xi32>,
    tpu.vector_store %arg28[%swap3A_364, %swap3A_365], %and3A_362 {strides = array<i32>} : memref<4x128xi32, #tpu.memory_space<vmem>>, vector<16xi32>,
    %shift_right_logical3A_367 = arith.constant 4 : i32
    %shift_right_logical3A_368 = vector.broadcast %shift_right_logical3A_367 : i32 to vector<16xi32>
    %shift_right_logical3A_369 = arith.shrui %get3A_354, %shift_right_logical3A_368 : vector<16xi32>
    %swap3A_370 = arith.constant 64 : index
    %swap3A_371 = tpu.vector_load %arg25[%swap3A_370] {strides = array<i32>} : memref<128xi32, #tpu.memory_space<vmem>>, vector<16xi32>,
    tpu.vector_store %arg25[%swap3A_370], %shift_right_logical3A_369 {strides = array<i32>} : memref<128xi32, #tpu.memory_space<vmem>>, vector<16xi32>,
    %and3A_372 = arith.constant 15 : i32
    %and3A_373 = vector.broadcast %and3A_372 : i32 to vector<16xi32>
    %and3A_374 = arith.andi %get3A_354, %and3A_373 : vector<16xi32>
    %swap3A_375 = arith.constant 1 : i32
    %swap3A_376 = arith.index_cast %swap3A_375 : i32 to index
    %swap3A_377 = arith.constant 64 : index
    %swap3A_378 = tpu.vector_load %arg29[%swap3A_376, %swap3A_377] {strides = array<i32>} : memref<4x128xi32, #tpu.memory_space<vmem>>, vector<16xi32>,
    tpu.vector_store %arg29[%swap3A_376, %swap3A_377], %and3A_374 {strides = array<i32>} : memref<4x128xi32, #tpu.memory_space<vmem>>, vector<16xi32>,
    %get3A_379 = arith.constant 80 : index
    %get3A_380 = tpu.vector_load %arg13[%get3A_379] {strides = array<i32>} : memref<128xi32, #tpu.memory_space<vmem>>, vector<16xi32>,
    %get3A_381 = arith.constant 80 : index
    %get3A_382 = tpu.vector_load %arg17[%get3A_381] {strides = array<i32>} : memref<128xi32, #tpu.memory_space<vmem>>, vector<16xi32>,
    %shift_right_logical3A_383 = arith.constant 4 : i32
    %shift_right_logical3A_384 = vector.broadcast %shift_right_logical3A_383 : i32 to vector<16xi32>
    %shift_right_logical3A_385 = arith.shrui %get3A_380, %shift_right_logical3A_384 : vector<16xi32>
    %swap3A_386 = arith.constant 80 : index
    %swap3A_387 = tpu.vector_load %arg21[%swap3A_386] {strides = array<i32>} : memref<128xi32, #tpu.memory_space<vmem>>, vector<16xi32>,
    tpu.vector_store %arg21[%swap3A_386], %shift_right_logical3A_385 {strides = array<i32>} : memref<128xi32, #tpu.memory_space<vmem>>, vector<16xi32>,
    %and3A_388 = arith.constant 15 : i32
    %and3A_389 = vector.broadcast %and3A_388 : i32 to vector<16xi32>
    %and3A_390 = arith.andi %get3A_380, %and3A_389 : vector<16xi32>
    %swap3A_391 = arith.constant 1 : i32
    %swap3A_392 = arith.index_cast %swap3A_391 : i32 to index
    %swap3A_393 = arith.constant 80 : index
    %swap3A_394 = tpu.vector_load %arg28[%swap3A_392, %swap3A_393] {strides = array<i32>} : memref<4x128xi32, #tpu.memory_space<vmem>>, vector<16xi32>,
    tpu.vector_store %arg28[%swap3A_392, %swap3A_393], %and3A_390 {strides = array<i32>} : memref<4x128xi32, #tpu.memory_space<vmem>>, vector<16xi32>,
    %shift_right_logical3A_395 = arith.constant 4 : i32
    %shift_right_logical3A_396 = vector.broadcast %shift_right_logical3A_395 : i32 to vector<16xi32>
    %shift_right_logical3A_397 = arith.shrui %get3A_382, %shift_right_logical3A_396 : vector<16xi32>
    %swap3A_398 = arith.constant 80 : index
    %swap3A_399 = tpu.vector_load %arg25[%swap3A_398] {strides = array<i32>} : memref<128xi32, #tpu.memory_space<vmem>>, vector<16xi32>,
    tpu.vector_store %arg25[%swap3A_398], %shift_right_logical3A_397 {strides = array<i32>} : memref<128xi32, #tpu.memory_space<vmem>>, vector<16xi32>,
    %and3A_400 = arith.constant 15 : i32
    %and3A_401 = vector.broadcast %and3A_400 : i32 to vector<16xi32>
    %and3A_402 = arith.andi %get3A_382, %and3A_401 : vector<16xi32>
    %swap3A_403 = arith.constant 1 : i32
    %swap3A_404 = arith.index_cast %swap3A_403 : i32 to index
    %swap3A_405 = arith.constant 80 : index
    %swap3A_406 = tpu.vector_load %arg29[%swap3A_404, %swap3A_405] {strides = array<i32>} : memref<4x128xi32, #tpu.memory_space<vmem>>, vector<16xi32>,
    tpu.vector_store %arg29[%swap3A_404, %swap3A_405], %and3A_402 {strides = array<i32>} : memref<4x128xi32, #tpu.memory_space<vmem>>, vector<16xi32>,
    %get3A_407 = arith.constant 96 : index
    %get3A_408 = tpu.vector_load %arg13[%get3A_407] {strides = array<i32>} : memref<128xi32, #tpu.memory_space<vmem>>, vector<16xi32>,
    %get3A_409 = arith.constant 96 : index
    %get3A_410 = tpu.vector_load %arg17[%get3A_409] {strides = array<i32>} : memref<128xi32, #tpu.memory_space<vmem>>, vector<16xi32>,
    %shift_right_logical3A_411 = arith.constant 4 : i32
    %shift_right_logical3A_412 = vector.broadcast %shift_right_logical3A_411 : i32 to vector<16xi32>
    %shift_right_logical3A_413 = arith.shrui %get3A_408, %shift_right_logical3A_412 : vector<16xi32>
    %swap3A_414 = arith.constant 96 : index
    %swap3A_415 = tpu.vector_load %arg21[%swap3A_414] {strides = array<i32>} : memref<128xi32, #tpu.memory_space<vmem>>, vector<16xi32>,
    tpu.vector_store %arg21[%swap3A_414], %shift_right_logical3A_413 {strides = array<i32>} : memref<128xi32, #tpu.memory_space<vmem>>, vector<16xi32>,
    %and3A_416 = arith.constant 15 : i32
    %and3A_417 = vector.broadcast %and3A_416 : i32 to vector<16xi32>
    %and3A_418 = arith.andi %get3A_408, %and3A_417 : vector<16xi32>
    %swap3A_419 = arith.constant 1 : i32
    %swap3A_420 = arith.index_cast %swap3A_419 : i32 to index
    %swap3A_421 = arith.constant 96 : index
    %swap3A_422 = tpu.vector_load %arg28[%swap3A_420, %swap3A_421] {strides = array<i32>} : memref<4x128xi32, #tpu.memory_space<vmem>>, vector<16xi32>,
    tpu.vector_store %arg28[%swap3A_420, %swap3A_421], %and3A_418 {strides = array<i32>} : memref<4x128xi32, #tpu.memory_space<vmem>>, vector<16xi32>,
    %shift_right_logical3A_423 = arith.constant 4 : i32
    %shift_right_logical3A_424 = vector.broadcast %shift_right_logical3A_423 : i32 to vector<16xi32>
    %shift_right_logical3A_425 = arith.shrui %get3A_410, %shift_right_logical3A_424 : vector<16xi32>
    %swap3A_426 = arith.constant 96 : index
    %swap3A_427 = tpu.vector_load %arg25[%swap3A_426] {strides = array<i32>} : memref<128xi32, #tpu.memory_space<vmem>>, vector<16xi32>,
    tpu.vector_store %arg25[%swap3A_426], %shift_right_logical3A_425 {strides = array<i32>} : memref<128xi32, #tpu.memory_space<vmem>>, vector<16xi32>,
    %and3A_428 = arith.constant 15 : i32
    %and3A_429 = vector.broadcast %and3A_428 : i32 to vector<16xi32>
    %and3A_430 = arith.andi %get3A_410, %and3A_429 : vector<16xi32>
    %swap3A_431 = arith.constant 1 : i32
    %swap3A_432 = arith.index_cast %swap3A_431 : i32 to index
    %swap3A_433 = arith.constant 96 : index
    %swap3A_434 = tpu.vector_load %arg29[%swap3A_432, %swap3A_433] {strides = array<i32>} : memref<4x128xi32, #tpu.memory_space<vmem>>, vector<16xi32>,
    tpu.vector_store %arg29[%swap3A_432, %swap3A_433], %and3A_430 {strides = array<i32>} : memref<4x128xi32, #tpu.memory_space<vmem>>, vector<16xi32>,
    %get3A_435 = arith.constant 112 : index
    %get3A_436 = tpu.vector_load %arg13[%get3A_435] {strides = array<i32>} : memref<128xi32, #tpu.memory_space<vmem>>, vector<16xi32>,
    %get3A_437 = arith.constant 112 : index
    %get3A_438 = tpu.vector_load %arg17[%get3A_437] {strides = array<i32>} : memref<128xi32, #tpu.memory_space<vmem>>, vector<16xi32>,
    %shift_right_logical3A_439 = arith.constant 4 : i32
    %shift_right_logical3A_440 = vector.broadcast %shift_right_logical3A_439 : i32 to vector<16xi32>
    %shift_right_logical3A_441 = arith.shrui %get3A_436, %shift_right_logical3A_440 : vector<16xi32>
    %swap3A_442 = arith.constant 112 : index
    %swap3A_443 = tpu.vector_load %arg21[%swap3A_442] {strides = array<i32>} : memref<128xi32, #tpu.memory_space<vmem>>, vector<16xi32>,
    tpu.vector_store %arg21[%swap3A_442], %shift_right_logical3A_441 {strides = array<i32>} : memref<128xi32, #tpu.memory_space<vmem>>, vector<16xi32>,
    %and3A_444 = arith.constant 15 : i32
    %and3A_445 = vector.broadcast %and3A_444 : i32 to vector<16xi32>
    %and3A_446 = arith.andi %get3A_436, %and3A_445 : vector<16xi32>
    %swap3A_447 = arith.constant 1 : i32
    %swap3A_448 = arith.index_cast %swap3A_447 : i32 to index
    %swap3A_449 = arith.constant 112 : index
    %swap3A_450 = tpu.vector_load %arg28[%swap3A_448, %swap3A_449] {strides = array<i32>} : memref<4x128xi32, #tpu.memory_space<vmem>>, vector<16xi32>,
    tpu.vector_store %arg28[%swap3A_448, %swap3A_449], %and3A_446 {strides = array<i32>} : memref<4x128xi32, #tpu.memory_space<vmem>>, vector<16xi32>,
    %shift_right_logical3A_451 = arith.constant 4 : i32
    %shift_right_logical3A_452 = vector.broadcast %shift_right_logical3A_451 : i32 to vector<16xi32>
    %shift_right_logical3A_453 = arith.shrui %get3A_438, %shift_right_logical3A_452 : vector<16xi32>
    %swap3A_454 = arith.constant 112 : index
    %swap3A_455 = tpu.vector_load %arg25[%swap3A_454] {strides = array<i32>} : memref<128xi32, #tpu.memory_space<vmem>>, vector<16xi32>,
    tpu.vector_store %arg25[%swap3A_454], %shift_right_logical3A_453 {strides = array<i32>} : memref<128xi32, #tpu.memory_space<vmem>>, vector<16xi32>,
    %and3A_456 = arith.constant 15 : i32
    %and3A_457 = vector.broadcast %and3A_456 : i32 to vector<16xi32>
    %and3A_458 = arith.andi %get3A_438, %and3A_457 : vector<16xi32>
    %swap3A_459 = arith.constant 1 : i32
    %swap3A_460 = arith.index_cast %swap3A_459 : i32 to index
    %swap3A_461 = arith.constant 112 : index
    %swap3A_462 = tpu.vector_load %arg29[%swap3A_460, %swap3A_461] {strides = array<i32>} : memref<4x128xi32, #tpu.memory_space<vmem>>, vector<16xi32>,
    tpu.vector_store %arg29[%swap3A_460, %swap3A_461], %and3A_458 {strides = array<i32>} : memref<4x128xi32, #tpu.memory_space<vmem>>, vector<16xi32>,
    %get3A_463 = arith.constant 0 : index
    %get3A_464 = tpu.vector_load %arg14[%get3A_463] {strides = array<i32>} : memref<128xi32, #tpu.memory_space<vmem>>, vector<16xi32>,
    %get3A_465 = arith.constant 0 : index
    %get3A_466 = tpu.vector_load %arg18[%get3A_465] {strides = array<i32>} : memref<128xi32, #tpu.memory_space<vmem>>, vector<16xi32>,
    %shift_right_logical3A_467 = arith.constant 4 : i32
    %shift_right_logical3A_468 = vector.broadcast %shift_right_logical3A_467 : i32 to vector<16xi32>
    %shift_right_logical3A_469 = arith.shrui %get3A_464, %shift_right_logical3A_468 : vector<16xi32>
    %swap3A_470 = arith.constant 0 : index
    %swap3A_471 = tpu.vector_load %arg22[%swap3A_470] {strides = array<i32>} : memref<128xi32, #tpu.memory_space<vmem>>, vector<16xi32>,
    tpu.vector_store %arg22[%swap3A_470], %shift_right_logical3A_469 {strides = array<i32>} : memref<128xi32, #tpu.memory_space<vmem>>, vector<16xi32>,
    %and3A_472 = arith.constant 15 : i32
    %and3A_473 = vector.broadcast %and3A_472 : i32 to vector<16xi32>
    %and3A_474 = arith.andi %get3A_464, %and3A_473 : vector<16xi32>
    %swap3A_475 = arith.constant 2 : i32
    %swap3A_476 = arith.index_cast %swap3A_475 : i32 to index
    %swap3A_477 = arith.constant 0 : index
    %swap3A_478 = tpu.vector_load %arg28[%swap3A_476, %swap3A_477] {strides = array<i32>} : memref<4x128xi32, #tpu.memory_space<vmem>>, vector<16xi32>,
    tpu.vector_store %arg28[%swap3A_476, %swap3A_477], %and3A_474 {strides = array<i32>} : memref<4x128xi32, #tpu.memory_space<vmem>>, vector<16xi32>,
    %shift_right_logical3A_479 = arith.constant 4 : i32
    %shift_right_logical3A_480 = vector.broadcast %shift_right_logical3A_479 : i32 to vector<16xi32>
    %shift_right_logical3A_481 = arith.shrui %get3A_466, %shift_right_logical3A_480 : vector<16xi32>
    %swap3A_482 = arith.constant 0 : index
    %swap3A_483 = tpu.vector_load %arg26[%swap3A_482] {strides = array<i32>} : memref<128xi32, #tpu.memory_space<vmem>>, vector<16xi32>,
    tpu.vector_store %arg26[%swap3A_482], %shift_right_logical3A_481 {strides = array<i32>} : memref<128xi32, #tpu.memory_space<vmem>>, vector<16xi32>,
    %and3A_484 = arith.constant 15 : i32
    %and3A_485 = vector.broadcast %and3A_484 : i32 to vector<16xi32>
    %and3A_486 = arith.andi %get3A_466, %and3A_485 : vector<16xi32>
    %swap3A_487 = arith.constant 2 : i32
    %swap3A_488 = arith.index_cast %swap3A_487 : i32 to index
    %swap3A_489 = arith.constant 0 : index
    %swap3A_490 = tpu.vector_load %arg29[%swap3A_488, %swap3A_489] {strides = array<i32>} : memref<4x128xi32, #tpu.memory_space<vmem>>, vector<16xi32>,
    tpu.vector_store %arg29[%swap3A_488, %swap3A_489], %and3A_486 {strides = array<i32>} : memref<4x128xi32, #tpu.memory_space<vmem>>, vector<16xi32>,
    %get3A_491 = arith.constant 16 : index
    %get3A_492 = tpu.vector_load %arg14[%get3A_491] {strides = array<i32>} : memref<128xi32, #tpu.memory_space<vmem>>, vector<16xi32>,
    %get3A_493 = arith.constant 16 : index
    %get3A_494 = tpu.vector_load %arg18[%get3A_493] {strides = array<i32>} : memref<128xi32, #tpu.memory_space<vmem>>, vector<16xi32>,
    %shift_right_logical3A_495 = arith.constant 4 : i32
    %shift_right_logical3A_496 = vector.broadcast %shift_right_logical3A_495 : i32 to vector<16xi32>
    %shift_right_logical3A_497 = arith.shrui %get3A_492, %shift_right_logical3A_496 : vector<16xi32>
    %swap3A_498 = arith.constant 16 : index
    %swap3A_499 = tpu.vector_load %arg22[%swap3A_498] {strides = array<i32>} : memref<128xi32, #tpu.memory_space<vmem>>, vector<16xi32>,
    tpu.vector_store %arg22[%swap3A_498], %shift_right_logical3A_497 {strides = array<i32>} : memref<128xi32, #tpu.memory_space<vmem>>, vector<16xi32>,
    %and3A_500 = arith.constant 15 : i32
    %and3A_501 = vector.broadcast %and3A_500 : i32 to vector<16xi32>
    %and3A_502 = arith.andi %get3A_492, %and3A_501 : vector<16xi32>
    %swap3A_503 = arith.constant 2 : i32
    %swap3A_504 = arith.index_cast %swap3A_503 : i32 to index
    %swap3A_505 = arith.constant 16 : index
    %swap3A_506 = tpu.vector_load %arg28[%swap3A_504, %swap3A_505] {strides = array<i32>} : memref<4x128xi32, #tpu.memory_space<vmem>>, vector<16xi32>,
    tpu.vector_store %arg28[%swap3A_504, %swap3A_505], %and3A_502 {strides = array<i32>} : memref<4x128xi32, #tpu.memory_space<vmem>>, vector<16xi32>,
    %shift_right_logical3A_507 = arith.constant 4 : i32
    %shift_right_logical3A_508 = vector.broadcast %shift_right_logical3A_507 : i32 to vector<16xi32>
    %shift_right_logical3A_509 = arith.shrui %get3A_494, %shift_right_logical3A_508 : vector<16xi32>
    %swap3A_510 = arith.constant 16 : index
    %swap3A_511 = tpu.vector_load %arg26[%swap3A_510] {strides = array<i32>} : memref<128xi32, #tpu.memory_space<vmem>>, vector<16xi32>,
    tpu.vector_store %arg26[%swap3A_510], %shift_right_logical3A_509 {strides = array<i32>} : memref<128xi32, #tpu.memory_space<vmem>>, vector<16xi32>,
    %and3A_512 = arith.constant 15 : i32
    %and3A_513 = vector.broadcast %and3A_512 : i32 to vector<16xi32>
    %and3A_514 = arith.andi %get3A_494, %and3A_513 : vector<16xi32>
    %swap3A_515 = arith.constant 2 : i32
    %swap3A_516 = arith.index_cast %swap3A_515 : i32 to index
    %swap3A_517 = arith.constant 16 : index
    %swap3A_518 = tpu.vector_load %arg29[%swap3A_516, %swap3A_517] {strides = array<i32>} : memref<4x128xi32, #tpu.memory_space<vmem>>, vector<16xi32>,
    tpu.vector_store %arg29[%swap3A_516, %swap3A_517], %and3A_514 {strides = array<i32>} : memref<4x128xi32, #tpu.memory_space<vmem>>, vector<16xi32>,
    %get3A_519 = arith.constant 32 : index
    %get3A_520 = tpu.vector_load %arg14[%get3A_519] {strides = array<i32>} : memref<128xi32, #tpu.memory_space<vmem>>, vector<16xi32>,
    %get3A_521 = arith.constant 32 : index
    %get3A_522 = tpu.vector_load %arg18[%get3A_521] {strides = array<i32>} : memref<128xi32, #tpu.memory_space<vmem>>, vector<16xi32>,
    %shift_right_logical3A_523 = arith.constant 4 : i32
    %shift_right_logical3A_524 = vector.broadcast %shift_right_logical3A_523 : i32 to vector<16xi32>
    %shift_right_logical3A_525 = arith.shrui %get3A_520, %shift_right_logical3A_524 : vector<16xi32>
    %swap3A_526 = arith.constant 32 : index
    %swap3A_527 = tpu.vector_load %arg22[%swap3A_526] {strides = array<i32>} : memref<128xi32, #tpu.memory_space<vmem>>, vector<16xi32>,
    tpu.vector_store %arg22[%swap3A_526], %shift_right_logical3A_525 {strides = array<i32>} : memref<128xi32, #tpu.memory_space<vmem>>, vector<16xi32>,
    %and3A_528 = arith.constant 15 : i32
    %and3A_529 = vector.broadcast %and3A_528 : i32 to vector<16xi32>
    %and3A_530 = arith.andi %get3A_520, %and3A_529 : vector<16xi32>
    %swap3A_531 = arith.constant 2 : i32
    %swap3A_532 = arith.index_cast %swap3A_531 : i32 to index
    %swap3A_533 = arith.constant 32 : index
    %swap3A_534 = tpu.vector_load %arg28[%swap3A_532, %swap3A_533] {strides = array<i32>} : memref<4x128xi32, #tpu.memory_space<vmem>>, vector<16xi32>,
    tpu.vector_store %arg28[%swap3A_532, %swap3A_533], %and3A_530 {strides = array<i32>} : memref<4x128xi32, #tpu.memory_space<vmem>>, vector<16xi32>,
    %shift_right_logical3A_535 = arith.constant 4 : i32
    %shift_right_logical3A_536 = vector.broadcast %shift_right_logical3A_535 : i32 to vector<16xi32>
    %shift_right_logical3A_537 = arith.shrui %get3A_522, %shift_right_logical3A_536 : vector<16xi32>
    %swap3A_538 = arith.constant 32 : index
    %swap3A_539 = tpu.vector_load %arg26[%swap3A_538] {strides = array<i32>} : memref<128xi32, #tpu.memory_space<vmem>>, vector<16xi32>,
    tpu.vector_store %arg26[%swap3A_538], %shift_right_logical3A_537 {strides = array<i32>} : memref<128xi32, #tpu.memory_space<vmem>>, vector<16xi32>,
    %and3A_540 = arith.constant 15 : i32
    %and3A_541 = vector.broadcast %and3A_540 : i32 to vector<16xi32>
    %and3A_542 = arith.andi %get3A_522, %and3A_541 : vector<16xi32>
    %swap3A_543 = arith.constant 2 : i32
    %swap3A_544 = arith.index_cast %swap3A_543 : i32 to index
    %swap3A_545 = arith.constant 32 : index
    %swap3A_546 = tpu.vector_load %arg29[%swap3A_544, %swap3A_545] {strides = array<i32>} : memref<4x128xi32, #tpu.memory_space<vmem>>, vector<16xi32>,
    tpu.vector_store %arg29[%swap3A_544, %swap3A_545], %and3A_542 {strides = array<i32>} : memref<4x128xi32, #tpu.memory_space<vmem>>, vector<16xi32>,
    %get3A_547 = arith.constant 48 : index
    %get3A_548 = tpu.vector_load %arg14[%get3A_547] {strides = array<i32>} : memref<128xi32, #tpu.memory_space<vmem>>, vector<16xi32>,
    %get3A_549 = arith.constant 48 : index
    %get3A_550 = tpu.vector_load %arg18[%get3A_549] {strides = array<i32>} : memref<128xi32, #tpu.memory_space<vmem>>, vector<16xi32>,
    %shift_right_logical3A_551 = arith.constant 4 : i32
    %shift_right_logical3A_552 = vector.broadcast %shift_right_logical3A_551 : i32 to vector<16xi32>
    %shift_right_logical3A_553 = arith.shrui %get3A_548, %shift_right_logical3A_552 : vector<16xi32>
    %swap3A_554 = arith.constant 48 : index
    %swap3A_555 = tpu.vector_load %arg22[%swap3A_554] {strides = array<i32>} : memref<128xi32, #tpu.memory_space<vmem>>, vector<16xi32>,
    tpu.vector_store %arg22[%swap3A_554], %shift_right_logical3A_553 {strides = array<i32>} : memref<128xi32, #tpu.memory_space<vmem>>, vector<16xi32>,
    %and3A_556 = arith.constant 15 : i32
    %and3A_557 = vector.broadcast %and3A_556 : i32 to vector<16xi32>
    %and3A_558 = arith.andi %get3A_548, %and3A_557 : vector<16xi32>
    %swap3A_559 = arith.constant 2 : i32
    %swap3A_560 = arith.index_cast %swap3A_559 : i32 to index
    %swap3A_561 = arith.constant 48 : index
    %swap3A_562 = tpu.vector_load %arg28[%swap3A_560, %swap3A_561] {strides = array<i32>} : memref<4x128xi32, #tpu.memory_space<vmem>>, vector<16xi32>,
    tpu.vector_store %arg28[%swap3A_560, %swap3A_561], %and3A_558 {strides = array<i32>} : memref<4x128xi32, #tpu.memory_space<vmem>>, vector<16xi32>,
    %shift_right_logical3A_563 = arith.constant 4 : i32
    %shift_right_logical3A_564 = vector.broadcast %shift_right_logical3A_563 : i32 to vector<16xi32>
    %shift_right_logical3A_565 = arith.shrui %get3A_550, %shift_right_logical3A_564 : vector<16xi32>
    %swap3A_566 = arith.constant 48 : index
    %swap3A_567 = tpu.vector_load %arg26[%swap3A_566] {strides = array<i32>} : memref<128xi32, #tpu.memory_space<vmem>>, vector<16xi32>,
    tpu.vector_store %arg26[%swap3A_566], %shift_right_logical3A_565 {strides = array<i32>} : memref<128xi32, #tpu.memory_space<vmem>>, vector<16xi32>,
    %and3A_568 = arith.constant 15 : i32
    %and3A_569 = vector.broadcast %and3A_568 : i32 to vector<16xi32>
    %and3A_570 = arith.andi %get3A_550, %and3A_569 : vector<16xi32>
    %swap3A_571 = arith.constant 2 : i32
    %swap3A_572 = arith.index_cast %swap3A_571 : i32 to index
    %swap3A_573 = arith.constant 48 : index
    %swap3A_574 = tpu.vector_load %arg29[%swap3A_572, %swap3A_573] {strides = array<i32>} : memref<4x128xi32, #tpu.memory_space<vmem>>, vector<16xi32>,
    tpu.vector_store %arg29[%swap3A_572, %swap3A_573], %and3A_570 {strides = array<i32>} : memref<4x128xi32, #tpu.memory_space<vmem>>, vector<16xi32>,
    %get3A_575 = arith.constant 64 : index
    %get3A_576 = tpu.vector_load %arg14[%get3A_575] {strides = array<i32>} : memref<128xi32, #tpu.memory_space<vmem>>, vector<16xi32>,
    %get3A_577 = arith.constant 64 : index
    %get3A_578 = tpu.vector_load %arg18[%get3A_577] {strides = array<i32>} : memref<128xi32, #tpu.memory_space<vmem>>, vector<16xi32>,
    %shift_right_logical3A_579 = arith.constant 4 : i32
    %shift_right_logical3A_580 = vector.broadcast %shift_right_logical3A_579 : i32 to vector<16xi32>
    %shift_right_logical3A_581 = arith.shrui %get3A_576, %shift_right_logical3A_580 : vector<16xi32>
    %swap3A_582 = arith.constant 64 : index
    %swap3A_583 = tpu.vector_load %arg22[%swap3A_582] {strides = array<i32>} : memref<128xi32, #tpu.memory_space<vmem>>, vector<16xi32>,
    tpu.vector_store %arg22[%swap3A_582], %shift_right_logical3A_581 {strides = array<i32>} : memref<128xi32, #tpu.memory_space<vmem>>, vector<16xi32>,
    %and3A_584 = arith.constant 15 : i32
    %and3A_585 = vector.broadcast %and3A_584 : i32 to vector<16xi32>
    %and3A_586 = arith.andi %get3A_576, %and3A_585 : vector<16xi32>
    %swap3A_587 = arith.constant 2 : i32
    %swap3A_588 = arith.index_cast %swap3A_587 : i32 to index
    %swap3A_589 = arith.constant 64 : index
    %swap3A_590 = tpu.vector_load %arg28[%swap3A_588, %swap3A_589] {strides = array<i32>} : memref<4x128xi32, #tpu.memory_space<vmem>>, vector<16xi32>,
    tpu.vector_store %arg28[%swap3A_588, %swap3A_589], %and3A_586 {strides = array<i32>} : memref<4x128xi32, #tpu.memory_space<vmem>>, vector<16xi32>,
    %shift_right_logical3A_591 = arith.constant 4 : i32
    %shift_right_logical3A_592 = vector.broadcast %shift_right_logical3A_591 : i32 to vector<16xi32>
    %shift_right_logical3A_593 = arith.shrui %get3A_578, %shift_right_logical3A_592 : vector<16xi32>
    %swap3A_594 = arith.constant 64 : index
    %swap3A_595 = tpu.vector_load %arg26[%swap3A_594] {strides = array<i32>} : memref<128xi32, #tpu.memory_space<vmem>>, vector<16xi32>,
    tpu.vector_store %arg26[%swap3A_594], %shift_right_logical3A_593 {strides = array<i32>} : memref<128xi32, #tpu.memory_space<vmem>>, vector<16xi32>,
    %and3A_596 = arith.constant 15 : i32
    %and3A_597 = vector.broadcast %and3A_596 : i32 to vector<16xi32>
    %and3A_598 = arith.andi %get3A_578, %and3A_597 : vector<16xi32>
    %swap3A_599 = arith.constant 2 : i32
    %swap3A_600 = arith.index_cast %swap3A_599 : i32 to index
    %swap3A_601 = arith.constant 64 : index
    %swap3A_602 = tpu.vector_load %arg29[%swap3A_600, %swap3A_601] {strides = array<i32>} : memref<4x128xi32, #tpu.memory_space<vmem>>, vector<16xi32>,
    tpu.vector_store %arg29[%swap3A_600, %swap3A_601], %and3A_598 {strides = array<i32>} : memref<4x128xi32, #tpu.memory_space<vmem>>, vector<16xi32>,
    %get3A_603 = arith.constant 80 : index
    %get3A_604 = tpu.vector_load %arg14[%get3A_603] {strides = array<i32>} : memref<128xi32, #tpu.memory_space<vmem>>, vector<16xi32>,
    %get3A_605 = arith.constant 80 : index
    %get3A_606 = tpu.vector_load %arg18[%get3A_605] {strides = array<i32>} : memref<128xi32, #tpu.memory_space<vmem>>, vector<16xi32>,
    %shift_right_logical3A_607 = arith.constant 4 : i32
    %shift_right_logical3A_608 = vector.broadcast %shift_right_logical3A_607 : i32 to vector<16xi32>
    %shift_right_logical3A_609 = arith.shrui %get3A_604, %shift_right_logical3A_608 : vector<16xi32>
    %swap3A_610 = arith.constant 80 : index
    %swap3A_611 = tpu.vector_load %arg22[%swap3A_610] {strides = array<i32>} : memref<128xi32, #tpu.memory_space<vmem>>, vector<16xi32>,
    tpu.vector_store %arg22[%swap3A_610], %shift_right_logical3A_609 {strides = array<i32>} : memref<128xi32, #tpu.memory_space<vmem>>, vector<16xi32>,
    %and3A_612 = arith.constant 15 : i32
    %and3A_613 = vector.broadcast %and3A_612 : i32 to vector<16xi32>
    %and3A_614 = arith.andi %get3A_604, %and3A_613 : vector<16xi32>
    %swap3A_615 = arith.constant 2 : i32
    %swap3A_616 = arith.index_cast %swap3A_615 : i32 to index
    %swap3A_617 = arith.constant 80 : index
    %swap3A_618 = tpu.vector_load %arg28[%swap3A_616, %swap3A_617] {strides = array<i32>} : memref<4x128xi32, #tpu.memory_space<vmem>>, vector<16xi32>,
    tpu.vector_store %arg28[%swap3A_616, %swap3A_617], %and3A_614 {strides = array<i32>} : memref<4x128xi32, #tpu.memory_space<vmem>>, vector<16xi32>,
    %shift_right_logical3A_619 = arith.constant 4 : i32
    %shift_right_logical3A_620 = vector.broadcast %shift_right_logical3A_619 : i32 to vector<16xi32>
    %shift_right_logical3A_621 = arith.shrui %get3A_606, %shift_right_logical3A_620 : vector<16xi32>
    %swap3A_622 = arith.constant 80 : index
    %swap3A_623 = tpu.vector_load %arg26[%swap3A_622] {strides = array<i32>} : memref<128xi32, #tpu.memory_space<vmem>>, vector<16xi32>,
    tpu.vector_store %arg26[%swap3A_622], %shift_right_logical3A_621 {strides = array<i32>} : memref<128xi32, #tpu.memory_space<vmem>>, vector<16xi32>,
    %and3A_624 = arith.constant 15 : i32
    %and3A_625 = vector.broadcast %and3A_624 : i32 to vector<16xi32>
    %and3A_626 = arith.andi %get3A_606, %and3A_625 : vector<16xi32>
    %swap3A_627 = arith.constant 2 : i32
    %swap3A_628 = arith.index_cast %swap3A_627 : i32 to index
    %swap3A_629 = arith.constant 80 : index
    %swap3A_630 = tpu.vector_load %arg29[%swap3A_628, %swap3A_629] {strides = array<i32>} : memref<4x128xi32, #tpu.memory_space<vmem>>, vector<16xi32>,
    tpu.vector_store %arg29[%swap3A_628, %swap3A_629], %and3A_626 {strides = array<i32>} : memref<4x128xi32, #tpu.memory_space<vmem>>, vector<16xi32>,
    %get3A_631 = arith.constant 96 : index
    %get3A_632 = tpu.vector_load %arg14[%get3A_631] {strides = array<i32>} : memref<128xi32, #tpu.memory_space<vmem>>, vector<16xi32>,
    %get3A_633 = arith.constant 96 : index
    %get3A_634 = tpu.vector_load %arg18[%get3A_633] {strides = array<i32>} : memref<128xi32, #tpu.memory_space<vmem>>, vector<16xi32>,
    %shift_right_logical3A_635 = arith.constant 4 : i32
    %shift_right_logical3A_636 = vector.broadcast %shift_right_logical3A_635 : i32 to vector<16xi32>
    %shift_right_logical3A_637 = arith.shrui %get3A_632, %shift_right_logical3A_636 : vector<16xi32>
    %swap3A_638 = arith.constant 96 : index
    %swap3A_639 = tpu.vector_load %arg22[%swap3A_638] {strides = array<i32>} : memref<128xi32, #tpu.memory_space<vmem>>, vector<16xi32>,
    tpu.vector_store %arg22[%swap3A_638], %shift_right_logical3A_637 {strides = array<i32>} : memref<128xi32, #tpu.memory_space<vmem>>, vector<16xi32>,
    %and3A_640 = arith.constant 15 : i32
    %and3A_641 = vector.broadcast %and3A_640 : i32 to vector<16xi32>
    %and3A_642 = arith.andi %get3A_632, %and3A_641 : vector<16xi32>
    %swap3A_643 = arith.constant 2 : i32
    %swap3A_644 = arith.index_cast %swap3A_643 : i32 to index
    %swap3A_645 = arith.constant 96 : index
    %swap3A_646 = tpu.vector_load %arg28[%swap3A_644, %swap3A_645] {strides = array<i32>} : memref<4x128xi32, #tpu.memory_space<vmem>>, vector<16xi32>,
    tpu.vector_store %arg28[%swap3A_644, %swap3A_645], %and3A_642 {strides = array<i32>} : memref<4x128xi32, #tpu.memory_space<vmem>>, vector<16xi32>,
    %shift_right_logical3A_647 = arith.constant 4 : i32
    %shift_right_logical3A_648 = vector.broadcast %shift_right_logical3A_647 : i32 to vector<16xi32>
    %shift_right_logical3A_649 = arith.shrui %get3A_634, %shift_right_logical3A_648 : vector<16xi32>
    %swap3A_650 = arith.constant 96 : index
    %swap3A_651 = tpu.vector_load %arg26[%swap3A_650] {strides = array<i32>} : memref<128xi32, #tpu.memory_space<vmem>>, vector<16xi32>,
    tpu.vector_store %arg26[%swap3A_650], %shift_right_logical3A_649 {strides = array<i32>} : memref<128xi32, #tpu.memory_space<vmem>>, vector<16xi32>,
    %and3A_652 = arith.constant 15 : i32
    %and3A_653 = vector.broadcast %and3A_652 : i32 to vector<16xi32>
    %and3A_654 = arith.andi %get3A_634, %and3A_653 : vector<16xi32>
    %swap3A_655 = arith.constant 2 : i32
    %swap3A_656 = arith.index_cast %swap3A_655 : i32 to index
    %swap3A_657 = arith.constant 96 : index
    %swap3A_658 = tpu.vector_load %arg29[%swap3A_656, %swap3A_657] {strides = array<i32>} : memref<4x128xi32, #tpu.memory_space<vmem>>, vector<16xi32>,
    tpu.vector_store %arg29[%swap3A_656, %swap3A_657], %and3A_654 {strides = array<i32>} : memref<4x128xi32, #tpu.memory_space<vmem>>, vector<16xi32>,
    %get3A_659 = arith.constant 112 : index
    %get3A_660 = tpu.vector_load %arg14[%get3A_659] {strides = array<i32>} : memref<128xi32, #tpu.memory_space<vmem>>, vector<16xi32>,
    %get3A_661 = arith.constant 112 : index
    %get3A_662 = tpu.vector_load %arg18[%get3A_661] {strides = array<i32>} : memref<128xi32, #tpu.memory_space<vmem>>, vector<16xi32>,
    %shift_right_logical3A_663 = arith.constant 4 : i32
    %shift_right_logical3A_664 = vector.broadcast %shift_right_logical3A_663 : i32 to vector<16xi32>
    %shift_right_logical3A_665 = arith.shrui %get3A_660, %shift_right_logical3A_664 : vector<16xi32>
    %swap3A_666 = arith.constant 112 : index
    %swap3A_667 = tpu.vector_load %arg22[%swap3A_666] {strides = array<i32>} : memref<128xi32, #tpu.memory_space<vmem>>, vector<16xi32>,
    tpu.vector_store %arg22[%swap3A_666], %shift_right_logical3A_665 {strides = array<i32>} : memref<128xi32, #tpu.memory_space<vmem>>, vector<16xi32>,
    %and3A_668 = arith.constant 15 : i32
    %and3A_669 = vector.broadcast %and3A_668 : i32 to vector<16xi32>
    %and3A_670 = arith.andi %get3A_660, %and3A_669 : vector<16xi32>
    %swap3A_671 = arith.constant 2 : i32
    %swap3A_672 = arith.index_cast %swap3A_671 : i32 to index
    %swap3A_673 = arith.constant 112 : index
    %swap3A_674 = tpu.vector_load %arg28[%swap3A_672, %swap3A_673] {strides = array<i32>} : memref<4x128xi32, #tpu.memory_space<vmem>>, vector<16xi32>,
    tpu.vector_store %arg28[%swap3A_672, %swap3A_673], %and3A_670 {strides = array<i32>} : memref<4x128xi32, #tpu.memory_space<vmem>>, vector<16xi32>,
    %shift_right_logical3A_675 = arith.constant 4 : i32
    %shift_right_logical3A_676 = vector.broadcast %shift_right_logical3A_675 : i32 to vector<16xi32>
    %shift_right_logical3A_677 = arith.shrui %get3A_662, %shift_right_logical3A_676 : vector<16xi32>
    %swap3A_678 = arith.constant 112 : index
    %swap3A_679 = tpu.vector_load %arg26[%swap3A_678] {strides = array<i32>} : memref<128xi32, #tpu.memory_space<vmem>>, vector<16xi32>,
    tpu.vector_store %arg26[%swap3A_678], %shift_right_logical3A_677 {strides = array<i32>} : memref<128xi32, #tpu.memory_space<vmem>>, vector<16xi32>,
    %and3A_680 = arith.constant 15 : i32
    %and3A_681 = vector.broadcast %and3A_680 : i32 to vector<16xi32>
    %and3A_682 = arith.andi %get3A_662, %and3A_681 : vector<16xi32>
    %swap3A_683 = arith.constant 2 : i32
    %swap3A_684 = arith.index_cast %swap3A_683 : i32 to index
    %swap3A_685 = arith.constant 112 : index
    %swap3A_686 = tpu.vector_load %arg29[%swap3A_684, %swap3A_685] {strides = array<i32>} : memref<4x128xi32, #tpu.memory_space<vmem>>, vector<16xi32>,
    tpu.vector_store %arg29[%swap3A_684, %swap3A_685], %and3A_682 {strides = array<i32>} : memref<4x128xi32, #tpu.memory_space<vmem>>, vector<16xi32>,
    %get3A_687 = arith.constant 0 : index
    %get3A_688 = tpu.vector_load %arg15[%get3A_687] {strides = array<i32>} : memref<128xi32, #tpu.memory_space<vmem>>, vector<16xi32>,
    %get3A_689 = arith.constant 0 : index
    %get3A_690 = tpu.vector_load %arg19[%get3A_689] {strides = array<i32>} : memref<128xi32, #tpu.memory_space<vmem>>, vector<16xi32>,
    %shift_right_logical3A_691 = arith.constant 4 : i32
    %shift_right_logical3A_692 = vector.broadcast %shift_right_logical3A_691 : i32 to vector<16xi32>
    %shift_right_logical3A_693 = arith.shrui %get3A_688, %shift_right_logical3A_692 : vector<16xi32>
    %swap3A_694 = arith.constant 0 : index
    %swap3A_695 = tpu.vector_load %arg23[%swap3A_694] {strides = array<i32>} : memref<128xi32, #tpu.memory_space<vmem>>, vector<16xi32>,
    tpu.vector_store %arg23[%swap3A_694], %shift_right_logical3A_693 {strides = array<i32>} : memref<128xi32, #tpu.memory_space<vmem>>, vector<16xi32>,
    %and3A_696 = arith.constant 15 : i32
    %and3A_697 = vector.broadcast %and3A_696 : i32 to vector<16xi32>
    %and3A_698 = arith.andi %get3A_688, %and3A_697 : vector<16xi32>
    %swap3A_699 = arith.constant 3 : i32
    %swap3A_700 = arith.index_cast %swap3A_699 : i32 to index
    %swap3A_701 = arith.constant 0 : index
    %swap3A_702 = tpu.vector_load %arg28[%swap3A_700, %swap3A_701] {strides = array<i32>} : memref<4x128xi32, #tpu.memory_space<vmem>>, vector<16xi32>,
    tpu.vector_store %arg28[%swap3A_700, %swap3A_701], %and3A_698 {strides = array<i32>} : memref<4x128xi32, #tpu.memory_space<vmem>>, vector<16xi32>,
    %shift_right_logical3A_703 = arith.constant 4 : i32
    %shift_right_logical3A_704 = vector.broadcast %shift_right_logical3A_703 : i32 to vector<16xi32>
    %shift_right_logical3A_705 = arith.shrui %get3A_690, %shift_right_logical3A_704 : vector<16xi32>
    %swap3A_706 = arith.constant 0 : index
    %swap3A_707 = tpu.vector_load %arg27[%swap3A_706] {strides = array<i32>} : memref<128xi32, #tpu.memory_space<vmem>>, vector<16xi32>,
    tpu.vector_store %arg27[%swap3A_706], %shift_right_logical3A_705 {strides = array<i32>} : memref<128xi32, #tpu.memory_space<vmem>>, vector<16xi32>,
    %and3A_708 = arith.constant 15 : i32
    %and3A_709 = vector.broadcast %and3A_708 : i32 to vector<16xi32>
    %and3A_710 = arith.andi %get3A_690, %and3A_709 : vector<16xi32>
    %swap3A_711 = arith.constant 3 : i32
    %swap3A_712 = arith.index_cast %swap3A_711 : i32 to index
    %swap3A_713 = arith.constant 0 : index
    %swap3A_714 = tpu.vector_load %arg29[%swap3A_712, %swap3A_713] {strides = array<i32>} : memref<4x128xi32, #tpu.memory_space<vmem>>, vector<16xi32>,
    tpu.vector_store %arg29[%swap3A_712, %swap3A_713], %and3A_710 {strides = array<i32>} : memref<4x128xi32, #tpu.memory_space<vmem>>, vector<16xi32>,
    %get3A_715 = arith.constant 16 : index
    %get3A_716 = tpu.vector_load %arg15[%get3A_715] {strides = array<i32>} : memref<128xi32, #tpu.memory_space<vmem>>, vector<16xi32>,
    %get3A_717 = arith.constant 16 : index
    %get3A_718 = tpu.vector_load %arg19[%get3A_717] {strides = array<i32>} : memref<128xi32, #tpu.memory_space<vmem>>, vector<16xi32>,
    %shift_right_logical3A_719 = arith.constant 4 : i32
    %shift_right_logical3A_720 = vector.broadcast %shift_right_logical3A_719 : i32 to vector<16xi32>
    %shift_right_logical3A_721 = arith.shrui %get3A_716, %shift_right_logical3A_720 : vector<16xi32>
    %swap3A_722 = arith.constant 16 : index
    %swap3A_723 = tpu.vector_load %arg23[%swap3A_722] {strides = array<i32>} : memref<128xi32, #tpu.memory_space<vmem>>, vector<16xi32>,
    tpu.vector_store %arg23[%swap3A_722], %shift_right_logical3A_721 {strides = array<i32>} : memref<128xi32, #tpu.memory_space<vmem>>, vector<16xi32>,
    %and3A_724 = arith.constant 15 : i32
    %and3A_725 = vector.broadcast %and3A_724 : i32 to vector<16xi32>
    %and3A_726 = arith.andi %get3A_716, %and3A_725 : vector<16xi32>
    %swap3A_727 = arith.constant 3 : i32
    %swap3A_728 = arith.index_cast %swap3A_727 : i32 to index
    %swap3A_729 = arith.constant 16 : index
    %swap3A_730 = tpu.vector_load %arg28[%swap3A_728, %swap3A_729] {strides = array<i32>} : memref<4x128xi32, #tpu.memory_space<vmem>>, vector<16xi32>,
    tpu.vector_store %arg28[%swap3A_728, %swap3A_729], %and3A_726 {strides = array<i32>} : memref<4x128xi32, #tpu.memory_space<vmem>>, vector<16xi32>,
    %shift_right_logical3A_731 = arith.constant 4 : i32
    %shift_right_logical3A_732 = vector.broadcast %shift_right_logical3A_731 : i32 to vector<16xi32>
    %shift_right_logical3A_733 = arith.shrui %get3A_718, %shift_right_logical3A_732 : vector<16xi32>
    %swap3A_734 = arith.constant 16 : index
    %swap3A_735 = tpu.vector_load %arg27[%swap3A_734] {strides = array<i32>} : memref<128xi32, #tpu.memory_space<vmem>>, vector<16xi32>,
    tpu.vector_store %arg27[%swap3A_734], %shift_right_logical3A_733 {strides = array<i32>} : memref<128xi32, #tpu.memory_space<vmem>>, vector<16xi32>,
    %and3A_736 = arith.constant 15 : i32
    %and3A_737 = vector.broadcast %and3A_736 : i32 to vector<16xi32>
    %and3A_738 = arith.andi %get3A_718, %and3A_737 : vector<16xi32>
    %swap3A_739 = arith.constant 3 : i32
    %swap3A_740 = arith.index_cast %swap3A_739 : i32 to index
    %swap3A_741 = arith.constant 16 : index
    %swap3A_742 = tpu.vector_load %arg29[%swap3A_740, %swap3A_741] {strides = array<i32>} : memref<4x128xi32, #tpu.memory_space<vmem>>, vector<16xi32>,
    tpu.vector_store %arg29[%swap3A_740, %swap3A_741], %and3A_738 {strides = array<i32>} : memref<4x128xi32, #tpu.memory_space<vmem>>, vector<16xi32>,
    %get3A_743 = arith.constant 32 : index
    %get3A_744 = tpu.vector_load %arg15[%get3A_743] {strides = array<i32>} : memref<128xi32, #tpu.memory_space<vmem>>, vector<16xi32>,
    %get3A_745 = arith.constant 32 : index
    %get3A_746 = tpu.vector_load %arg19[%get3A_745] {strides = array<i32>} : memref<128xi32, #tpu.memory_space<vmem>>, vector<16xi32>,
    %shift_right_logical3A_747 = arith.constant 4 : i32
    %shift_right_logical3A_748 = vector.broadcast %shift_right_logical3A_747 : i32 to vector<16xi32>
    %shift_right_logical3A_749 = arith.shrui %get3A_744, %shift_right_logical3A_748 : vector<16xi32>
    %swap3A_750 = arith.constant 32 : index
    %swap3A_751 = tpu.vector_load %arg23[%swap3A_750] {strides = array<i32>} : memref<128xi32, #tpu.memory_space<vmem>>, vector<16xi32>,
    tpu.vector_store %arg23[%swap3A_750], %shift_right_logical3A_749 {strides = array<i32>} : memref<128xi32, #tpu.memory_space<vmem>>, vector<16xi32>,
    %and3A_752 = arith.constant 15 : i32
    %and3A_753 = vector.broadcast %and3A_752 : i32 to vector<16xi32>
    %and3A_754 = arith.andi %get3A_744, %and3A_753 : vector<16xi32>
    %swap3A_755 = arith.constant 3 : i32
    %swap3A_756 = arith.index_cast %swap3A_755 : i32 to index
    %swap3A_757 = arith.constant 32 : index
    %swap3A_758 = tpu.vector_load %arg28[%swap3A_756, %swap3A_757] {strides = array<i32>} : memref<4x128xi32, #tpu.memory_space<vmem>>, vector<16xi32>,
    tpu.vector_store %arg28[%swap3A_756, %swap3A_757], %and3A_754 {strides = array<i32>} : memref<4x128xi32, #tpu.memory_space<vmem>>, vector<16xi32>,
    %shift_right_logical3A_759 = arith.constant 4 : i32
    %shift_right_logical3A_760 = vector.broadcast %shift_right_logical3A_759 : i32 to vector<16xi32>
    %shift_right_logical3A_761 = arith.shrui %get3A_746, %shift_right_logical3A_760 : vector<16xi32>
    %swap3A_762 = arith.constant 32 : index
    %swap3A_763 = tpu.vector_load %arg27[%swap3A_762] {strides = array<i32>} : memref<128xi32, #tpu.memory_space<vmem>>, vector<16xi32>,
    tpu.vector_store %arg27[%swap3A_762], %shift_right_logical3A_761 {strides = array<i32>} : memref<128xi32, #tpu.memory_space<vmem>>, vector<16xi32>,
    %and3A_764 = arith.constant 15 : i32
    %and3A_765 = vector.broadcast %and3A_764 : i32 to vector<16xi32>
    %and3A_766 = arith.andi %get3A_746, %and3A_765 : vector<16xi32>
    %swap3A_767 = arith.constant 3 : i32
    %swap3A_768 = arith.index_cast %swap3A_767 : i32 to index
    %swap3A_769 = arith.constant 32 : index
    %swap3A_770 = tpu.vector_load %arg29[%swap3A_768, %swap3A_769] {strides = array<i32>} : memref<4x128xi32, #tpu.memory_space<vmem>>, vector<16xi32>,
    tpu.vector_store %arg29[%swap3A_768, %swap3A_769], %and3A_766 {strides = array<i32>} : memref<4x128xi32, #tpu.memory_space<vmem>>, vector<16xi32>,
    %get3A_771 = arith.constant 48 : index
    %get3A_772 = tpu.vector_load %arg15[%get3A_771] {strides = array<i32>} : memref<128xi32, #tpu.memory_space<vmem>>, vector<16xi32>,
    %get3A_773 = arith.constant 48 : index
    %get3A_774 = tpu.vector_load %arg19[%get3A_773] {strides = array<i32>} : memref<128xi32, #tpu.memory_space<vmem>>, vector<16xi32>,
    %shift_right_logical3A_775 = arith.constant 4 : i32
    %shift_right_logical3A_776 = vector.broadcast %shift_right_logical3A_775 : i32 to vector<16xi32>
    %shift_right_logical3A_777 = arith.shrui %get3A_772, %shift_right_logical3A_776 : vector<16xi32>
    %swap3A_778 = arith.constant 48 : index
    %swap3A_779 = tpu.vector_load %arg23[%swap3A_778] {strides = array<i32>} : memref<128xi32, #tpu.memory_space<vmem>>, vector<16xi32>,
    tpu.vector_store %arg23[%swap3A_778], %shift_right_logical3A_777 {strides = array<i32>} : memref<128xi32, #tpu.memory_space<vmem>>, vector<16xi32>,
    %and3A_780 = arith.constant 15 : i32
    %and3A_781 = vector.broadcast %and3A_780 : i32 to vector<16xi32>
    %and3A_782 = arith.andi %get3A_772, %and3A_781 : vector<16xi32>
    %swap3A_783 = arith.constant 3 : i32
    %swap3A_784 = arith.index_cast %swap3A_783 : i32 to index
    %swap3A_785 = arith.constant 48 : index
    %swap3A_786 = tpu.vector_load %arg28[%swap3A_784, %swap3A_785] {strides = array<i32>} : memref<4x128xi32, #tpu.memory_space<vmem>>, vector<16xi32>,
    tpu.vector_store %arg28[%swap3A_784, %swap3A_785], %and3A_782 {strides = array<i32>} : memref<4x128xi32, #tpu.memory_space<vmem>>, vector<16xi32>,
    %shift_right_logical3A_787 = arith.constant 4 : i32
    %shift_right_logical3A_788 = vector.broadcast %shift_right_logical3A_787 : i32 to vector<16xi32>
    %shift_right_logical3A_789 = arith.shrui %get3A_774, %shift_right_logical3A_788 : vector<16xi32>
    %swap3A_790 = arith.constant 48 : index
    %swap3A_791 = tpu.vector_load %arg27[%swap3A_790] {strides = array<i32>} : memref<128xi32, #tpu.memory_space<vmem>>, vector<16xi32>,
    tpu.vector_store %arg27[%swap3A_790], %shift_right_logical3A_789 {strides = array<i32>} : memref<128xi32, #tpu.memory_space<vmem>>, vector<16xi32>,
    %and3A_792 = arith.constant 15 : i32
    %and3A_793 = vector.broadcast %and3A_792 : i32 to vector<16xi32>
    %and3A_794 = arith.andi %get3A_774, %and3A_793 : vector<16xi32>
    %swap3A_795 = arith.constant 3 : i32
    %swap3A_796 = arith.index_cast %swap3A_795 : i32 to index
    %swap3A_797 = arith.constant 48 : index
    %swap3A_798 = tpu.vector_load %arg29[%swap3A_796, %swap3A_797] {strides = array<i32>} : memref<4x128xi32, #tpu.memory_space<vmem>>, vector<16xi32>,
    tpu.vector_store %arg29[%swap3A_796, %swap3A_797], %and3A_794 {strides = array<i32>} : memref<4x128xi32, #tpu.memory_space<vmem>>, vector<16xi32>,
    %get3A_799 = arith.constant 64 : index
    %get3A_800 = tpu.vector_load %arg15[%get3A_799] {strides = array<i32>} : memref<128xi32, #tpu.memory_space<vmem>>, vector<16xi32>,
    %get3A_801 = arith.constant 64 : index
    %get3A_802 = tpu.vector_load %arg19[%get3A_801] {strides = array<i32>} : memref<128xi32, #tpu.memory_space<vmem>>, vector<16xi32>,
    %shift_right_logical3A_803 = arith.constant 4 : i32
    %shift_right_logical3A_804 = vector.broadcast %shift_right_logical3A_803 : i32 to vector<16xi32>
    %shift_right_logical3A_805 = arith.shrui %get3A_800, %shift_right_logical3A_804 : vector<16xi32>
    %swap3A_806 = arith.constant 64 : index
    %swap3A_807 = tpu.vector_load %arg23[%swap3A_806] {strides = array<i32>} : memref<128xi32, #tpu.memory_space<vmem>>, vector<16xi32>,
    tpu.vector_store %arg23[%swap3A_806], %shift_right_logical3A_805 {strides = array<i32>} : memref<128xi32, #tpu.memory_space<vmem>>, vector<16xi32>,
    %and3A_808 = arith.constant 15 : i32
    %and3A_809 = vector.broadcast %and3A_808 : i32 to vector<16xi32>
    %and3A_810 = arith.andi %get3A_800, %and3A_809 : vector<16xi32>
    %swap3A_811 = arith.constant 3 : i32
    %swap3A_812 = arith.index_cast %swap3A_811 : i32 to index
    %swap3A_813 = arith.constant 64 : index
    %swap3A_814 = tpu.vector_load %arg28[%swap3A_812, %swap3A_813] {strides = array<i32>} : memref<4x128xi32, #tpu.memory_space<vmem>>, vector<16xi32>,
    tpu.vector_store %arg28[%swap3A_812, %swap3A_813], %and3A_810 {strides = array<i32>} : memref<4x128xi32, #tpu.memory_space<vmem>>, vector<16xi32>,
    %shift_right_logical3A_815 = arith.constant 4 : i32
    %shift_right_logical3A_816 = vector.broadcast %shift_right_logical3A_815 : i32 to vector<16xi32>
    %shift_right_logical3A_817 = arith.shrui %get3A_802, %shift_right_logical3A_816 : vector<16xi32>
    %swap3A_818 = arith.constant 64 : index
    %swap3A_819 = tpu.vector_load %arg27[%swap3A_818] {strides = array<i32>} : memref<128xi32, #tpu.memory_space<vmem>>, vector<16xi32>,
    tpu.vector_store %arg27[%swap3A_818], %shift_right_logical3A_817 {strides = array<i32>} : memref<128xi32, #tpu.memory_space<vmem>>, vector<16xi32>,
    %and3A_820 = arith.constant 15 : i32
    %and3A_821 = vector.broadcast %and3A_820 : i32 to vector<16xi32>
    %and3A_822 = arith.andi %get3A_802, %and3A_821 : vector<16xi32>
    %swap3A_823 = arith.constant 3 : i32
    %swap3A_824 = arith.index_cast %swap3A_823 : i32 to index
    %swap3A_825 = arith.constant 64 : index
    %swap3A_826 = tpu.vector_load %arg29[%swap3A_824, %swap3A_825] {strides = array<i32>} : memref<4x128xi32, #tpu.memory_space<vmem>>, vector<16xi32>,
    tpu.vector_store %arg29[%swap3A_824, %swap3A_825], %and3A_822 {strides = array<i32>} : memref<4x128xi32, #tpu.memory_space<vmem>>, vector<16xi32>,
    %get3A_827 = arith.constant 80 : index
    %get3A_828 = tpu.vector_load %arg15[%get3A_827] {strides = array<i32>} : memref<128xi32, #tpu.memory_space<vmem>>, vector<16xi32>,
    %get3A_829 = arith.constant 80 : index
    %get3A_830 = tpu.vector_load %arg19[%get3A_829] {strides = array<i32>} : memref<128xi32, #tpu.memory_space<vmem>>, vector<16xi32>,
    %shift_right_logical3A_831 = arith.constant 4 : i32
    %shift_right_logical3A_832 = vector.broadcast %shift_right_logical3A_831 : i32 to vector<16xi32>
    %shift_right_logical3A_833 = arith.shrui %get3A_828, %shift_right_logical3A_832 : vector<16xi32>
    %swap3A_834 = arith.constant 80 : index
    %swap3A_835 = tpu.vector_load %arg23[%swap3A_834] {strides = array<i32>} : memref<128xi32, #tpu.memory_space<vmem>>, vector<16xi32>,
    tpu.vector_store %arg23[%swap3A_834], %shift_right_logical3A_833 {strides = array<i32>} : memref<128xi32, #tpu.memory_space<vmem>>, vector<16xi32>,
    %and3A_836 = arith.constant 15 : i32
    %and3A_837 = vector.broadcast %and3A_836 : i32 to vector<16xi32>
    %and3A_838 = arith.andi %get3A_828, %and3A_837 : vector<16xi32>
    %swap3A_839 = arith.constant 3 : i32
    %swap3A_840 = arith.index_cast %swap3A_839 : i32 to index
    %swap3A_841 = arith.constant 80 : index
    %swap3A_842 = tpu.vector_load %arg28[%swap3A_840, %swap3A_841] {strides = array<i32>} : memref<4x128xi32, #tpu.memory_space<vmem>>, vector<16xi32>,
    tpu.vector_store %arg28[%swap3A_840, %swap3A_841], %and3A_838 {strides = array<i32>} : memref<4x128xi32, #tpu.memory_space<vmem>>, vector<16xi32>,
    %shift_right_logical3A_843 = arith.constant 4 : i32
    %shift_right_logical3A_844 = vector.broadcast %shift_right_logical3A_843 : i32 to vector<16xi32>
    %shift_right_logical3A_845 = arith.shrui %get3A_830, %shift_right_logical3A_844 : vector<16xi32>
    %swap3A_846 = arith.constant 80 : index
    %swap3A_847 = tpu.vector_load %arg27[%swap3A_846] {strides = array<i32>} : memref<128xi32, #tpu.memory_space<vmem>>, vector<16xi32>,
    tpu.vector_store %arg27[%swap3A_846], %shift_right_logical3A_845 {strides = array<i32>} : memref<128xi32, #tpu.memory_space<vmem>>, vector<16xi32>,
    %and3A_848 = arith.constant 15 : i32
    %and3A_849 = vector.broadcast %and3A_848 : i32 to vector<16xi32>
    %and3A_850 = arith.andi %get3A_830, %and3A_849 : vector<16xi32>
    %swap3A_851 = arith.constant 3 : i32
    %swap3A_852 = arith.index_cast %swap3A_851 : i32 to index
    %swap3A_853 = arith.constant 80 : index
    %swap3A_854 = tpu.vector_load %arg29[%swap3A_852, %swap3A_853] {strides = array<i32>} : memref<4x128xi32, #tpu.memory_space<vmem>>, vector<16xi32>,
    tpu.vector_store %arg29[%swap3A_852, %swap3A_853], %and3A_850 {strides = array<i32>} : memref<4x128xi32, #tpu.memory_space<vmem>>, vector<16xi32>,
    %get3A_855 = arith.constant 96 : index
    %get3A_856 = tpu.vector_load %arg15[%get3A_855] {strides = array<i32>} : memref<128xi32, #tpu.memory_space<vmem>>, vector<16xi32>,
    %get3A_857 = arith.constant 96 : index
    %get3A_858 = tpu.vector_load %arg19[%get3A_857] {strides = array<i32>} : memref<128xi32, #tpu.memory_space<vmem>>, vector<16xi32>,
    %shift_right_logical3A_859 = arith.constant 4 : i32
    %shift_right_logical3A_860 = vector.broadcast %shift_right_logical3A_859 : i32 to vector<16xi32>
    %shift_right_logical3A_861 = arith.shrui %get3A_856, %shift_right_logical3A_860 : vector<16xi32>
    %swap3A_862 = arith.constant 96 : index
    %swap3A_863 = tpu.vector_load %arg23[%swap3A_862] {strides = array<i32>} : memref<128xi32, #tpu.memory_space<vmem>>, vector<16xi32>,
    tpu.vector_store %arg23[%swap3A_862], %shift_right_logical3A_861 {strides = array<i32>} : memref<128xi32, #tpu.memory_space<vmem>>, vector<16xi32>,
    %and3A_864 = arith.constant 15 : i32
    %and3A_865 = vector.broadcast %and3A_864 : i32 to vector<16xi32>
    %and3A_866 = arith.andi %get3A_856, %and3A_865 : vector<16xi32>
    %swap3A_867 = arith.constant 3 : i32
    %swap3A_868 = arith.index_cast %swap3A_867 : i32 to index
    %swap3A_869 = arith.constant 96 : index
    %swap3A_870 = tpu.vector_load %arg28[%swap3A_868, %swap3A_869] {strides = array<i32>} : memref<4x128xi32, #tpu.memory_space<vmem>>, vector<16xi32>,
    tpu.vector_store %arg28[%swap3A_868, %swap3A_869], %and3A_866 {strides = array<i32>} : memref<4x128xi32, #tpu.memory_space<vmem>>, vector<16xi32>,
    %shift_right_logical3A_871 = arith.constant 4 : i32
    %shift_right_logical3A_872 = vector.broadcast %shift_right_logical3A_871 : i32 to vector<16xi32>
    %shift_right_logical3A_873 = arith.shrui %get3A_858, %shift_right_logical3A_872 : vector<16xi32>
    %swap3A_874 = arith.constant 96 : index
    %swap3A_875 = tpu.vector_load %arg27[%swap3A_874] {strides = array<i32>} : memref<128xi32, #tpu.memory_space<vmem>>, vector<16xi32>,
    tpu.vector_store %arg27[%swap3A_874], %shift_right_logical3A_873 {strides = array<i32>} : memref<128xi32, #tpu.memory_space<vmem>>, vector<16xi32>,
    %and3A_876 = arith.constant 15 : i32
    %and3A_877 = vector.broadcast %and3A_876 : i32 to vector<16xi32>
    %and3A_878 = arith.andi %get3A_858, %and3A_877 : vector<16xi32>
    %swap3A_879 = arith.constant 3 : i32
    %swap3A_880 = arith.index_cast %swap3A_879 : i32 to index
    %swap3A_881 = arith.constant 96 : index
    %swap3A_882 = tpu.vector_load %arg29[%swap3A_880, %swap3A_881] {strides = array<i32>} : memref<4x128xi32, #tpu.memory_space<vmem>>, vector<16xi32>,
    tpu.vector_store %arg29[%swap3A_880, %swap3A_881], %and3A_878 {strides = array<i32>} : memref<4x128xi32, #tpu.memory_space<vmem>>, vector<16xi32>,
    %get3A_883 = arith.constant 112 : index
    %get3A_884 = tpu.vector_load %arg15[%get3A_883] {strides = array<i32>} : memref<128xi32, #tpu.memory_space<vmem>>, vector<16xi32>,
    %get3A_885 = arith.constant 112 : index
    %get3A_886 = tpu.vector_load %arg19[%get3A_885] {strides = array<i32>} : memref<128xi32, #tpu.memory_space<vmem>>, vector<16xi32>,
    %shift_right_logical3A_887 = arith.constant 4 : i32
    %shift_right_logical3A_888 = vector.broadcast %shift_right_logical3A_887 : i32 to vector<16xi32>
    %shift_right_logical3A_889 = arith.shrui %get3A_884, %shift_right_logical3A_888 : vector<16xi32>
    %swap3A_890 = arith.constant 112 : index
    %swap3A_891 = tpu.vector_load %arg23[%swap3A_890] {strides = array<i32>} : memref<128xi32, #tpu.memory_space<vmem>>, vector<16xi32>,
    tpu.vector_store %arg23[%swap3A_890], %shift_right_logical3A_889 {strides = array<i32>} : memref<128xi32, #tpu.memory_space<vmem>>, vector<16xi32>,
    %and3A_892 = arith.constant 15 : i32
    %and3A_893 = vector.broadcast %and3A_892 : i32 to vector<16xi32>
    %and3A_894 = arith.andi %get3A_884, %and3A_893 : vector<16xi32>
    %swap3A_895 = arith.constant 3 : i32
    %swap3A_896 = arith.index_cast %swap3A_895 : i32 to index
    %swap3A_897 = arith.constant 112 : index
    %swap3A_898 = tpu.vector_load %arg28[%swap3A_896, %swap3A_897] {strides = array<i32>} : memref<4x128xi32, #tpu.memory_space<vmem>>, vector<16xi32>,
    tpu.vector_store %arg28[%swap3A_896, %swap3A_897], %and3A_894 {strides = array<i32>} : memref<4x128xi32, #tpu.memory_space<vmem>>, vector<16xi32>,
    %shift_right_logical3A_899 = arith.constant 4 : i32
    %shift_right_logical3A_900 = vector.broadcast %shift_right_logical3A_899 : i32 to vector<16xi32>
    %shift_right_logical3A_901 = arith.shrui %get3A_886, %shift_right_logical3A_900 : vector<16xi32>
    %swap3A_902 = arith.constant 112 : index
    %swap3A_903 = tpu.vector_load %arg27[%swap3A_902] {strides = array<i32>} : memref<128xi32, #tpu.memory_space<vmem>>, vector<16xi32>,
    tpu.vector_store %arg27[%swap3A_902], %shift_right_logical3A_901 {strides = array<i32>} : memref<128xi32, #tpu.memory_space<vmem>>, vector<16xi32>,
    %and3A_904 = arith.constant 15 : i32
    %and3A_905 = vector.broadcast %and3A_904 : i32 to vector<16xi32>
    %and3A_906 = arith.andi %get3A_886, %and3A_905 : vector<16xi32>
    %swap3A_907 = arith.constant 3 : i32
    %swap3A_908 = arith.index_cast %swap3A_907 : i32 to index
    %swap3A_909 = arith.constant 112 : index
    %swap3A_910 = tpu.vector_load %arg29[%swap3A_908, %swap3A_909] {strides = array<i32>} : memref<4x128xi32, #tpu.memory_space<vmem>>, vector<16xi32>,
    tpu.vector_store %arg29[%swap3A_908, %swap3A_909], %and3A_906 {strides = array<i32>} : memref<4x128xi32, #tpu.memory_space<vmem>>, vector<16xi32>,
    %dma_start3A = arith.constant 0 : i32
    %dma_start3A_911 = arith.constant 0 : i32
    %dma_start3A_912 = tpu.memref_slice %arg30[%dma_start3A, %dma_start3A_911] : memref<512x64xf32, #tpu.memory_space<vmem>> -> memref<128x64xf32, #tpu.memory_space<vmem>>
    %dma_start3A_913 = arith.constant 0 : i32
    %dma_start3A_914 = arith.constant 0 : i32
    %dma_start3A_915 = tpu.memref_slice %arg4[%dma_start3A_913, %dma_start3A_914] : memref<1000000x64xf32, #tpu.memory_space<hbm>> -> memref<1000000x64xf32, #tpu.memory_space<hbm>>
    tpu.enqueue_indirect_dma source(%dma_start3A_915 : memref<1000000x64xf32, #tpu.memory_space<hbm>>) target(%dma_start3A_912 : memref<128x64xf32, #tpu.memory_space<vmem>>) offsets(%arg12 : memref<128xi32, #tpu.memory_space<vmem>>) semaphore(%arg36 : memref<!tpu.dma_semaphore, #tpu.memory_space<semaphore_mem>>)
    %dma_start3A_916 = arith.constant 0 : i32
    %dma_start3A_917 = arith.constant 0 : i32
    %dma_start3A_918 = tpu.memref_slice %arg31[%dma_start3A_916, %dma_start3A_917] : memref<512x64xf32, #tpu.memory_space<vmem>> -> memref<128x64xf32, #tpu.memory_space<vmem>>
    %dma_start3A_919 = arith.constant 0 : i32
    %dma_start3A_920 = arith.constant 0 : i32
    %dma_start3A_921 = tpu.memref_slice %arg5[%dma_start3A_919, %dma_start3A_920] : memref<100000x64xf32, #tpu.memory_space<hbm>> -> memref<100000x64xf32, #tpu.memory_space<hbm>>
    tpu.enqueue_indirect_dma source(%dma_start3A_921 : memref<100000x64xf32, #tpu.memory_space<hbm>>) target(%dma_start3A_918 : memref<128x64xf32, #tpu.memory_space<vmem>>) offsets(%arg16 : memref<128xi32, #tpu.memory_space<vmem>>) semaphore(%arg36 : memref<!tpu.dma_semaphore, #tpu.memory_space<semaphore_mem>>)
    %dma_start3A_922 = arith.constant 0 : i32
    %dma_start3A_923 = arith.constant 0 : i32
    %dma_start3A_924 = tpu.memref_slice %arg32[%dma_start3A_922, %dma_start3A_923] : memref<512x16xf32, #tpu.memory_space<vmem>> -> memref<128x16xf32, #tpu.memory_space<vmem>>
    %dma_start3A_925 = arith.constant 0 : i32
    %dma_start3A_926 = arith.constant 0 : i32
    %dma_start3A_927 = tpu.memref_slice %arg6[%dma_start3A_925, %dma_start3A_926] : memref<62500x16xf32, #tpu.memory_space<hbm>> -> memref<62500x16xf32, #tpu.memory_space<hbm>>
    tpu.enqueue_indirect_dma source(%dma_start3A_927 : memref<62500x16xf32, #tpu.memory_space<hbm>>) target(%dma_start3A_924 : memref<128x16xf32, #tpu.memory_space<vmem>>) offsets(%arg20 : memref<128xi32, #tpu.memory_space<vmem>>) semaphore(%arg36 : memref<!tpu.dma_semaphore, #tpu.memory_space<semaphore_mem>>)
    %dma_start3A_928 = arith.constant 0 : i32
    %dma_start3A_929 = arith.constant 0 : i32
    %dma_start3A_930 = tpu.memref_slice %arg33[%dma_start3A_928, %dma_start3A_929] : memref<512x16xf32, #tpu.memory_space<vmem>> -> memref<128x16xf32, #tpu.memory_space<vmem>>
    %dma_start3A_931 = arith.constant 0 : i32
    %dma_start3A_932 = arith.constant 0 : i32
    %dma_start3A_933 = tpu.memref_slice %arg7[%dma_start3A_931, %dma_start3A_932] : memref<6250x16xf32, #tpu.memory_space<hbm>> -> memref<6250x16xf32, #tpu.memory_space<hbm>>
    tpu.enqueue_indirect_dma source(%dma_start3A_933 : memref<6250x16xf32, #tpu.memory_space<hbm>>) target(%dma_start3A_930 : memref<128x16xf32, #tpu.memory_space<vmem>>) offsets(%arg24 : memref<128xi32, #tpu.memory_space<vmem>>) semaphore(%arg36 : memref<!tpu.dma_semaphore, #tpu.memory_space<semaphore_mem>>)
    %dma_start3A_934 = arith.constant 128 : i32
    %dma_start3A_935 = arith.constant 0 : i32
    %dma_start3A_936 = tpu.memref_slice %arg30[%dma_start3A_934, %dma_start3A_935] : memref<512x64xf32, #tpu.memory_space<vmem>> -> memref<128x64xf32, #tpu.memory_space<vmem>>
    %dma_start3A_937 = arith.constant 0 : i32
    %dma_start3A_938 = arith.constant 0 : i32
    %dma_start3A_939 = tpu.memref_slice %arg4[%dma_start3A_937, %dma_start3A_938] : memref<1000000x64xf32, #tpu.memory_space<hbm>> -> memref<1000000x64xf32, #tpu.memory_space<hbm>>
    tpu.enqueue_indirect_dma source(%dma_start3A_939 : memref<1000000x64xf32, #tpu.memory_space<hbm>>) target(%dma_start3A_936 : memref<128x64xf32, #tpu.memory_space<vmem>>) offsets(%arg13 : memref<128xi32, #tpu.memory_space<vmem>>) semaphore(%arg36 : memref<!tpu.dma_semaphore, #tpu.memory_space<semaphore_mem>>)
    %dma_start3A_940 = arith.constant 128 : i32
    %dma_start3A_941 = arith.constant 0 : i32
    %dma_start3A_942 = tpu.memref_slice %arg31[%dma_start3A_940, %dma_start3A_941] : memref<512x64xf32, #tpu.memory_space<vmem>> -> memref<128x64xf32, #tpu.memory_space<vmem>>
    %dma_start3A_943 = arith.constant 0 : i32
    %dma_start3A_944 = arith.constant 0 : i32
    %dma_start3A_945 = tpu.memref_slice %arg5[%dma_start3A_943, %dma_start3A_944] : memref<100000x64xf32, #tpu.memory_space<hbm>> -> memref<100000x64xf32, #tpu.memory_space<hbm>>
    tpu.enqueue_indirect_dma source(%dma_start3A_945 : memref<100000x64xf32, #tpu.memory_space<hbm>>) target(%dma_start3A_942 : memref<128x64xf32, #tpu.memory_space<vmem>>) offsets(%arg17 : memref<128xi32, #tpu.memory_space<vmem>>) semaphore(%arg36 : memref<!tpu.dma_semaphore, #tpu.memory_space<semaphore_mem>>)
    %dma_start3A_946 = arith.constant 128 : i32
    %dma_start3A_947 = arith.constant 0 : i32
    %dma_start3A_948 = tpu.memref_slice %arg32[%dma_start3A_946, %dma_start3A_947] : memref<512x16xf32, #tpu.memory_space<vmem>> -> memref<128x16xf32, #tpu.memory_space<vmem>>
    %dma_start3A_949 = arith.constant 0 : i32
    %dma_start3A_950 = arith.constant 0 : i32
    %dma_start3A_951 = tpu.memref_slice %arg6[%dma_start3A_949, %dma_start3A_950] : memref<62500x16xf32, #tpu.memory_space<hbm>> -> memref<62500x16xf32, #tpu.memory_space<hbm>>
    tpu.enqueue_indirect_dma source(%dma_start3A_951 : memref<62500x16xf32, #tpu.memory_space<hbm>>) target(%dma_start3A_948 : memref<128x16xf32, #tpu.memory_space<vmem>>) offsets(%arg21 : memref<128xi32, #tpu.memory_space<vmem>>) semaphore(%arg36 : memref<!tpu.dma_semaphore, #tpu.memory_space<semaphore_mem>>)
    %dma_start3A_952 = arith.constant 128 : i32
    %dma_start3A_953 = arith.constant 0 : i32
    %dma_start3A_954 = tpu.memref_slice %arg33[%dma_start3A_952, %dma_start3A_953] : memref<512x16xf32, #tpu.memory_space<vmem>> -> memref<128x16xf32, #tpu.memory_space<vmem>>
    %dma_start3A_955 = arith.constant 0 : i32
    %dma_start3A_956 = arith.constant 0 : i32
    %dma_start3A_957 = tpu.memref_slice %arg7[%dma_start3A_955, %dma_start3A_956] : memref<6250x16xf32, #tpu.memory_space<hbm>> -> memref<6250x16xf32, #tpu.memory_space<hbm>>
    tpu.enqueue_indirect_dma source(%dma_start3A_957 : memref<6250x16xf32, #tpu.memory_space<hbm>>) target(%dma_start3A_954 : memref<128x16xf32, #tpu.memory_space<vmem>>) offsets(%arg25 : memref<128xi32, #tpu.memory_space<vmem>>) semaphore(%arg36 : memref<!tpu.dma_semaphore, #tpu.memory_space<semaphore_mem>>)
    %dma_start3A_958 = arith.constant 256 : i32
    %dma_start3A_959 = arith.constant 0 : i32
    %dma_start3A_960 = tpu.memref_slice %arg30[%dma_start3A_958, %dma_start3A_959] : memref<512x64xf32, #tpu.memory_space<vmem>> -> memref<128x64xf32, #tpu.memory_space<vmem>>
    %dma_start3A_961 = arith.constant 0 : i32
    %dma_start3A_962 = arith.constant 0 : i32
    %dma_start3A_963 = tpu.memref_slice %arg4[%dma_start3A_961, %dma_start3A_962] : memref<1000000x64xf32, #tpu.memory_space<hbm>> -> memref<1000000x64xf32, #tpu.memory_space<hbm>>
    tpu.enqueue_indirect_dma source(%dma_start3A_963 : memref<1000000x64xf32, #tpu.memory_space<hbm>>) target(%dma_start3A_960 : memref<128x64xf32, #tpu.memory_space<vmem>>) offsets(%arg14 : memref<128xi32, #tpu.memory_space<vmem>>) semaphore(%arg36 : memref<!tpu.dma_semaphore, #tpu.memory_space<semaphore_mem>>)
    %dma_start3A_964 = arith.constant 256 : i32
    %dma_start3A_965 = arith.constant 0 : i32
    %dma_start3A_966 = tpu.memref_slice %arg31[%dma_start3A_964, %dma_start3A_965] : memref<512x64xf32, #tpu.memory_space<vmem>> -> memref<128x64xf32, #tpu.memory_space<vmem>>
    %dma_start3A_967 = arith.constant 0 : i32
    %dma_start3A_968 = arith.constant 0 : i32
    %dma_start3A_969 = tpu.memref_slice %arg5[%dma_start3A_967, %dma_start3A_968] : memref<100000x64xf32, #tpu.memory_space<hbm>> -> memref<100000x64xf32, #tpu.memory_space<hbm>>
    tpu.enqueue_indirect_dma source(%dma_start3A_969 : memref<100000x64xf32, #tpu.memory_space<hbm>>) target(%dma_start3A_966 : memref<128x64xf32, #tpu.memory_space<vmem>>) offsets(%arg18 : memref<128xi32, #tpu.memory_space<vmem>>) semaphore(%arg36 : memref<!tpu.dma_semaphore, #tpu.memory_space<semaphore_mem>>)
    %dma_start3A_970 = arith.constant 256 : i32
    %dma_start3A_971 = arith.constant 0 : i32
    %dma_start3A_972 = tpu.memref_slice %arg32[%dma_start3A_970, %dma_start3A_971] : memref<512x16xf32, #tpu.memory_space<vmem>> -> memref<128x16xf32, #tpu.memory_space<vmem>>
    %dma_start3A_973 = arith.constant 0 : i32
    %dma_start3A_974 = arith.constant 0 : i32
    %dma_start3A_975 = tpu.memref_slice %arg6[%dma_start3A_973, %dma_start3A_974] : memref<62500x16xf32, #tpu.memory_space<hbm>> -> memref<62500x16xf32, #tpu.memory_space<hbm>>
    tpu.enqueue_indirect_dma source(%dma_start3A_975 : memref<62500x16xf32, #tpu.memory_space<hbm>>) target(%dma_start3A_972 : memref<128x16xf32, #tpu.memory_space<vmem>>) offsets(%arg22 : memref<128xi32, #tpu.memory_space<vmem>>) semaphore(%arg36 : memref<!tpu.dma_semaphore, #tpu.memory_space<semaphore_mem>>)
    %dma_start3A_976 = arith.constant 256 : i32
    %dma_start3A_977 = arith.constant 0 : i32
    %dma_start3A_978 = tpu.memref_slice %arg33[%dma_start3A_976, %dma_start3A_977] : memref<512x16xf32, #tpu.memory_space<vmem>> -> memref<128x16xf32, #tpu.memory_space<vmem>>
    %dma_start3A_979 = arith.constant 0 : i32
    %dma_start3A_980 = arith.constant 0 : i32
    %dma_start3A_981 = tpu.memref_slice %arg7[%dma_start3A_979, %dma_start3A_980] : memref<6250x16xf32, #tpu.memory_space<hbm>> -> memref<6250x16xf32, #tpu.memory_space<hbm>>
    tpu.enqueue_indirect_dma source(%dma_start3A_981 : memref<6250x16xf32, #tpu.memory_space<hbm>>) target(%dma_start3A_978 : memref<128x16xf32, #tpu.memory_space<vmem>>) offsets(%arg26 : memref<128xi32, #tpu.memory_space<vmem>>) semaphore(%arg36 : memref<!tpu.dma_semaphore, #tpu.memory_space<semaphore_mem>>)
    %dma_start3A_982 = arith.constant 384 : i32
    %dma_start3A_983 = arith.constant 0 : i32
    %dma_start3A_984 = tpu.memref_slice %arg30[%dma_start3A_982, %dma_start3A_983] : memref<512x64xf32, #tpu.memory_space<vmem>> -> memref<128x64xf32, #tpu.memory_space<vmem>>
    %dma_start3A_985 = arith.constant 0 : i32
    %dma_start3A_986 = arith.constant 0 : i32
    %dma_start3A_987 = tpu.memref_slice %arg4[%dma_start3A_985, %dma_start3A_986] : memref<1000000x64xf32, #tpu.memory_space<hbm>> -> memref<1000000x64xf32, #tpu.memory_space<hbm>>
    tpu.enqueue_indirect_dma source(%dma_start3A_987 : memref<1000000x64xf32, #tpu.memory_space<hbm>>) target(%dma_start3A_984 : memref<128x64xf32, #tpu.memory_space<vmem>>) offsets(%arg15 : memref<128xi32, #tpu.memory_space<vmem>>) semaphore(%arg36 : memref<!tpu.dma_semaphore, #tpu.memory_space<semaphore_mem>>)
    %dma_start3A_988 = arith.constant 384 : i32
    %dma_start3A_989 = arith.constant 0 : i32
    %dma_start3A_990 = tpu.memref_slice %arg31[%dma_start3A_988, %dma_start3A_989] : memref<512x64xf32, #tpu.memory_space<vmem>> -> memref<128x64xf32, #tpu.memory_space<vmem>>
    %dma_start3A_991 = arith.constant 0 : i32
    %dma_start3A_992 = arith.constant 0 : i32
    %dma_start3A_993 = tpu.memref_slice %arg5[%dma_start3A_991, %dma_start3A_992] : memref<100000x64xf32, #tpu.memory_space<hbm>> -> memref<100000x64xf32, #tpu.memory_space<hbm>>
    tpu.enqueue_indirect_dma source(%dma_start3A_993 : memref<100000x64xf32, #tpu.memory_space<hbm>>) target(%dma_start3A_990 : memref<128x64xf32, #tpu.memory_space<vmem>>) offsets(%arg19 : memref<128xi32, #tpu.memory_space<vmem>>) semaphore(%arg36 : memref<!tpu.dma_semaphore, #tpu.memory_space<semaphore_mem>>)
    %dma_start3A_994 = arith.constant 384 : i32
    %dma_start3A_995 = arith.constant 0 : i32
    %dma_start3A_996 = tpu.memref_slice %arg32[%dma_start3A_994, %dma_start3A_995] : memref<512x16xf32, #tpu.memory_space<vmem>> -> memref<128x16xf32, #tpu.memory_space<vmem>>
    %dma_start3A_997 = arith.constant 0 : i32
    %dma_start3A_998 = arith.constant 0 : i32
    %dma_start3A_999 = tpu.memref_slice %arg6[%dma_start3A_997, %dma_start3A_998] : memref<62500x16xf32, #tpu.memory_space<hbm>> -> memref<62500x16xf32, #tpu.memory_space<hbm>>
    tpu.enqueue_indirect_dma source(%dma_start3A_999 : memref<62500x16xf32, #tpu.memory_space<hbm>>) target(%dma_start3A_996 : memref<128x16xf32, #tpu.memory_space<vmem>>) offsets(%arg23 : memref<128xi32, #tpu.memory_space<vmem>>) semaphore(%arg36 : memref<!tpu.dma_semaphore, #tpu.memory_space<semaphore_mem>>)
    %dma_start3A_1000 = arith.constant 384 : i32
    %dma_start3A_1001 = arith.constant 0 : i32
    %dma_start3A_1002 = tpu.memref_slice %arg33[%dma_start3A_1000, %dma_start3A_1001] : memref<512x16xf32, #tpu.memory_space<vmem>> -> memref<128x16xf32, #tpu.memory_space<vmem>>
    %dma_start3A_1003 = arith.constant 0 : i32
    %dma_start3A_1004 = arith.constant 0 : i32
    %dma_start3A_1005 = tpu.memref_slice %arg7[%dma_start3A_1003, %dma_start3A_1004] : memref<6250x16xf32, #tpu.memory_space<hbm>> -> memref<6250x16xf32, #tpu.memory_space<hbm>>
    tpu.enqueue_indirect_dma source(%dma_start3A_1005 : memref<6250x16xf32, #tpu.memory_space<hbm>>) target(%dma_start3A_1002 : memref<128x16xf32, #tpu.memory_space<vmem>>) offsets(%arg27 : memref<128xi32, #tpu.memory_space<vmem>>) semaphore(%arg36 : memref<!tpu.dma_semaphore, #tpu.memory_space<semaphore_mem>>)
    %dma_wait3A = arith.constant 0 : i32
    %dma_wait3A_1006 = arith.constant 0 : i32
    %dma_wait3A_1007 = tpu.memref_slice %arg30[%dma_wait3A, %dma_wait3A_1006] : memref<512x64xf32, #tpu.memory_space<vmem>> -> memref<128x64xf32, #tpu.memory_space<vmem>>
    %dma_wait3A_1008 = arith.constant 0 : i32
    %dma_wait3A_1009 = arith.constant 0 : i32
    %dma_wait3A_1010 = tpu.memref_slice %arg4[%dma_wait3A_1008, %dma_wait3A_1009] : memref<1000000x64xf32, #tpu.memory_space<hbm>> -> memref<1000000x64xf32, #tpu.memory_space<hbm>>
    tpu.wait_indirect_dma semaphore(%arg36 : memref<!tpu.dma_semaphore, #tpu.memory_space<semaphore_mem>>) src(%dma_wait3A_1010 : memref<1000000x64xf32, #tpu.memory_space<hbm>>) dst(%dma_wait3A_1007 : memref<128x64xf32, #tpu.memory_space<vmem>>)
    %dma_wait3A_1011 = arith.constant 0 : i32
    %dma_wait3A_1012 = arith.constant 0 : i32
    %dma_wait3A_1013 = tpu.memref_slice %arg31[%dma_wait3A_1011, %dma_wait3A_1012] : memref<512x64xf32, #tpu.memory_space<vmem>> -> memref<128x64xf32, #tpu.memory_space<vmem>>
    %dma_wait3A_1014 = arith.constant 0 : i32
    %dma_wait3A_1015 = arith.constant 0 : i32
    %dma_wait3A_1016 = tpu.memref_slice %arg5[%dma_wait3A_1014, %dma_wait3A_1015] : memref<100000x64xf32, #tpu.memory_space<hbm>> -> memref<100000x64xf32, #tpu.memory_space<hbm>>
    tpu.wait_indirect_dma semaphore(%arg36 : memref<!tpu.dma_semaphore, #tpu.memory_space<semaphore_mem>>) src(%dma_wait3A_1016 : memref<100000x64xf32, #tpu.memory_space<hbm>>) dst(%dma_wait3A_1013 : memref<128x64xf32, #tpu.memory_space<vmem>>)
    %dma_wait3A_1017 = arith.constant 0 : i32
    %dma_wait3A_1018 = arith.constant 0 : i32
    %dma_wait3A_1019 = tpu.memref_slice %arg32[%dma_wait3A_1017, %dma_wait3A_1018] : memref<512x16xf32, #tpu.memory_space<vmem>> -> memref<128x16xf32, #tpu.memory_space<vmem>>
    %dma_wait3A_1020 = arith.constant 0 : i32
    %dma_wait3A_1021 = arith.constant 0 : i32
    %dma_wait3A_1022 = tpu.memref_slice %arg6[%dma_wait3A_1020, %dma_wait3A_1021] : memref<62500x16xf32, #tpu.memory_space<hbm>> -> memref<62500x16xf32, #tpu.memory_space<hbm>>
    tpu.wait_indirect_dma semaphore(%arg36 : memref<!tpu.dma_semaphore, #tpu.memory_space<semaphore_mem>>) src(%dma_wait3A_1022 : memref<62500x16xf32, #tpu.memory_space<hbm>>) dst(%dma_wait3A_1019 : memref<128x16xf32, #tpu.memory_space<vmem>>)
    %dma_wait3A_1023 = arith.constant 0 : i32
    %dma_wait3A_1024 = arith.constant 0 : i32
    %dma_wait3A_1025 = tpu.memref_slice %arg33[%dma_wait3A_1023, %dma_wait3A_1024] : memref<512x16xf32, #tpu.memory_space<vmem>> -> memref<128x16xf32, #tpu.memory_space<vmem>>
    %dma_wait3A_1026 = arith.constant 0 : i32
    %dma_wait3A_1027 = arith.constant 0 : i32
    %dma_wait3A_1028 = tpu.memref_slice %arg7[%dma_wait3A_1026, %dma_wait3A_1027] : memref<6250x16xf32, #tpu.memory_space<hbm>> -> memref<6250x16xf32, #tpu.memory_space<hbm>>
    tpu.wait_indirect_dma semaphore(%arg36 : memref<!tpu.dma_semaphore, #tpu.memory_space<semaphore_mem>>) src(%dma_wait3A_1028 : memref<6250x16xf32, #tpu.memory_space<hbm>>) dst(%dma_wait3A_1025 : memref<128x16xf32, #tpu.memory_space<vmem>>)
    %dma_wait3A_1029 = arith.constant 128 : i32
    %dma_wait3A_1030 = arith.constant 0 : i32
    %dma_wait3A_1031 = tpu.memref_slice %arg30[%dma_wait3A_1029, %dma_wait3A_1030] : memref<512x64xf32, #tpu.memory_space<vmem>> -> memref<128x64xf32, #tpu.memory_space<vmem>>
    %dma_wait3A_1032 = arith.constant 0 : i32
    %dma_wait3A_1033 = arith.constant 0 : i32
    %dma_wait3A_1034 = tpu.memref_slice %arg4[%dma_wait3A_1032, %dma_wait3A_1033] : memref<1000000x64xf32, #tpu.memory_space<hbm>> -> memref<1000000x64xf32, #tpu.memory_space<hbm>>
    tpu.wait_indirect_dma semaphore(%arg36 : memref<!tpu.dma_semaphore, #tpu.memory_space<semaphore_mem>>) src(%dma_wait3A_1034 : memref<1000000x64xf32, #tpu.memory_space<hbm>>) dst(%dma_wait3A_1031 : memref<128x64xf32, #tpu.memory_space<vmem>>)
    %dma_wait3A_1035 = arith.constant 128 : i32
    %dma_wait3A_1036 = arith.constant 0 : i32
    %dma_wait3A_1037 = tpu.memref_slice %arg31[%dma_wait3A_1035, %dma_wait3A_1036] : memref<512x64xf32, #tpu.memory_space<vmem>> -> memref<128x64xf32, #tpu.memory_space<vmem>>
    %dma_wait3A_1038 = arith.constant 0 : i32
    %dma_wait3A_1039 = arith.constant 0 : i32
    %dma_wait3A_1040 = tpu.memref_slice %arg5[%dma_wait3A_1038, %dma_wait3A_1039] : memref<100000x64xf32, #tpu.memory_space<hbm>> -> memref<100000x64xf32, #tpu.memory_space<hbm>>
    tpu.wait_indirect_dma semaphore(%arg36 : memref<!tpu.dma_semaphore, #tpu.memory_space<semaphore_mem>>) src(%dma_wait3A_1040 : memref<100000x64xf32, #tpu.memory_space<hbm>>) dst(%dma_wait3A_1037 : memref<128x64xf32, #tpu.memory_space<vmem>>)
    %dma_wait3A_1041 = arith.constant 128 : i32
    %dma_wait3A_1042 = arith.constant 0 : i32
    %dma_wait3A_1043 = tpu.memref_slice %arg32[%dma_wait3A_1041, %dma_wait3A_1042] : memref<512x16xf32, #tpu.memory_space<vmem>> -> memref<128x16xf32, #tpu.memory_space<vmem>>
    %dma_wait3A_1044 = arith.constant 0 : i32
    %dma_wait3A_1045 = arith.constant 0 : i32
    %dma_wait3A_1046 = tpu.memref_slice %arg6[%dma_wait3A_1044, %dma_wait3A_1045] : memref<62500x16xf32, #tpu.memory_space<hbm>> -> memref<62500x16xf32, #tpu.memory_space<hbm>>
    tpu.wait_indirect_dma semaphore(%arg36 : memref<!tpu.dma_semaphore, #tpu.memory_space<semaphore_mem>>) src(%dma_wait3A_1046 : memref<62500x16xf32, #tpu.memory_space<hbm>>) dst(%dma_wait3A_1043 : memref<128x16xf32, #tpu.memory_space<vmem>>)
    %dma_wait3A_1047 = arith.constant 128 : i32
    %dma_wait3A_1048 = arith.constant 0 : i32
    %dma_wait3A_1049 = tpu.memref_slice %arg33[%dma_wait3A_1047, %dma_wait3A_1048] : memref<512x16xf32, #tpu.memory_space<vmem>> -> memref<128x16xf32, #tpu.memory_space<vmem>>
    %dma_wait3A_1050 = arith.constant 0 : i32
    %dma_wait3A_1051 = arith.constant 0 : i32
    %dma_wait3A_1052 = tpu.memref_slice %arg7[%dma_wait3A_1050, %dma_wait3A_1051] : memref<6250x16xf32, #tpu.memory_space<hbm>> -> memref<6250x16xf32, #tpu.memory_space<hbm>>
    tpu.wait_indirect_dma semaphore(%arg36 : memref<!tpu.dma_semaphore, #tpu.memory_space<semaphore_mem>>) src(%dma_wait3A_1052 : memref<6250x16xf32, #tpu.memory_space<hbm>>) dst(%dma_wait3A_1049 : memref<128x16xf32, #tpu.memory_space<vmem>>)
    %dma_wait3A_1053 = arith.constant 256 : i32
    %dma_wait3A_1054 = arith.constant 0 : i32
    %dma_wait3A_1055 = tpu.memref_slice %arg30[%dma_wait3A_1053, %dma_wait3A_1054] : memref<512x64xf32, #tpu.memory_space<vmem>> -> memref<128x64xf32, #tpu.memory_space<vmem>>
    %dma_wait3A_1056 = arith.constant 0 : i32
    %dma_wait3A_1057 = arith.constant 0 : i32
    %dma_wait3A_1058 = tpu.memref_slice %arg4[%dma_wait3A_1056, %dma_wait3A_1057] : memref<1000000x64xf32, #tpu.memory_space<hbm>> -> memref<1000000x64xf32, #tpu.memory_space<hbm>>
    tpu.wait_indirect_dma semaphore(%arg36 : memref<!tpu.dma_semaphore, #tpu.memory_space<semaphore_mem>>) src(%dma_wait3A_1058 : memref<1000000x64xf32, #tpu.memory_space<hbm>>) dst(%dma_wait3A_1055 : memref<128x64xf32, #tpu.memory_space<vmem>>)
    %dma_wait3A_1059 = arith.constant 256 : i32
    %dma_wait3A_1060 = arith.constant 0 : i32
    %dma_wait3A_1061 = tpu.memref_slice %arg31[%dma_wait3A_1059, %dma_wait3A_1060] : memref<512x64xf32, #tpu.memory_space<vmem>> -> memref<128x64xf32, #tpu.memory_space<vmem>>
    %dma_wait3A_1062 = arith.constant 0 : i32
    %dma_wait3A_1063 = arith.constant 0 : i32
    %dma_wait3A_1064 = tpu.memref_slice %arg5[%dma_wait3A_1062, %dma_wait3A_1063] : memref<100000x64xf32, #tpu.memory_space<hbm>> -> memref<100000x64xf32, #tpu.memory_space<hbm>>
    tpu.wait_indirect_dma semaphore(%arg36 : memref<!tpu.dma_semaphore, #tpu.memory_space<semaphore_mem>>) src(%dma_wait3A_1064 : memref<100000x64xf32, #tpu.memory_space<hbm>>) dst(%dma_wait3A_1061 : memref<128x64xf32, #tpu.memory_space<vmem>>)
    %dma_wait3A_1065 = arith.constant 256 : i32
    %dma_wait3A_1066 = arith.constant 0 : i32
    %dma_wait3A_1067 = tpu.memref_slice %arg32[%dma_wait3A_1065, %dma_wait3A_1066] : memref<512x16xf32, #tpu.memory_space<vmem>> -> memref<128x16xf32, #tpu.memory_space<vmem>>
    %dma_wait3A_1068 = arith.constant 0 : i32
    %dma_wait3A_1069 = arith.constant 0 : i32
    %dma_wait3A_1070 = tpu.memref_slice %arg6[%dma_wait3A_1068, %dma_wait3A_1069] : memref<62500x16xf32, #tpu.memory_space<hbm>> -> memref<62500x16xf32, #tpu.memory_space<hbm>>
    tpu.wait_indirect_dma semaphore(%arg36 : memref<!tpu.dma_semaphore, #tpu.memory_space<semaphore_mem>>) src(%dma_wait3A_1070 : memref<62500x16xf32, #tpu.memory_space<hbm>>) dst(%dma_wait3A_1067 : memref<128x16xf32, #tpu.memory_space<vmem>>)
    %dma_wait3A_1071 = arith.constant 256 : i32
    %dma_wait3A_1072 = arith.constant 0 : i32
    %dma_wait3A_1073 = tpu.memref_slice %arg33[%dma_wait3A_1071, %dma_wait3A_1072] : memref<512x16xf32, #tpu.memory_space<vmem>> -> memref<128x16xf32, #tpu.memory_space<vmem>>
    %dma_wait3A_1074 = arith.constant 0 : i32
    %dma_wait3A_1075 = arith.constant 0 : i32
    %dma_wait3A_1076 = tpu.memref_slice %arg7[%dma_wait3A_1074, %dma_wait3A_1075] : memref<6250x16xf32, #tpu.memory_space<hbm>> -> memref<6250x16xf32, #tpu.memory_space<hbm>>
    tpu.wait_indirect_dma semaphore(%arg36 : memref<!tpu.dma_semaphore, #tpu.memory_space<semaphore_mem>>) src(%dma_wait3A_1076 : memref<6250x16xf32, #tpu.memory_space<hbm>>) dst(%dma_wait3A_1073 : memref<128x16xf32, #tpu.memory_space<vmem>>)
    %dma_wait3A_1077 = arith.constant 384 : i32
    %dma_wait3A_1078 = arith.constant 0 : i32
    %dma_wait3A_1079 = tpu.memref_slice %arg30[%dma_wait3A_1077, %dma_wait3A_1078] : memref<512x64xf32, #tpu.memory_space<vmem>> -> memref<128x64xf32, #tpu.memory_space<vmem>>
    %dma_wait3A_1080 = arith.constant 0 : i32
    %dma_wait3A_1081 = arith.constant 0 : i32
    %dma_wait3A_1082 = tpu.memref_slice %arg4[%dma_wait3A_1080, %dma_wait3A_1081] : memref<1000000x64xf32, #tpu.memory_space<hbm>> -> memref<1000000x64xf32, #tpu.memory_space<hbm>>
    tpu.wait_indirect_dma semaphore(%arg36 : memref<!tpu.dma_semaphore, #tpu.memory_space<semaphore_mem>>) src(%dma_wait3A_1082 : memref<1000000x64xf32, #tpu.memory_space<hbm>>) dst(%dma_wait3A_1079 : memref<128x64xf32, #tpu.memory_space<vmem>>)
    %dma_wait3A_1083 = arith.constant 384 : i32
    %dma_wait3A_1084 = arith.constant 0 : i32
    %dma_wait3A_1085 = tpu.memref_slice %arg31[%dma_wait3A_1083, %dma_wait3A_1084] : memref<512x64xf32, #tpu.memory_space<vmem>> -> memref<128x64xf32, #tpu.memory_space<vmem>>
    %dma_wait3A_1086 = arith.constant 0 : i32
    %dma_wait3A_1087 = arith.constant 0 : i32
    %dma_wait3A_1088 = tpu.memref_slice %arg5[%dma_wait3A_1086, %dma_wait3A_1087] : memref<100000x64xf32, #tpu.memory_space<hbm>> -> memref<100000x64xf32, #tpu.memory_space<hbm>>
    tpu.wait_indirect_dma semaphore(%arg36 : memref<!tpu.dma_semaphore, #tpu.memory_space<semaphore_mem>>) src(%dma_wait3A_1088 : memref<100000x64xf32, #tpu.memory_space<hbm>>) dst(%dma_wait3A_1085 : memref<128x64xf32, #tpu.memory_space<vmem>>)
    %dma_wait3A_1089 = arith.constant 384 : i32
    %dma_wait3A_1090 = arith.constant 0 : i32
    %dma_wait3A_1091 = tpu.memref_slice %arg32[%dma_wait3A_1089, %dma_wait3A_1090] : memref<512x16xf32, #tpu.memory_space<vmem>> -> memref<128x16xf32, #tpu.memory_space<vmem>>
    %dma_wait3A_1092 = arith.constant 0 : i32
    %dma_wait3A_1093 = arith.constant 0 : i32
    %dma_wait3A_1094 = tpu.memref_slice %arg6[%dma_wait3A_1092, %dma_wait3A_1093] : memref<62500x16xf32, #tpu.memory_space<hbm>> -> memref<62500x16xf32, #tpu.memory_space<hbm>>
    tpu.wait_indirect_dma semaphore(%arg36 : memref<!tpu.dma_semaphore, #tpu.memory_space<semaphore_mem>>) src(%dma_wait3A_1094 : memref<62500x16xf32, #tpu.memory_space<hbm>>) dst(%dma_wait3A_1091 : memref<128x16xf32, #tpu.memory_space<vmem>>)
    %dma_wait3A_1095 = arith.constant 384 : i32
    %dma_wait3A_1096 = arith.constant 0 : i32
    %dma_wait3A_1097 = tpu.memref_slice %arg33[%dma_wait3A_1095, %dma_wait3A_1096] : memref<512x16xf32, #tpu.memory_space<vmem>> -> memref<128x16xf32, #tpu.memory_space<vmem>>
    %dma_wait3A_1098 = arith.constant 0 : i32
    %dma_wait3A_1099 = arith.constant 0 : i32
    %dma_wait3A_1100 = tpu.memref_slice %arg7[%dma_wait3A_1098, %dma_wait3A_1099] : memref<6250x16xf32, #tpu.memory_space<hbm>> -> memref<6250x16xf32, #tpu.memory_space<hbm>>
    tpu.wait_indirect_dma semaphore(%arg36 : memref<!tpu.dma_semaphore, #tpu.memory_space<semaphore_mem>>) src(%dma_wait3A_1100 : memref<6250x16xf32, #tpu.memory_space<hbm>>) dst(%dma_wait3A_1097 : memref<128x16xf32, #tpu.memory_space<vmem>>)
    %iota3A = tpu.iota {dimensions = array<i32: 0>} : vector<16xi32>
    %add3A_1101 = arith.constant 0 : i32
    %add3A_1102 = vector.broadcast %add3A_1101 : i32 to vector<16xi32>
    %add3A_1103 = arith.addi %iota3A, %add3A_1102 : vector<16xi32>
    %get3A_1104 = arith.constant 0 : i32
    %get3A_1105 = arith.index_cast %get3A_1104 : i32 to index
    %get3A_1106 = arith.constant 0 : index
    %get3A_1107 = tpu.vector_load %arg28[%get3A_1105, %get3A_1106] {strides = array<i32>} : memref<4x128xi32, #tpu.memory_space<vmem>>, vector<16xi32>,
    %gather3A = tpu.vector_load_idx %arg32[%add3A_1103, %get3A_1107] : memref<512x16xf32, #tpu.memory_space<vmem>>[vector<16xi32>, vector<16xi32>], vector<16xf32>,
    %swap3A_1108 = arith.constant 0 : index
    %swap3A_1109 = tpu.vector_load %arg34[%swap3A_1108] {strides = array<i32>} : memref<512xf32, #tpu.memory_space<vmem>>, vector<16xf32>,
    tpu.vector_store %arg34[%swap3A_1108], %gather3A {strides = array<i32>} : memref<512xf32, #tpu.memory_space<vmem>>, vector<16xf32>,
    %get3A_1110 = arith.constant 0 : i32
    %get3A_1111 = arith.index_cast %get3A_1110 : i32 to index
    %get3A_1112 = arith.constant 0 : index
    %get3A_1113 = tpu.vector_load %arg29[%get3A_1111, %get3A_1112] {strides = array<i32>} : memref<4x128xi32, #tpu.memory_space<vmem>>, vector<16xi32>,
    %gather3A_1114 = tpu.vector_load_idx %arg33[%add3A_1103, %get3A_1113] : memref<512x16xf32, #tpu.memory_space<vmem>>[vector<16xi32>, vector<16xi32>], vector<16xf32>,
    %swap3A_1115 = arith.constant 0 : index
    %swap3A_1116 = tpu.vector_load %arg35[%swap3A_1115] {strides = array<i32>} : memref<512xf32, #tpu.memory_space<vmem>>, vector<16xf32>,
    tpu.vector_store %arg35[%swap3A_1115], %gather3A_1114 {strides = array<i32>} : memref<512xf32, #tpu.memory_space<vmem>>, vector<16xf32>,
    %iota3A_1117 = tpu.iota {dimensions = array<i32: 0>} : vector<16xi32>
    %add3A_1118 = arith.constant 16 : i32
    %add3A_1119 = vector.broadcast %add3A_1118 : i32 to vector<16xi32>
    %add3A_1120 = arith.addi %iota3A_1117, %add3A_1119 : vector<16xi32>
    %get3A_1121 = arith.constant 0 : i32
    %get3A_1122 = arith.index_cast %get3A_1121 : i32 to index
    %get3A_1123 = arith.constant 16 : index
    %get3A_1124 = tpu.vector_load %arg28[%get3A_1122, %get3A_1123] {strides = array<i32>} : memref<4x128xi32, #tpu.memory_space<vmem>>, vector<16xi32>,
    %gather3A_1125 = tpu.vector_load_idx %arg32[%add3A_1120, %get3A_1124] : memref<512x16xf32, #tpu.memory_space<vmem>>[vector<16xi32>, vector<16xi32>], vector<16xf32>,
    %swap3A_1126 = arith.constant 16 : index
    %swap3A_1127 = tpu.vector_load %arg34[%swap3A_1126] {strides = array<i32>} : memref<512xf32, #tpu.memory_space<vmem>>, vector<16xf32>,
    tpu.vector_store %arg34[%swap3A_1126], %gather3A_1125 {strides = array<i32>} : memref<512xf32, #tpu.memory_space<vmem>>, vector<16xf32>,
    %get3A_1128 = arith.constant 0 : i32
    %get3A_1129 = arith.index_cast %get3A_1128 : i32 to index
    %get3A_1130 = arith.constant 16 : index
    %get3A_1131 = tpu.vector_load %arg29[%get3A_1129, %get3A_1130] {strides = array<i32>} : memref<4x128xi32, #tpu.memory_space<vmem>>, vector<16xi32>,
    %gather3A_1132 = tpu.vector_load_idx %arg33[%add3A_1120, %get3A_1131] : memref<512x16xf32, #tpu.memory_space<vmem>>[vector<16xi32>, vector<16xi32>], vector<16xf32>,
    %swap3A_1133 = arith.constant 16 : index
    %swap3A_1134 = tpu.vector_load %arg35[%swap3A_1133] {strides = array<i32>} : memref<512xf32, #tpu.memory_space<vmem>>, vector<16xf32>,
    tpu.vector_store %arg35[%swap3A_1133], %gather3A_1132 {strides = array<i32>} : memref<512xf32, #tpu.memory_space<vmem>>, vector<16xf32>,
    %iota3A_1135 = tpu.iota {dimensions = array<i32: 0>} : vector<16xi32>
    %add3A_1136 = arith.constant 32 : i32
    %add3A_1137 = vector.broadcast %add3A_1136 : i32 to vector<16xi32>
    %add3A_1138 = arith.addi %iota3A_1135, %add3A_1137 : vector<16xi32>
    %get3A_1139 = arith.constant 0 : i32
    %get3A_1140 = arith.index_cast %get3A_1139 : i32 to index
    %get3A_1141 = arith.constant 32 : index
    %get3A_1142 = tpu.vector_load %arg28[%get3A_1140, %get3A_1141] {strides = array<i32>} : memref<4x128xi32, #tpu.memory_space<vmem>>, vector<16xi32>,
    %gather3A_1143 = tpu.vector_load_idx %arg32[%add3A_1138, %get3A_1142] : memref<512x16xf32, #tpu.memory_space<vmem>>[vector<16xi32>, vector<16xi32>], vector<16xf32>,
    %swap3A_1144 = arith.constant 32 : index
    %swap3A_1145 = tpu.vector_load %arg34[%swap3A_1144] {strides = array<i32>} : memref<512xf32, #tpu.memory_space<vmem>>, vector<16xf32>,
    tpu.vector_store %arg34[%swap3A_1144], %gather3A_1143 {strides = array<i32>} : memref<512xf32, #tpu.memory_space<vmem>>, vector<16xf32>,
    %get3A_1146 = arith.constant 0 : i32
    %get3A_1147 = arith.index_cast %get3A_1146 : i32 to index
    %get3A_1148 = arith.constant 32 : index
    %get3A_1149 = tpu.vector_load %arg29[%get3A_1147, %get3A_1148] {strides = array<i32>} : memref<4x128xi32, #tpu.memory_space<vmem>>, vector<16xi32>,
    %gather3A_1150 = tpu.vector_load_idx %arg33[%add3A_1138, %get3A_1149] : memref<512x16xf32, #tpu.memory_space<vmem>>[vector<16xi32>, vector<16xi32>], vector<16xf32>,
    %swap3A_1151 = arith.constant 32 : index
    %swap3A_1152 = tpu.vector_load %arg35[%swap3A_1151] {strides = array<i32>} : memref<512xf32, #tpu.memory_space<vmem>>, vector<16xf32>,
    tpu.vector_store %arg35[%swap3A_1151], %gather3A_1150 {strides = array<i32>} : memref<512xf32, #tpu.memory_space<vmem>>, vector<16xf32>,
    %iota3A_1153 = tpu.iota {dimensions = array<i32: 0>} : vector<16xi32>
    %add3A_1154 = arith.constant 48 : i32
    %add3A_1155 = vector.broadcast %add3A_1154 : i32 to vector<16xi32>
    %add3A_1156 = arith.addi %iota3A_1153, %add3A_1155 : vector<16xi32>
    %get3A_1157 = arith.constant 0 : i32
    %get3A_1158 = arith.index_cast %get3A_1157 : i32 to index
    %get3A_1159 = arith.constant 48 : index
    %get3A_1160 = tpu.vector_load %arg28[%get3A_1158, %get3A_1159] {strides = array<i32>} : memref<4x128xi32, #tpu.memory_space<vmem>>, vector<16xi32>,
    %gather3A_1161 = tpu.vector_load_idx %arg32[%add3A_1156, %get3A_1160] : memref<512x16xf32, #tpu.memory_space<vmem>>[vector<16xi32>, vector<16xi32>], vector<16xf32>,
    %swap3A_1162 = arith.constant 48 : index
    %swap3A_1163 = tpu.vector_load %arg34[%swap3A_1162] {strides = array<i32>} : memref<512xf32, #tpu.memory_space<vmem>>, vector<16xf32>,
    tpu.vector_store %arg34[%swap3A_1162], %gather3A_1161 {strides = array<i32>} : memref<512xf32, #tpu.memory_space<vmem>>, vector<16xf32>,
    %get3A_1164 = arith.constant 0 : i32
    %get3A_1165 = arith.index_cast %get3A_1164 : i32 to index
    %get3A_1166 = arith.constant 48 : index
    %get3A_1167 = tpu.vector_load %arg29[%get3A_1165, %get3A_1166] {strides = array<i32>} : memref<4x128xi32, #tpu.memory_space<vmem>>, vector<16xi32>,
    %gather3A_1168 = tpu.vector_load_idx %arg33[%add3A_1156, %get3A_1167] : memref<512x16xf32, #tpu.memory_space<vmem>>[vector<16xi32>, vector<16xi32>], vector<16xf32>,
    %swap3A_1169 = arith.constant 48 : index
    %swap3A_1170 = tpu.vector_load %arg35[%swap3A_1169] {strides = array<i32>} : memref<512xf32, #tpu.memory_space<vmem>>, vector<16xf32>,
    tpu.vector_store %arg35[%swap3A_1169], %gather3A_1168 {strides = array<i32>} : memref<512xf32, #tpu.memory_space<vmem>>, vector<16xf32>,
    %iota3A_1171 = tpu.iota {dimensions = array<i32: 0>} : vector<16xi32>
    %add3A_1172 = arith.constant 64 : i32
    %add3A_1173 = vector.broadcast %add3A_1172 : i32 to vector<16xi32>
    %add3A_1174 = arith.addi %iota3A_1171, %add3A_1173 : vector<16xi32>
    %get3A_1175 = arith.constant 0 : i32
    %get3A_1176 = arith.index_cast %get3A_1175 : i32 to index
    %get3A_1177 = arith.constant 64 : index
    %get3A_1178 = tpu.vector_load %arg28[%get3A_1176, %get3A_1177] {strides = array<i32>} : memref<4x128xi32, #tpu.memory_space<vmem>>, vector<16xi32>,
    %gather3A_1179 = tpu.vector_load_idx %arg32[%add3A_1174, %get3A_1178] : memref<512x16xf32, #tpu.memory_space<vmem>>[vector<16xi32>, vector<16xi32>], vector<16xf32>,
    %swap3A_1180 = arith.constant 64 : index
    %swap3A_1181 = tpu.vector_load %arg34[%swap3A_1180] {strides = array<i32>} : memref<512xf32, #tpu.memory_space<vmem>>, vector<16xf32>,
    tpu.vector_store %arg34[%swap3A_1180], %gather3A_1179 {strides = array<i32>} : memref<512xf32, #tpu.memory_space<vmem>>, vector<16xf32>,
    %get3A_1182 = arith.constant 0 : i32
    %get3A_1183 = arith.index_cast %get3A_1182 : i32 to index
    %get3A_1184 = arith.constant 64 : index
    %get3A_1185 = tpu.vector_load %arg29[%get3A_1183, %get3A_1184] {strides = array<i32>} : memref<4x128xi32, #tpu.memory_space<vmem>>, vector<16xi32>,
    %gather3A_1186 = tpu.vector_load_idx %arg33[%add3A_1174, %get3A_1185] : memref<512x16xf32, #tpu.memory_space<vmem>>[vector<16xi32>, vector<16xi32>], vector<16xf32>,
    %swap3A_1187 = arith.constant 64 : index
    %swap3A_1188 = tpu.vector_load %arg35[%swap3A_1187] {strides = array<i32>} : memref<512xf32, #tpu.memory_space<vmem>>, vector<16xf32>,
    tpu.vector_store %arg35[%swap3A_1187], %gather3A_1186 {strides = array<i32>} : memref<512xf32, #tpu.memory_space<vmem>>, vector<16xf32>,
    %iota3A_1189 = tpu.iota {dimensions = array<i32: 0>} : vector<16xi32>
    %add3A_1190 = arith.constant 80 : i32
    %add3A_1191 = vector.broadcast %add3A_1190 : i32 to vector<16xi32>
    %add3A_1192 = arith.addi %iota3A_1189, %add3A_1191 : vector<16xi32>
    %get3A_1193 = arith.constant 0 : i32
    %get3A_1194 = arith.index_cast %get3A_1193 : i32 to index
    %get3A_1195 = arith.constant 80 : index
    %get3A_1196 = tpu.vector_load %arg28[%get3A_1194, %get3A_1195] {strides = array<i32>} : memref<4x128xi32, #tpu.memory_space<vmem>>, vector<16xi32>,
    %gather3A_1197 = tpu.vector_load_idx %arg32[%add3A_1192, %get3A_1196] : memref<512x16xf32, #tpu.memory_space<vmem>>[vector<16xi32>, vector<16xi32>], vector<16xf32>,
    %swap3A_1198 = arith.constant 80 : index
    %swap3A_1199 = tpu.vector_load %arg34[%swap3A_1198] {strides = array<i32>} : memref<512xf32, #tpu.memory_space<vmem>>, vector<16xf32>,
    tpu.vector_store %arg34[%swap3A_1198], %gather3A_1197 {strides = array<i32>} : memref<512xf32, #tpu.memory_space<vmem>>, vector<16xf32>,
    %get3A_1200 = arith.constant 0 : i32
    %get3A_1201 = arith.index_cast %get3A_1200 : i32 to index
    %get3A_1202 = arith.constant 80 : index
    %get3A_1203 = tpu.vector_load %arg29[%get3A_1201, %get3A_1202] {strides = array<i32>} : memref<4x128xi32, #tpu.memory_space<vmem>>, vector<16xi32>,
    %gather3A_1204 = tpu.vector_load_idx %arg33[%add3A_1192, %get3A_1203] : memref<512x16xf32, #tpu.memory_space<vmem>>[vector<16xi32>, vector<16xi32>], vector<16xf32>,
    %swap3A_1205 = arith.constant 80 : index
    %swap3A_1206 = tpu.vector_load %arg35[%swap3A_1205] {strides = array<i32>} : memref<512xf32, #tpu.memory_space<vmem>>, vector<16xf32>,
    tpu.vector_store %arg35[%swap3A_1205], %gather3A_1204 {strides = array<i32>} : memref<512xf32, #tpu.memory_space<vmem>>, vector<16xf32>,
    %iota3A_1207 = tpu.iota {dimensions = array<i32: 0>} : vector<16xi32>
    %add3A_1208 = arith.constant 96 : i32
    %add3A_1209 = vector.broadcast %add3A_1208 : i32 to vector<16xi32>
    %add3A_1210 = arith.addi %iota3A_1207, %add3A_1209 : vector<16xi32>
    %get3A_1211 = arith.constant 0 : i32
    %get3A_1212 = arith.index_cast %get3A_1211 : i32 to index
    %get3A_1213 = arith.constant 96 : index
    %get3A_1214 = tpu.vector_load %arg28[%get3A_1212, %get3A_1213] {strides = array<i32>} : memref<4x128xi32, #tpu.memory_space<vmem>>, vector<16xi32>,
    %gather3A_1215 = tpu.vector_load_idx %arg32[%add3A_1210, %get3A_1214] : memref<512x16xf32, #tpu.memory_space<vmem>>[vector<16xi32>, vector<16xi32>], vector<16xf32>,
    %swap3A_1216 = arith.constant 96 : index
    %swap3A_1217 = tpu.vector_load %arg34[%swap3A_1216] {strides = array<i32>} : memref<512xf32, #tpu.memory_space<vmem>>, vector<16xf32>,
    tpu.vector_store %arg34[%swap3A_1216], %gather3A_1215 {strides = array<i32>} : memref<512xf32, #tpu.memory_space<vmem>>, vector<16xf32>,
    %get3A_1218 = arith.constant 0 : i32
    %get3A_1219 = arith.index_cast %get3A_1218 : i32 to index
    %get3A_1220 = arith.constant 96 : index
    %get3A_1221 = tpu.vector_load %arg29[%get3A_1219, %get3A_1220] {strides = array<i32>} : memref<4x128xi32, #tpu.memory_space<vmem>>, vector<16xi32>,
    %gather3A_1222 = tpu.vector_load_idx %arg33[%add3A_1210, %get3A_1221] : memref<512x16xf32, #tpu.memory_space<vmem>>[vector<16xi32>, vector<16xi32>], vector<16xf32>,
    %swap3A_1223 = arith.constant 96 : index
    %swap3A_1224 = tpu.vector_load %arg35[%swap3A_1223] {strides = array<i32>} : memref<512xf32, #tpu.memory_space<vmem>>, vector<16xf32>,
    tpu.vector_store %arg35[%swap3A_1223], %gather3A_1222 {strides = array<i32>} : memref<512xf32, #tpu.memory_space<vmem>>, vector<16xf32>,
    %iota3A_1225 = tpu.iota {dimensions = array<i32: 0>} : vector<16xi32>
    %add3A_1226 = arith.constant 112 : i32
    %add3A_1227 = vector.broadcast %add3A_1226 : i32 to vector<16xi32>
    %add3A_1228 = arith.addi %iota3A_1225, %add3A_1227 : vector<16xi32>
    %get3A_1229 = arith.constant 0 : i32
    %get3A_1230 = arith.index_cast %get3A_1229 : i32 to index
    %get3A_1231 = arith.constant 112 : index
    %get3A_1232 = tpu.vector_load %arg28[%get3A_1230, %get3A_1231] {strides = array<i32>} : memref<4x128xi32, #tpu.memory_space<vmem>>, vector<16xi32>,
    %gather3A_1233 = tpu.vector_load_idx %arg32[%add3A_1228, %get3A_1232] : memref<512x16xf32, #tpu.memory_space<vmem>>[vector<16xi32>, vector<16xi32>], vector<16xf32>,
    %swap3A_1234 = arith.constant 112 : index
    %swap3A_1235 = tpu.vector_load %arg34[%swap3A_1234] {strides = array<i32>} : memref<512xf32, #tpu.memory_space<vmem>>, vector<16xf32>,
    tpu.vector_store %arg34[%swap3A_1234], %gather3A_1233 {strides = array<i32>} : memref<512xf32, #tpu.memory_space<vmem>>, vector<16xf32>,
    %get3A_1236 = arith.constant 0 : i32
    %get3A_1237 = arith.index_cast %get3A_1236 : i32 to index
    %get3A_1238 = arith.constant 112 : index
    %get3A_1239 = tpu.vector_load %arg29[%get3A_1237, %get3A_1238] {strides = array<i32>} : memref<4x128xi32, #tpu.memory_space<vmem>>, vector<16xi32>,
    %gather3A_1240 = tpu.vector_load_idx %arg33[%add3A_1228, %get3A_1239] : memref<512x16xf32, #tpu.memory_space<vmem>>[vector<16xi32>, vector<16xi32>], vector<16xf32>,
    %swap3A_1241 = arith.constant 112 : index
    %swap3A_1242 = tpu.vector_load %arg35[%swap3A_1241] {strides = array<i32>} : memref<512xf32, #tpu.memory_space<vmem>>, vector<16xf32>,
    tpu.vector_store %arg35[%swap3A_1241], %gather3A_1240 {strides = array<i32>} : memref<512xf32, #tpu.memory_space<vmem>>, vector<16xf32>,
    %iota3A_1243 = tpu.iota {dimensions = array<i32: 0>} : vector<16xi32>
    %add3A_1244 = arith.constant 128 : i32
    %add3A_1245 = vector.broadcast %add3A_1244 : i32 to vector<16xi32>
    %add3A_1246 = arith.addi %iota3A_1243, %add3A_1245 : vector<16xi32>
    %get3A_1247 = arith.constant 1 : i32
    %get3A_1248 = arith.index_cast %get3A_1247 : i32 to index
    %get3A_1249 = arith.constant 0 : index
    %get3A_1250 = tpu.vector_load %arg28[%get3A_1248, %get3A_1249] {strides = array<i32>} : memref<4x128xi32, #tpu.memory_space<vmem>>, vector<16xi32>,
    %gather3A_1251 = tpu.vector_load_idx %arg32[%add3A_1246, %get3A_1250] : memref<512x16xf32, #tpu.memory_space<vmem>>[vector<16xi32>, vector<16xi32>], vector<16xf32>,
    %swap3A_1252 = arith.constant 128 : index
    %swap3A_1253 = tpu.vector_load %arg34[%swap3A_1252] {strides = array<i32>} : memref<512xf32, #tpu.memory_space<vmem>>, vector<16xf32>,
    tpu.vector_store %arg34[%swap3A_1252], %gather3A_1251 {strides = array<i32>} : memref<512xf32, #tpu.memory_space<vmem>>, vector<16xf32>,
    %get3A_1254 = arith.constant 1 : i32
    %get3A_1255 = arith.index_cast %get3A_1254 : i32 to index
    %get3A_1256 = arith.constant 0 : index
    %get3A_1257 = tpu.vector_load %arg29[%get3A_1255, %get3A_1256] {strides = array<i32>} : memref<4x128xi32, #tpu.memory_space<vmem>>, vector<16xi32>,
    %gather3A_1258 = tpu.vector_load_idx %arg33[%add3A_1246, %get3A_1257] : memref<512x16xf32, #tpu.memory_space<vmem>>[vector<16xi32>, vector<16xi32>], vector<16xf32>,
    %swap3A_1259 = arith.constant 128 : index
    %swap3A_1260 = tpu.vector_load %arg35[%swap3A_1259] {strides = array<i32>} : memref<512xf32, #tpu.memory_space<vmem>>, vector<16xf32>,
    tpu.vector_store %arg35[%swap3A_1259], %gather3A_1258 {strides = array<i32>} : memref<512xf32, #tpu.memory_space<vmem>>, vector<16xf32>,
    %iota3A_1261 = tpu.iota {dimensions = array<i32: 0>} : vector<16xi32>
    %add3A_1262 = arith.constant 144 : i32
    %add3A_1263 = vector.broadcast %add3A_1262 : i32 to vector<16xi32>
    %add3A_1264 = arith.addi %iota3A_1261, %add3A_1263 : vector<16xi32>
    %get3A_1265 = arith.constant 1 : i32
    %get3A_1266 = arith.index_cast %get3A_1265 : i32 to index
    %get3A_1267 = arith.constant 16 : index
    %get3A_1268 = tpu.vector_load %arg28[%get3A_1266, %get3A_1267] {strides = array<i32>} : memref<4x128xi32, #tpu.memory_space<vmem>>, vector<16xi32>,
    %gather3A_1269 = tpu.vector_load_idx %arg32[%add3A_1264, %get3A_1268] : memref<512x16xf32, #tpu.memory_space<vmem>>[vector<16xi32>, vector<16xi32>], vector<16xf32>,
    %swap3A_1270 = arith.constant 144 : index
    %swap3A_1271 = tpu.vector_load %arg34[%swap3A_1270] {strides = array<i32>} : memref<512xf32, #tpu.memory_space<vmem>>, vector<16xf32>,
    tpu.vector_store %arg34[%swap3A_1270], %gather3A_1269 {strides = array<i32>} : memref<512xf32, #tpu.memory_space<vmem>>, vector<16xf32>,
    %get3A_1272 = arith.constant 1 : i32
    %get3A_1273 = arith.index_cast %get3A_1272 : i32 to index
    %get3A_1274 = arith.constant 16 : index
    %get3A_1275 = tpu.vector_load %arg29[%get3A_1273, %get3A_1274] {strides = array<i32>} : memref<4x128xi32, #tpu.memory_space<vmem>>, vector<16xi32>,
    %gather3A_1276 = tpu.vector_load_idx %arg33[%add3A_1264, %get3A_1275] : memref<512x16xf32, #tpu.memory_space<vmem>>[vector<16xi32>, vector<16xi32>], vector<16xf32>,
    %swap3A_1277 = arith.constant 144 : index
    %swap3A_1278 = tpu.vector_load %arg35[%swap3A_1277] {strides = array<i32>} : memref<512xf32, #tpu.memory_space<vmem>>, vector<16xf32>,
    tpu.vector_store %arg35[%swap3A_1277], %gather3A_1276 {strides = array<i32>} : memref<512xf32, #tpu.memory_space<vmem>>, vector<16xf32>,
    %iota3A_1279 = tpu.iota {dimensions = array<i32: 0>} : vector<16xi32>
    %add3A_1280 = arith.constant 160 : i32
    %add3A_1281 = vector.broadcast %add3A_1280 : i32 to vector<16xi32>
    %add3A_1282 = arith.addi %iota3A_1279, %add3A_1281 : vector<16xi32>
    %get3A_1283 = arith.constant 1 : i32
    %get3A_1284 = arith.index_cast %get3A_1283 : i32 to index
    %get3A_1285 = arith.constant 32 : index
    %get3A_1286 = tpu.vector_load %arg28[%get3A_1284, %get3A_1285] {strides = array<i32>} : memref<4x128xi32, #tpu.memory_space<vmem>>, vector<16xi32>,
    %gather3A_1287 = tpu.vector_load_idx %arg32[%add3A_1282, %get3A_1286] : memref<512x16xf32, #tpu.memory_space<vmem>>[vector<16xi32>, vector<16xi32>], vector<16xf32>,
    %swap3A_1288 = arith.constant 160 : index
    %swap3A_1289 = tpu.vector_load %arg34[%swap3A_1288] {strides = array<i32>} : memref<512xf32, #tpu.memory_space<vmem>>, vector<16xf32>,
    tpu.vector_store %arg34[%swap3A_1288], %gather3A_1287 {strides = array<i32>} : memref<512xf32, #tpu.memory_space<vmem>>, vector<16xf32>,
    %get3A_1290 = arith.constant 1 : i32
    %get3A_1291 = arith.index_cast %get3A_1290 : i32 to index
    %get3A_1292 = arith.constant 32 : index
    %get3A_1293 = tpu.vector_load %arg29[%get3A_1291, %get3A_1292] {strides = array<i32>} : memref<4x128xi32, #tpu.memory_space<vmem>>, vector<16xi32>,
    %gather3A_1294 = tpu.vector_load_idx %arg33[%add3A_1282, %get3A_1293] : memref<512x16xf32, #tpu.memory_space<vmem>>[vector<16xi32>, vector<16xi32>], vector<16xf32>,
    %swap3A_1295 = arith.constant 160 : index
    %swap3A_1296 = tpu.vector_load %arg35[%swap3A_1295] {strides = array<i32>} : memref<512xf32, #tpu.memory_space<vmem>>, vector<16xf32>,
    tpu.vector_store %arg35[%swap3A_1295], %gather3A_1294 {strides = array<i32>} : memref<512xf32, #tpu.memory_space<vmem>>, vector<16xf32>,
    %iota3A_1297 = tpu.iota {dimensions = array<i32: 0>} : vector<16xi32>
    %add3A_1298 = arith.constant 176 : i32
    %add3A_1299 = vector.broadcast %add3A_1298 : i32 to vector<16xi32>
    %add3A_1300 = arith.addi %iota3A_1297, %add3A_1299 : vector<16xi32>
    %get3A_1301 = arith.constant 1 : i32
    %get3A_1302 = arith.index_cast %get3A_1301 : i32 to index
    %get3A_1303 = arith.constant 48 : index
    %get3A_1304 = tpu.vector_load %arg28[%get3A_1302, %get3A_1303] {strides = array<i32>} : memref<4x128xi32, #tpu.memory_space<vmem>>, vector<16xi32>,
    %gather3A_1305 = tpu.vector_load_idx %arg32[%add3A_1300, %get3A_1304] : memref<512x16xf32, #tpu.memory_space<vmem>>[vector<16xi32>, vector<16xi32>], vector<16xf32>,
    %swap3A_1306 = arith.constant 176 : index
    %swap3A_1307 = tpu.vector_load %arg34[%swap3A_1306] {strides = array<i32>} : memref<512xf32, #tpu.memory_space<vmem>>, vector<16xf32>,
    tpu.vector_store %arg34[%swap3A_1306], %gather3A_1305 {strides = array<i32>} : memref<512xf32, #tpu.memory_space<vmem>>, vector<16xf32>,
    %get3A_1308 = arith.constant 1 : i32
    %get3A_1309 = arith.index_cast %get3A_1308 : i32 to index
    %get3A_1310 = arith.constant 48 : index
    %get3A_1311 = tpu.vector_load %arg29[%get3A_1309, %get3A_1310] {strides = array<i32>} : memref<4x128xi32, #tpu.memory_space<vmem>>, vector<16xi32>,
    %gather3A_1312 = tpu.vector_load_idx %arg33[%add3A_1300, %get3A_1311] : memref<512x16xf32, #tpu.memory_space<vmem>>[vector<16xi32>, vector<16xi32>], vector<16xf32>,
    %swap3A_1313 = arith.constant 176 : index
    %swap3A_1314 = tpu.vector_load %arg35[%swap3A_1313] {strides = array<i32>} : memref<512xf32, #tpu.memory_space<vmem>>, vector<16xf32>,
    tpu.vector_store %arg35[%swap3A_1313], %gather3A_1312 {strides = array<i32>} : memref<512xf32, #tpu.memory_space<vmem>>, vector<16xf32>,
    %iota3A_1315 = tpu.iota {dimensions = array<i32: 0>} : vector<16xi32>
    %add3A_1316 = arith.constant 192 : i32
    %add3A_1317 = vector.broadcast %add3A_1316 : i32 to vector<16xi32>
    %add3A_1318 = arith.addi %iota3A_1315, %add3A_1317 : vector<16xi32>
    %get3A_1319 = arith.constant 1 : i32
    %get3A_1320 = arith.index_cast %get3A_1319 : i32 to index
    %get3A_1321 = arith.constant 64 : index
    %get3A_1322 = tpu.vector_load %arg28[%get3A_1320, %get3A_1321] {strides = array<i32>} : memref<4x128xi32, #tpu.memory_space<vmem>>, vector<16xi32>,
    %gather3A_1323 = tpu.vector_load_idx %arg32[%add3A_1318, %get3A_1322] : memref<512x16xf32, #tpu.memory_space<vmem>>[vector<16xi32>, vector<16xi32>], vector<16xf32>,
    %swap3A_1324 = arith.constant 192 : index
    %swap3A_1325 = tpu.vector_load %arg34[%swap3A_1324] {strides = array<i32>} : memref<512xf32, #tpu.memory_space<vmem>>, vector<16xf32>,
    tpu.vector_store %arg34[%swap3A_1324], %gather3A_1323 {strides = array<i32>} : memref<512xf32, #tpu.memory_space<vmem>>, vector<16xf32>,
    %get3A_1326 = arith.constant 1 : i32
    %get3A_1327 = arith.index_cast %get3A_1326 : i32 to index
    %get3A_1328 = arith.constant 64 : index
    %get3A_1329 = tpu.vector_load %arg29[%get3A_1327, %get3A_1328] {strides = array<i32>} : memref<4x128xi32, #tpu.memory_space<vmem>>, vector<16xi32>,
    %gather3A_1330 = tpu.vector_load_idx %arg33[%add3A_1318, %get3A_1329] : memref<512x16xf32, #tpu.memory_space<vmem>>[vector<16xi32>, vector<16xi32>], vector<16xf32>,
    %swap3A_1331 = arith.constant 192 : index
    %swap3A_1332 = tpu.vector_load %arg35[%swap3A_1331] {strides = array<i32>} : memref<512xf32, #tpu.memory_space<vmem>>, vector<16xf32>,
    tpu.vector_store %arg35[%swap3A_1331], %gather3A_1330 {strides = array<i32>} : memref<512xf32, #tpu.memory_space<vmem>>, vector<16xf32>,
    %iota3A_1333 = tpu.iota {dimensions = array<i32: 0>} : vector<16xi32>
    %add3A_1334 = arith.constant 208 : i32
    %add3A_1335 = vector.broadcast %add3A_1334 : i32 to vector<16xi32>
    %add3A_1336 = arith.addi %iota3A_1333, %add3A_1335 : vector<16xi32>
    %get3A_1337 = arith.constant 1 : i32
    %get3A_1338 = arith.index_cast %get3A_1337 : i32 to index
    %get3A_1339 = arith.constant 80 : index
    %get3A_1340 = tpu.vector_load %arg28[%get3A_1338, %get3A_1339] {strides = array<i32>} : memref<4x128xi32, #tpu.memory_space<vmem>>, vector<16xi32>,
    %gather3A_1341 = tpu.vector_load_idx %arg32[%add3A_1336, %get3A_1340] : memref<512x16xf32, #tpu.memory_space<vmem>>[vector<16xi32>, vector<16xi32>], vector<16xf32>,
    %swap3A_1342 = arith.constant 208 : index
    %swap3A_1343 = tpu.vector_load %arg34[%swap3A_1342] {strides = array<i32>} : memref<512xf32, #tpu.memory_space<vmem>>, vector<16xf32>,
    tpu.vector_store %arg34[%swap3A_1342], %gather3A_1341 {strides = array<i32>} : memref<512xf32, #tpu.memory_space<vmem>>, vector<16xf32>,
    %get3A_1344 = arith.constant 1 : i32
    %get3A_1345 = arith.index_cast %get3A_1344 : i32 to index
    %get3A_1346 = arith.constant 80 : index
    %get3A_1347 = tpu.vector_load %arg29[%get3A_1345, %get3A_1346] {strides = array<i32>} : memref<4x128xi32, #tpu.memory_space<vmem>>, vector<16xi32>,
    %gather3A_1348 = tpu.vector_load_idx %arg33[%add3A_1336, %get3A_1347] : memref<512x16xf32, #tpu.memory_space<vmem>>[vector<16xi32>, vector<16xi32>], vector<16xf32>,
    %swap3A_1349 = arith.constant 208 : index
    %swap3A_1350 = tpu.vector_load %arg35[%swap3A_1349] {strides = array<i32>} : memref<512xf32, #tpu.memory_space<vmem>>, vector<16xf32>,
    tpu.vector_store %arg35[%swap3A_1349], %gather3A_1348 {strides = array<i32>} : memref<512xf32, #tpu.memory_space<vmem>>, vector<16xf32>,
    %iota3A_1351 = tpu.iota {dimensions = array<i32: 0>} : vector<16xi32>
    %add3A_1352 = arith.constant 224 : i32
    %add3A_1353 = vector.broadcast %add3A_1352 : i32 to vector<16xi32>
    %add3A_1354 = arith.addi %iota3A_1351, %add3A_1353 : vector<16xi32>
    %get3A_1355 = arith.constant 1 : i32
    %get3A_1356 = arith.index_cast %get3A_1355 : i32 to index
    %get3A_1357 = arith.constant 96 : index
    %get3A_1358 = tpu.vector_load %arg28[%get3A_1356, %get3A_1357] {strides = array<i32>} : memref<4x128xi32, #tpu.memory_space<vmem>>, vector<16xi32>,
    %gather3A_1359 = tpu.vector_load_idx %arg32[%add3A_1354, %get3A_1358] : memref<512x16xf32, #tpu.memory_space<vmem>>[vector<16xi32>, vector<16xi32>], vector<16xf32>,
    %swap3A_1360 = arith.constant 224 : index
    %swap3A_1361 = tpu.vector_load %arg34[%swap3A_1360] {strides = array<i32>} : memref<512xf32, #tpu.memory_space<vmem>>, vector<16xf32>,
    tpu.vector_store %arg34[%swap3A_1360], %gather3A_1359 {strides = array<i32>} : memref<512xf32, #tpu.memory_space<vmem>>, vector<16xf32>,
    %get3A_1362 = arith.constant 1 : i32
    %get3A_1363 = arith.index_cast %get3A_1362 : i32 to index
    %get3A_1364 = arith.constant 96 : index
    %get3A_1365 = tpu.vector_load %arg29[%get3A_1363, %get3A_1364] {strides = array<i32>} : memref<4x128xi32, #tpu.memory_space<vmem>>, vector<16xi32>,
    %gather3A_1366 = tpu.vector_load_idx %arg33[%add3A_1354, %get3A_1365] : memref<512x16xf32, #tpu.memory_space<vmem>>[vector<16xi32>, vector<16xi32>], vector<16xf32>,
    %swap3A_1367 = arith.constant 224 : index
    %swap3A_1368 = tpu.vector_load %arg35[%swap3A_1367] {strides = array<i32>} : memref<512xf32, #tpu.memory_space<vmem>>, vector<16xf32>,
    tpu.vector_store %arg35[%swap3A_1367], %gather3A_1366 {strides = array<i32>} : memref<512xf32, #tpu.memory_space<vmem>>, vector<16xf32>,
    %iota3A_1369 = tpu.iota {dimensions = array<i32: 0>} : vector<16xi32>
    %add3A_1370 = arith.constant 240 : i32
    %add3A_1371 = vector.broadcast %add3A_1370 : i32 to vector<16xi32>
    %add3A_1372 = arith.addi %iota3A_1369, %add3A_1371 : vector<16xi32>
    %get3A_1373 = arith.constant 1 : i32
    %get3A_1374 = arith.index_cast %get3A_1373 : i32 to index
    %get3A_1375 = arith.constant 112 : index
    %get3A_1376 = tpu.vector_load %arg28[%get3A_1374, %get3A_1375] {strides = array<i32>} : memref<4x128xi32, #tpu.memory_space<vmem>>, vector<16xi32>,
    %gather3A_1377 = tpu.vector_load_idx %arg32[%add3A_1372, %get3A_1376] : memref<512x16xf32, #tpu.memory_space<vmem>>[vector<16xi32>, vector<16xi32>], vector<16xf32>,
    %swap3A_1378 = arith.constant 240 : index
    %swap3A_1379 = tpu.vector_load %arg34[%swap3A_1378] {strides = array<i32>} : memref<512xf32, #tpu.memory_space<vmem>>, vector<16xf32>,
    tpu.vector_store %arg34[%swap3A_1378], %gather3A_1377 {strides = array<i32>} : memref<512xf32, #tpu.memory_space<vmem>>, vector<16xf32>,
    %get3A_1380 = arith.constant 1 : i32
    %get3A_1381 = arith.index_cast %get3A_1380 : i32 to index
    %get3A_1382 = arith.constant 112 : index
    %get3A_1383 = tpu.vector_load %arg29[%get3A_1381, %get3A_1382] {strides = array<i32>} : memref<4x128xi32, #tpu.memory_space<vmem>>, vector<16xi32>,
    %gather3A_1384 = tpu.vector_load_idx %arg33[%add3A_1372, %get3A_1383] : memref<512x16xf32, #tpu.memory_space<vmem>>[vector<16xi32>, vector<16xi32>], vector<16xf32>,
    %swap3A_1385 = arith.constant 240 : index
    %swap3A_1386 = tpu.vector_load %arg35[%swap3A_1385] {strides = array<i32>} : memref<512xf32, #tpu.memory_space<vmem>>, vector<16xf32>,
    tpu.vector_store %arg35[%swap3A_1385], %gather3A_1384 {strides = array<i32>} : memref<512xf32, #tpu.memory_space<vmem>>, vector<16xf32>,
    %iota3A_1387 = tpu.iota {dimensions = array<i32: 0>} : vector<16xi32>
    %add3A_1388 = arith.constant 256 : i32
    %add3A_1389 = vector.broadcast %add3A_1388 : i32 to vector<16xi32>
    %add3A_1390 = arith.addi %iota3A_1387, %add3A_1389 : vector<16xi32>
    %get3A_1391 = arith.constant 2 : i32
    %get3A_1392 = arith.index_cast %get3A_1391 : i32 to index
    %get3A_1393 = arith.constant 0 : index
    %get3A_1394 = tpu.vector_load %arg28[%get3A_1392, %get3A_1393] {strides = array<i32>} : memref<4x128xi32, #tpu.memory_space<vmem>>, vector<16xi32>,
    %gather3A_1395 = tpu.vector_load_idx %arg32[%add3A_1390, %get3A_1394] : memref<512x16xf32, #tpu.memory_space<vmem>>[vector<16xi32>, vector<16xi32>], vector<16xf32>,
    %swap3A_1396 = arith.constant 256 : index
    %swap3A_1397 = tpu.vector_load %arg34[%swap3A_1396] {strides = array<i32>} : memref<512xf32, #tpu.memory_space<vmem>>, vector<16xf32>,
    tpu.vector_store %arg34[%swap3A_1396], %gather3A_1395 {strides = array<i32>} : memref<512xf32, #tpu.memory_space<vmem>>, vector<16xf32>,
    %get3A_1398 = arith.constant 2 : i32
    %get3A_1399 = arith.index_cast %get3A_1398 : i32 to index
    %get3A_1400 = arith.constant 0 : index
    %get3A_1401 = tpu.vector_load %arg29[%get3A_1399, %get3A_1400] {strides = array<i32>} : memref<4x128xi32, #tpu.memory_space<vmem>>, vector<16xi32>,
    %gather3A_1402 = tpu.vector_load_idx %arg33[%add3A_1390, %get3A_1401] : memref<512x16xf32, #tpu.memory_space<vmem>>[vector<16xi32>, vector<16xi32>], vector<16xf32>,
    %swap3A_1403 = arith.constant 256 : index
    %swap3A_1404 = tpu.vector_load %arg35[%swap3A_1403] {strides = array<i32>} : memref<512xf32, #tpu.memory_space<vmem>>, vector<16xf32>,
    tpu.vector_store %arg35[%swap3A_1403], %gather3A_1402 {strides = array<i32>} : memref<512xf32, #tpu.memory_space<vmem>>, vector<16xf32>,
    %iota3A_1405 = tpu.iota {dimensions = array<i32: 0>} : vector<16xi32>
    %add3A_1406 = arith.constant 272 : i32
    %add3A_1407 = vector.broadcast %add3A_1406 : i32 to vector<16xi32>
    %add3A_1408 = arith.addi %iota3A_1405, %add3A_1407 : vector<16xi32>
    %get3A_1409 = arith.constant 2 : i32
    %get3A_1410 = arith.index_cast %get3A_1409 : i32 to index
    %get3A_1411 = arith.constant 16 : index
    %get3A_1412 = tpu.vector_load %arg28[%get3A_1410, %get3A_1411] {strides = array<i32>} : memref<4x128xi32, #tpu.memory_space<vmem>>, vector<16xi32>,
    %gather3A_1413 = tpu.vector_load_idx %arg32[%add3A_1408, %get3A_1412] : memref<512x16xf32, #tpu.memory_space<vmem>>[vector<16xi32>, vector<16xi32>], vector<16xf32>,
    %swap3A_1414 = arith.constant 272 : index
    %swap3A_1415 = tpu.vector_load %arg34[%swap3A_1414] {strides = array<i32>} : memref<512xf32, #tpu.memory_space<vmem>>, vector<16xf32>,
    tpu.vector_store %arg34[%swap3A_1414], %gather3A_1413 {strides = array<i32>} : memref<512xf32, #tpu.memory_space<vmem>>, vector<16xf32>,
    %get3A_1416 = arith.constant 2 : i32
    %get3A_1417 = arith.index_cast %get3A_1416 : i32 to index
    %get3A_1418 = arith.constant 16 : index
    %get3A_1419 = tpu.vector_load %arg29[%get3A_1417, %get3A_1418] {strides = array<i32>} : memref<4x128xi32, #tpu.memory_space<vmem>>, vector<16xi32>,
    %gather3A_1420 = tpu.vector_load_idx %arg33[%add3A_1408, %get3A_1419] : memref<512x16xf32, #tpu.memory_space<vmem>>[vector<16xi32>, vector<16xi32>], vector<16xf32>,
    %swap3A_1421 = arith.constant 272 : index
    %swap3A_1422 = tpu.vector_load %arg35[%swap3A_1421] {strides = array<i32>} : memref<512xf32, #tpu.memory_space<vmem>>, vector<16xf32>,
    tpu.vector_store %arg35[%swap3A_1421], %gather3A_1420 {strides = array<i32>} : memref<512xf32, #tpu.memory_space<vmem>>, vector<16xf32>,
    %iota3A_1423 = tpu.iota {dimensions = array<i32: 0>} : vector<16xi32>
    %add3A_1424 = arith.constant 288 : i32
    %add3A_1425 = vector.broadcast %add3A_1424 : i32 to vector<16xi32>
    %add3A_1426 = arith.addi %iota3A_1423, %add3A_1425 : vector<16xi32>
    %get3A_1427 = arith.constant 2 : i32
    %get3A_1428 = arith.index_cast %get3A_1427 : i32 to index
    %get3A_1429 = arith.constant 32 : index
    %get3A_1430 = tpu.vector_load %arg28[%get3A_1428, %get3A_1429] {strides = array<i32>} : memref<4x128xi32, #tpu.memory_space<vmem>>, vector<16xi32>,
    %gather3A_1431 = tpu.vector_load_idx %arg32[%add3A_1426, %get3A_1430] : memref<512x16xf32, #tpu.memory_space<vmem>>[vector<16xi32>, vector<16xi32>], vector<16xf32>,
    %swap3A_1432 = arith.constant 288 : index
    %swap3A_1433 = tpu.vector_load %arg34[%swap3A_1432] {strides = array<i32>} : memref<512xf32, #tpu.memory_space<vmem>>, vector<16xf32>,
    tpu.vector_store %arg34[%swap3A_1432], %gather3A_1431 {strides = array<i32>} : memref<512xf32, #tpu.memory_space<vmem>>, vector<16xf32>,
    %get3A_1434 = arith.constant 2 : i32
    %get3A_1435 = arith.index_cast %get3A_1434 : i32 to index
    %get3A_1436 = arith.constant 32 : index
    %get3A_1437 = tpu.vector_load %arg29[%get3A_1435, %get3A_1436] {strides = array<i32>} : memref<4x128xi32, #tpu.memory_space<vmem>>, vector<16xi32>,
    %gather3A_1438 = tpu.vector_load_idx %arg33[%add3A_1426, %get3A_1437] : memref<512x16xf32, #tpu.memory_space<vmem>>[vector<16xi32>, vector<16xi32>], vector<16xf32>,
    %swap3A_1439 = arith.constant 288 : index
    %swap3A_1440 = tpu.vector_load %arg35[%swap3A_1439] {strides = array<i32>} : memref<512xf32, #tpu.memory_space<vmem>>, vector<16xf32>,
    tpu.vector_store %arg35[%swap3A_1439], %gather3A_1438 {strides = array<i32>} : memref<512xf32, #tpu.memory_space<vmem>>, vector<16xf32>,
    %iota3A_1441 = tpu.iota {dimensions = array<i32: 0>} : vector<16xi32>
    %add3A_1442 = arith.constant 304 : i32
    %add3A_1443 = vector.broadcast %add3A_1442 : i32 to vector<16xi32>
    %add3A_1444 = arith.addi %iota3A_1441, %add3A_1443 : vector<16xi32>
    %get3A_1445 = arith.constant 2 : i32
    %get3A_1446 = arith.index_cast %get3A_1445 : i32 to index
    %get3A_1447 = arith.constant 48 : index
    %get3A_1448 = tpu.vector_load %arg28[%get3A_1446, %get3A_1447] {strides = array<i32>} : memref<4x128xi32, #tpu.memory_space<vmem>>, vector<16xi32>,
    %gather3A_1449 = tpu.vector_load_idx %arg32[%add3A_1444, %get3A_1448] : memref<512x16xf32, #tpu.memory_space<vmem>>[vector<16xi32>, vector<16xi32>], vector<16xf32>,
    %swap3A_1450 = arith.constant 304 : index
    %swap3A_1451 = tpu.vector_load %arg34[%swap3A_1450] {strides = array<i32>} : memref<512xf32, #tpu.memory_space<vmem>>, vector<16xf32>,
    tpu.vector_store %arg34[%swap3A_1450], %gather3A_1449 {strides = array<i32>} : memref<512xf32, #tpu.memory_space<vmem>>, vector<16xf32>,
    %get3A_1452 = arith.constant 2 : i32
    %get3A_1453 = arith.index_cast %get3A_1452 : i32 to index
    %get3A_1454 = arith.constant 48 : index
    %get3A_1455 = tpu.vector_load %arg29[%get3A_1453, %get3A_1454] {strides = array<i32>} : memref<4x128xi32, #tpu.memory_space<vmem>>, vector<16xi32>,
    %gather3A_1456 = tpu.vector_load_idx %arg33[%add3A_1444, %get3A_1455] : memref<512x16xf32, #tpu.memory_space<vmem>>[vector<16xi32>, vector<16xi32>], vector<16xf32>,
    %swap3A_1457 = arith.constant 304 : index
    %swap3A_1458 = tpu.vector_load %arg35[%swap3A_1457] {strides = array<i32>} : memref<512xf32, #tpu.memory_space<vmem>>, vector<16xf32>,
    tpu.vector_store %arg35[%swap3A_1457], %gather3A_1456 {strides = array<i32>} : memref<512xf32, #tpu.memory_space<vmem>>, vector<16xf32>,
    %iota3A_1459 = tpu.iota {dimensions = array<i32: 0>} : vector<16xi32>
    %add3A_1460 = arith.constant 320 : i32
    %add3A_1461 = vector.broadcast %add3A_1460 : i32 to vector<16xi32>
    %add3A_1462 = arith.addi %iota3A_1459, %add3A_1461 : vector<16xi32>
    %get3A_1463 = arith.constant 2 : i32
    %get3A_1464 = arith.index_cast %get3A_1463 : i32 to index
    %get3A_1465 = arith.constant 64 : index
    %get3A_1466 = tpu.vector_load %arg28[%get3A_1464, %get3A_1465] {strides = array<i32>} : memref<4x128xi32, #tpu.memory_space<vmem>>, vector<16xi32>,
    %gather3A_1467 = tpu.vector_load_idx %arg32[%add3A_1462, %get3A_1466] : memref<512x16xf32, #tpu.memory_space<vmem>>[vector<16xi32>, vector<16xi32>], vector<16xf32>,
    %swap3A_1468 = arith.constant 320 : index
    %swap3A_1469 = tpu.vector_load %arg34[%swap3A_1468] {strides = array<i32>} : memref<512xf32, #tpu.memory_space<vmem>>, vector<16xf32>,
    tpu.vector_store %arg34[%swap3A_1468], %gather3A_1467 {strides = array<i32>} : memref<512xf32, #tpu.memory_space<vmem>>, vector<16xf32>,
    %get3A_1470 = arith.constant 2 : i32
    %get3A_1471 = arith.index_cast %get3A_1470 : i32 to index
    %get3A_1472 = arith.constant 64 : index
    %get3A_1473 = tpu.vector_load %arg29[%get3A_1471, %get3A_1472] {strides = array<i32>} : memref<4x128xi32, #tpu.memory_space<vmem>>, vector<16xi32>,
    %gather3A_1474 = tpu.vector_load_idx %arg33[%add3A_1462, %get3A_1473] : memref<512x16xf32, #tpu.memory_space<vmem>>[vector<16xi32>, vector<16xi32>], vector<16xf32>,
    %swap3A_1475 = arith.constant 320 : index
    %swap3A_1476 = tpu.vector_load %arg35[%swap3A_1475] {strides = array<i32>} : memref<512xf32, #tpu.memory_space<vmem>>, vector<16xf32>,
    tpu.vector_store %arg35[%swap3A_1475], %gather3A_1474 {strides = array<i32>} : memref<512xf32, #tpu.memory_space<vmem>>, vector<16xf32>,
    %iota3A_1477 = tpu.iota {dimensions = array<i32: 0>} : vector<16xi32>
    %add3A_1478 = arith.constant 336 : i32
    %add3A_1479 = vector.broadcast %add3A_1478 : i32 to vector<16xi32>
    %add3A_1480 = arith.addi %iota3A_1477, %add3A_1479 : vector<16xi32>
    %get3A_1481 = arith.constant 2 : i32
    %get3A_1482 = arith.index_cast %get3A_1481 : i32 to index
    %get3A_1483 = arith.constant 80 : index
    %get3A_1484 = tpu.vector_load %arg28[%get3A_1482, %get3A_1483] {strides = array<i32>} : memref<4x128xi32, #tpu.memory_space<vmem>>, vector<16xi32>,
    %gather3A_1485 = tpu.vector_load_idx %arg32[%add3A_1480, %get3A_1484] : memref<512x16xf32, #tpu.memory_space<vmem>>[vector<16xi32>, vector<16xi32>], vector<16xf32>,
    %swap3A_1486 = arith.constant 336 : index
    %swap3A_1487 = tpu.vector_load %arg34[%swap3A_1486] {strides = array<i32>} : memref<512xf32, #tpu.memory_space<vmem>>, vector<16xf32>,
    tpu.vector_store %arg34[%swap3A_1486], %gather3A_1485 {strides = array<i32>} : memref<512xf32, #tpu.memory_space<vmem>>, vector<16xf32>,
    %get3A_1488 = arith.constant 2 : i32
    %get3A_1489 = arith.index_cast %get3A_1488 : i32 to index
    %get3A_1490 = arith.constant 80 : index
    %get3A_1491 = tpu.vector_load %arg29[%get3A_1489, %get3A_1490] {strides = array<i32>} : memref<4x128xi32, #tpu.memory_space<vmem>>, vector<16xi32>,
    %gather3A_1492 = tpu.vector_load_idx %arg33[%add3A_1480, %get3A_1491] : memref<512x16xf32, #tpu.memory_space<vmem>>[vector<16xi32>, vector<16xi32>], vector<16xf32>,
    %swap3A_1493 = arith.constant 336 : index
    %swap3A_1494 = tpu.vector_load %arg35[%swap3A_1493] {strides = array<i32>} : memref<512xf32, #tpu.memory_space<vmem>>, vector<16xf32>,
    tpu.vector_store %arg35[%swap3A_1493], %gather3A_1492 {strides = array<i32>} : memref<512xf32, #tpu.memory_space<vmem>>, vector<16xf32>,
    %iota3A_1495 = tpu.iota {dimensions = array<i32: 0>} : vector<16xi32>
    %add3A_1496 = arith.constant 352 : i32
    %add3A_1497 = vector.broadcast %add3A_1496 : i32 to vector<16xi32>
    %add3A_1498 = arith.addi %iota3A_1495, %add3A_1497 : vector<16xi32>
    %get3A_1499 = arith.constant 2 : i32
    %get3A_1500 = arith.index_cast %get3A_1499 : i32 to index
    %get3A_1501 = arith.constant 96 : index
    %get3A_1502 = tpu.vector_load %arg28[%get3A_1500, %get3A_1501] {strides = array<i32>} : memref<4x128xi32, #tpu.memory_space<vmem>>, vector<16xi32>,
    %gather3A_1503 = tpu.vector_load_idx %arg32[%add3A_1498, %get3A_1502] : memref<512x16xf32, #tpu.memory_space<vmem>>[vector<16xi32>, vector<16xi32>], vector<16xf32>,
    %swap3A_1504 = arith.constant 352 : index
    %swap3A_1505 = tpu.vector_load %arg34[%swap3A_1504] {strides = array<i32>} : memref<512xf32, #tpu.memory_space<vmem>>, vector<16xf32>,
    tpu.vector_store %arg34[%swap3A_1504], %gather3A_1503 {strides = array<i32>} : memref<512xf32, #tpu.memory_space<vmem>>, vector<16xf32>,
    %get3A_1506 = arith.constant 2 : i32
    %get3A_1507 = arith.index_cast %get3A_1506 : i32 to index
    %get3A_1508 = arith.constant 96 : index
    %get3A_1509 = tpu.vector_load %arg29[%get3A_1507, %get3A_1508] {strides = array<i32>} : memref<4x128xi32, #tpu.memory_space<vmem>>, vector<16xi32>,
    %gather3A_1510 = tpu.vector_load_idx %arg33[%add3A_1498, %get3A_1509] : memref<512x16xf32, #tpu.memory_space<vmem>>[vector<16xi32>, vector<16xi32>], vector<16xf32>,
    %swap3A_1511 = arith.constant 352 : index
    %swap3A_1512 = tpu.vector_load %arg35[%swap3A_1511] {strides = array<i32>} : memref<512xf32, #tpu.memory_space<vmem>>, vector<16xf32>,
    tpu.vector_store %arg35[%swap3A_1511], %gather3A_1510 {strides = array<i32>} : memref<512xf32, #tpu.memory_space<vmem>>, vector<16xf32>,
    %iota3A_1513 = tpu.iota {dimensions = array<i32: 0>} : vector<16xi32>
    %add3A_1514 = arith.constant 368 : i32
    %add3A_1515 = vector.broadcast %add3A_1514 : i32 to vector<16xi32>
    %add3A_1516 = arith.addi %iota3A_1513, %add3A_1515 : vector<16xi32>
    %get3A_1517 = arith.constant 2 : i32
    %get3A_1518 = arith.index_cast %get3A_1517 : i32 to index
    %get3A_1519 = arith.constant 112 : index
    %get3A_1520 = tpu.vector_load %arg28[%get3A_1518, %get3A_1519] {strides = array<i32>} : memref<4x128xi32, #tpu.memory_space<vmem>>, vector<16xi32>,
    %gather3A_1521 = tpu.vector_load_idx %arg32[%add3A_1516, %get3A_1520] : memref<512x16xf32, #tpu.memory_space<vmem>>[vector<16xi32>, vector<16xi32>], vector<16xf32>,
    %swap3A_1522 = arith.constant 368 : index
    %swap3A_1523 = tpu.vector_load %arg34[%swap3A_1522] {strides = array<i32>} : memref<512xf32, #tpu.memory_space<vmem>>, vector<16xf32>,
    tpu.vector_store %arg34[%swap3A_1522], %gather3A_1521 {strides = array<i32>} : memref<512xf32, #tpu.memory_space<vmem>>, vector<16xf32>,
    %get3A_1524 = arith.constant 2 : i32
    %get3A_1525 = arith.index_cast %get3A_1524 : i32 to index
    %get3A_1526 = arith.constant 112 : index
    %get3A_1527 = tpu.vector_load %arg29[%get3A_1525, %get3A_1526] {strides = array<i32>} : memref<4x128xi32, #tpu.memory_space<vmem>>, vector<16xi32>,
    %gather3A_1528 = tpu.vector_load_idx %arg33[%add3A_1516, %get3A_1527] : memref<512x16xf32, #tpu.memory_space<vmem>>[vector<16xi32>, vector<16xi32>], vector<16xf32>,
    %swap3A_1529 = arith.constant 368 : index
    %swap3A_1530 = tpu.vector_load %arg35[%swap3A_1529] {strides = array<i32>} : memref<512xf32, #tpu.memory_space<vmem>>, vector<16xf32>,
    tpu.vector_store %arg35[%swap3A_1529], %gather3A_1528 {strides = array<i32>} : memref<512xf32, #tpu.memory_space<vmem>>, vector<16xf32>,
    %iota3A_1531 = tpu.iota {dimensions = array<i32: 0>} : vector<16xi32>
    %add3A_1532 = arith.constant 384 : i32
    %add3A_1533 = vector.broadcast %add3A_1532 : i32 to vector<16xi32>
    %add3A_1534 = arith.addi %iota3A_1531, %add3A_1533 : vector<16xi32>
    %get3A_1535 = arith.constant 3 : i32
    %get3A_1536 = arith.index_cast %get3A_1535 : i32 to index
    %get3A_1537 = arith.constant 0 : index
    %get3A_1538 = tpu.vector_load %arg28[%get3A_1536, %get3A_1537] {strides = array<i32>} : memref<4x128xi32, #tpu.memory_space<vmem>>, vector<16xi32>,
    %gather3A_1539 = tpu.vector_load_idx %arg32[%add3A_1534, %get3A_1538] : memref<512x16xf32, #tpu.memory_space<vmem>>[vector<16xi32>, vector<16xi32>], vector<16xf32>,
    %swap3A_1540 = arith.constant 384 : index
    %swap3A_1541 = tpu.vector_load %arg34[%swap3A_1540] {strides = array<i32>} : memref<512xf32, #tpu.memory_space<vmem>>, vector<16xf32>,
    tpu.vector_store %arg34[%swap3A_1540], %gather3A_1539 {strides = array<i32>} : memref<512xf32, #tpu.memory_space<vmem>>, vector<16xf32>,
    %get3A_1542 = arith.constant 3 : i32
    %get3A_1543 = arith.index_cast %get3A_1542 : i32 to index
    %get3A_1544 = arith.constant 0 : index
    %get3A_1545 = tpu.vector_load %arg29[%get3A_1543, %get3A_1544] {strides = array<i32>} : memref<4x128xi32, #tpu.memory_space<vmem>>, vector<16xi32>,
    %gather3A_1546 = tpu.vector_load_idx %arg33[%add3A_1534, %get3A_1545] : memref<512x16xf32, #tpu.memory_space<vmem>>[vector<16xi32>, vector<16xi32>], vector<16xf32>,
    %swap3A_1547 = arith.constant 384 : index
    %swap3A_1548 = tpu.vector_load %arg35[%swap3A_1547] {strides = array<i32>} : memref<512xf32, #tpu.memory_space<vmem>>, vector<16xf32>,
    tpu.vector_store %arg35[%swap3A_1547], %gather3A_1546 {strides = array<i32>} : memref<512xf32, #tpu.memory_space<vmem>>, vector<16xf32>,
    %iota3A_1549 = tpu.iota {dimensions = array<i32: 0>} : vector<16xi32>
    %add3A_1550 = arith.constant 400 : i32
    %add3A_1551 = vector.broadcast %add3A_1550 : i32 to vector<16xi32>
    %add3A_1552 = arith.addi %iota3A_1549, %add3A_1551 : vector<16xi32>
    %get3A_1553 = arith.constant 3 : i32
    %get3A_1554 = arith.index_cast %get3A_1553 : i32 to index
    %get3A_1555 = arith.constant 16 : index
    %get3A_1556 = tpu.vector_load %arg28[%get3A_1554, %get3A_1555] {strides = array<i32>} : memref<4x128xi32, #tpu.memory_space<vmem>>, vector<16xi32>,
    %gather3A_1557 = tpu.vector_load_idx %arg32[%add3A_1552, %get3A_1556] : memref<512x16xf32, #tpu.memory_space<vmem>>[vector<16xi32>, vector<16xi32>], vector<16xf32>,
    %swap3A_1558 = arith.constant 400 : index
    %swap3A_1559 = tpu.vector_load %arg34[%swap3A_1558] {strides = array<i32>} : memref<512xf32, #tpu.memory_space<vmem>>, vector<16xf32>,
    tpu.vector_store %arg34[%swap3A_1558], %gather3A_1557 {strides = array<i32>} : memref<512xf32, #tpu.memory_space<vmem>>, vector<16xf32>,
    %get3A_1560 = arith.constant 3 : i32
    %get3A_1561 = arith.index_cast %get3A_1560 : i32 to index
    %get3A_1562 = arith.constant 16 : index
    %get3A_1563 = tpu.vector_load %arg29[%get3A_1561, %get3A_1562] {strides = array<i32>} : memref<4x128xi32, #tpu.memory_space<vmem>>, vector<16xi32>,
    %gather3A_1564 = tpu.vector_load_idx %arg33[%add3A_1552, %get3A_1563] : memref<512x16xf32, #tpu.memory_space<vmem>>[vector<16xi32>, vector<16xi32>], vector<16xf32>,
    %swap3A_1565 = arith.constant 400 : index
    %swap3A_1566 = tpu.vector_load %arg35[%swap3A_1565] {strides = array<i32>} : memref<512xf32, #tpu.memory_space<vmem>>, vector<16xf32>,
    tpu.vector_store %arg35[%swap3A_1565], %gather3A_1564 {strides = array<i32>} : memref<512xf32, #tpu.memory_space<vmem>>, vector<16xf32>,
    %iota3A_1567 = tpu.iota {dimensions = array<i32: 0>} : vector<16xi32>
    %add3A_1568 = arith.constant 416 : i32
    %add3A_1569 = vector.broadcast %add3A_1568 : i32 to vector<16xi32>
    %add3A_1570 = arith.addi %iota3A_1567, %add3A_1569 : vector<16xi32>
    %get3A_1571 = arith.constant 3 : i32
    %get3A_1572 = arith.index_cast %get3A_1571 : i32 to index
    %get3A_1573 = arith.constant 32 : index
    %get3A_1574 = tpu.vector_load %arg28[%get3A_1572, %get3A_1573] {strides = array<i32>} : memref<4x128xi32, #tpu.memory_space<vmem>>, vector<16xi32>,
    %gather3A_1575 = tpu.vector_load_idx %arg32[%add3A_1570, %get3A_1574] : memref<512x16xf32, #tpu.memory_space<vmem>>[vector<16xi32>, vector<16xi32>], vector<16xf32>,
    %swap3A_1576 = arith.constant 416 : index
    %swap3A_1577 = tpu.vector_load %arg34[%swap3A_1576] {strides = array<i32>} : memref<512xf32, #tpu.memory_space<vmem>>, vector<16xf32>,
    tpu.vector_store %arg34[%swap3A_1576], %gather3A_1575 {strides = array<i32>} : memref<512xf32, #tpu.memory_space<vmem>>, vector<16xf32>,
    %get3A_1578 = arith.constant 3 : i32
    %get3A_1579 = arith.index_cast %get3A_1578 : i32 to index
    %get3A_1580 = arith.constant 32 : index
    %get3A_1581 = tpu.vector_load %arg29[%get3A_1579, %get3A_1580] {strides = array<i32>} : memref<4x128xi32, #tpu.memory_space<vmem>>, vector<16xi32>,
    %gather3A_1582 = tpu.vector_load_idx %arg33[%add3A_1570, %get3A_1581] : memref<512x16xf32, #tpu.memory_space<vmem>>[vector<16xi32>, vector<16xi32>], vector<16xf32>,
    %swap3A_1583 = arith.constant 416 : index
    %swap3A_1584 = tpu.vector_load %arg35[%swap3A_1583] {strides = array<i32>} : memref<512xf32, #tpu.memory_space<vmem>>, vector<16xf32>,
    tpu.vector_store %arg35[%swap3A_1583], %gather3A_1582 {strides = array<i32>} : memref<512xf32, #tpu.memory_space<vmem>>, vector<16xf32>,
    %iota3A_1585 = tpu.iota {dimensions = array<i32: 0>} : vector<16xi32>
    %add3A_1586 = arith.constant 432 : i32
    %add3A_1587 = vector.broadcast %add3A_1586 : i32 to vector<16xi32>
    %add3A_1588 = arith.addi %iota3A_1585, %add3A_1587 : vector<16xi32>
    %get3A_1589 = arith.constant 3 : i32
    %get3A_1590 = arith.index_cast %get3A_1589 : i32 to index
    %get3A_1591 = arith.constant 48 : index
    %get3A_1592 = tpu.vector_load %arg28[%get3A_1590, %get3A_1591] {strides = array<i32>} : memref<4x128xi32, #tpu.memory_space<vmem>>, vector<16xi32>,
    %gather3A_1593 = tpu.vector_load_idx %arg32[%add3A_1588, %get3A_1592] : memref<512x16xf32, #tpu.memory_space<vmem>>[vector<16xi32>, vector<16xi32>], vector<16xf32>,
    %swap3A_1594 = arith.constant 432 : index
    %swap3A_1595 = tpu.vector_load %arg34[%swap3A_1594] {strides = array<i32>} : memref<512xf32, #tpu.memory_space<vmem>>, vector<16xf32>,
    tpu.vector_store %arg34[%swap3A_1594], %gather3A_1593 {strides = array<i32>} : memref<512xf32, #tpu.memory_space<vmem>>, vector<16xf32>,
    %get3A_1596 = arith.constant 3 : i32
    %get3A_1597 = arith.index_cast %get3A_1596 : i32 to index
    %get3A_1598 = arith.constant 48 : index
    %get3A_1599 = tpu.vector_load %arg29[%get3A_1597, %get3A_1598] {strides = array<i32>} : memref<4x128xi32, #tpu.memory_space<vmem>>, vector<16xi32>,
    %gather3A_1600 = tpu.vector_load_idx %arg33[%add3A_1588, %get3A_1599] : memref<512x16xf32, #tpu.memory_space<vmem>>[vector<16xi32>, vector<16xi32>], vector<16xf32>,
    %swap3A_1601 = arith.constant 432 : index
    %swap3A_1602 = tpu.vector_load %arg35[%swap3A_1601] {strides = array<i32>} : memref<512xf32, #tpu.memory_space<vmem>>, vector<16xf32>,
    tpu.vector_store %arg35[%swap3A_1601], %gather3A_1600 {strides = array<i32>} : memref<512xf32, #tpu.memory_space<vmem>>, vector<16xf32>,
    %iota3A_1603 = tpu.iota {dimensions = array<i32: 0>} : vector<16xi32>
    %add3A_1604 = arith.constant 448 : i32
    %add3A_1605 = vector.broadcast %add3A_1604 : i32 to vector<16xi32>
    %add3A_1606 = arith.addi %iota3A_1603, %add3A_1605 : vector<16xi32>
    %get3A_1607 = arith.constant 3 : i32
    %get3A_1608 = arith.index_cast %get3A_1607 : i32 to index
    %get3A_1609 = arith.constant 64 : index
    %get3A_1610 = tpu.vector_load %arg28[%get3A_1608, %get3A_1609] {strides = array<i32>} : memref<4x128xi32, #tpu.memory_space<vmem>>, vector<16xi32>,
    %gather3A_1611 = tpu.vector_load_idx %arg32[%add3A_1606, %get3A_1610] : memref<512x16xf32, #tpu.memory_space<vmem>>[vector<16xi32>, vector<16xi32>], vector<16xf32>,
    %swap3A_1612 = arith.constant 448 : index
    %swap3A_1613 = tpu.vector_load %arg34[%swap3A_1612] {strides = array<i32>} : memref<512xf32, #tpu.memory_space<vmem>>, vector<16xf32>,
    tpu.vector_store %arg34[%swap3A_1612], %gather3A_1611 {strides = array<i32>} : memref<512xf32, #tpu.memory_space<vmem>>, vector<16xf32>,
    %get3A_1614 = arith.constant 3 : i32
    %get3A_1615 = arith.index_cast %get3A_1614 : i32 to index
    %get3A_1616 = arith.constant 64 : index
    %get3A_1617 = tpu.vector_load %arg29[%get3A_1615, %get3A_1616] {strides = array<i32>} : memref<4x128xi32, #tpu.memory_space<vmem>>, vector<16xi32>,
    %gather3A_1618 = tpu.vector_load_idx %arg33[%add3A_1606, %get3A_1617] : memref<512x16xf32, #tpu.memory_space<vmem>>[vector<16xi32>, vector<16xi32>], vector<16xf32>,
    %swap3A_1619 = arith.constant 448 : index
    %swap3A_1620 = tpu.vector_load %arg35[%swap3A_1619] {strides = array<i32>} : memref<512xf32, #tpu.memory_space<vmem>>, vector<16xf32>,
    tpu.vector_store %arg35[%swap3A_1619], %gather3A_1618 {strides = array<i32>} : memref<512xf32, #tpu.memory_space<vmem>>, vector<16xf32>,
    %iota3A_1621 = tpu.iota {dimensions = array<i32: 0>} : vector<16xi32>
    %add3A_1622 = arith.constant 464 : i32
    %add3A_1623 = vector.broadcast %add3A_1622 : i32 to vector<16xi32>
    %add3A_1624 = arith.addi %iota3A_1621, %add3A_1623 : vector<16xi32>
    %get3A_1625 = arith.constant 3 : i32
    %get3A_1626 = arith.index_cast %get3A_1625 : i32 to index
    %get3A_1627 = arith.constant 80 : index
    %get3A_1628 = tpu.vector_load %arg28[%get3A_1626, %get3A_1627] {strides = array<i32>} : memref<4x128xi32, #tpu.memory_space<vmem>>, vector<16xi32>,
    %gather3A_1629 = tpu.vector_load_idx %arg32[%add3A_1624, %get3A_1628] : memref<512x16xf32, #tpu.memory_space<vmem>>[vector<16xi32>, vector<16xi32>], vector<16xf32>,
    %swap3A_1630 = arith.constant 464 : index
    %swap3A_1631 = tpu.vector_load %arg34[%swap3A_1630] {strides = array<i32>} : memref<512xf32, #tpu.memory_space<vmem>>, vector<16xf32>,
    tpu.vector_store %arg34[%swap3A_1630], %gather3A_1629 {strides = array<i32>} : memref<512xf32, #tpu.memory_space<vmem>>, vector<16xf32>,
    %get3A_1632 = arith.constant 3 : i32
    %get3A_1633 = arith.index_cast %get3A_1632 : i32 to index
    %get3A_1634 = arith.constant 80 : index
    %get3A_1635 = tpu.vector_load %arg29[%get3A_1633, %get3A_1634] {strides = array<i32>} : memref<4x128xi32, #tpu.memory_space<vmem>>, vector<16xi32>,
    %gather3A_1636 = tpu.vector_load_idx %arg33[%add3A_1624, %get3A_1635] : memref<512x16xf32, #tpu.memory_space<vmem>>[vector<16xi32>, vector<16xi32>], vector<16xf32>,
    %swap3A_1637 = arith.constant 464 : index
    %swap3A_1638 = tpu.vector_load %arg35[%swap3A_1637] {strides = array<i32>} : memref<512xf32, #tpu.memory_space<vmem>>, vector<16xf32>,
    tpu.vector_store %arg35[%swap3A_1637], %gather3A_1636 {strides = array<i32>} : memref<512xf32, #tpu.memory_space<vmem>>, vector<16xf32>,
    %iota3A_1639 = tpu.iota {dimensions = array<i32: 0>} : vector<16xi32>
    %add3A_1640 = arith.constant 480 : i32
    %add3A_1641 = vector.broadcast %add3A_1640 : i32 to vector<16xi32>
    %add3A_1642 = arith.addi %iota3A_1639, %add3A_1641 : vector<16xi32>
    %get3A_1643 = arith.constant 3 : i32
    %get3A_1644 = arith.index_cast %get3A_1643 : i32 to index
    %get3A_1645 = arith.constant 96 : index
    %get3A_1646 = tpu.vector_load %arg28[%get3A_1644, %get3A_1645] {strides = array<i32>} : memref<4x128xi32, #tpu.memory_space<vmem>>, vector<16xi32>,
    %gather3A_1647 = tpu.vector_load_idx %arg32[%add3A_1642, %get3A_1646] : memref<512x16xf32, #tpu.memory_space<vmem>>[vector<16xi32>, vector<16xi32>], vector<16xf32>,
    %swap3A_1648 = arith.constant 480 : index
    %swap3A_1649 = tpu.vector_load %arg34[%swap3A_1648] {strides = array<i32>} : memref<512xf32, #tpu.memory_space<vmem>>, vector<16xf32>,
    tpu.vector_store %arg34[%swap3A_1648], %gather3A_1647 {strides = array<i32>} : memref<512xf32, #tpu.memory_space<vmem>>, vector<16xf32>,
    %get3A_1650 = arith.constant 3 : i32
    %get3A_1651 = arith.index_cast %get3A_1650 : i32 to index
    %get3A_1652 = arith.constant 96 : index
    %get3A_1653 = tpu.vector_load %arg29[%get3A_1651, %get3A_1652] {strides = array<i32>} : memref<4x128xi32, #tpu.memory_space<vmem>>, vector<16xi32>,
    %gather3A_1654 = tpu.vector_load_idx %arg33[%add3A_1642, %get3A_1653] : memref<512x16xf32, #tpu.memory_space<vmem>>[vector<16xi32>, vector<16xi32>], vector<16xf32>,
    %swap3A_1655 = arith.constant 480 : index
    %swap3A_1656 = tpu.vector_load %arg35[%swap3A_1655] {strides = array<i32>} : memref<512xf32, #tpu.memory_space<vmem>>, vector<16xf32>,
    tpu.vector_store %arg35[%swap3A_1655], %gather3A_1654 {strides = array<i32>} : memref<512xf32, #tpu.memory_space<vmem>>, vector<16xf32>,
    %iota3A_1657 = tpu.iota {dimensions = array<i32: 0>} : vector<16xi32>
    %add3A_1658 = arith.constant 496 : i32
    %add3A_1659 = vector.broadcast %add3A_1658 : i32 to vector<16xi32>
    %add3A_1660 = arith.addi %iota3A_1657, %add3A_1659 : vector<16xi32>
    %get3A_1661 = arith.constant 3 : i32
    %get3A_1662 = arith.index_cast %get3A_1661 : i32 to index
    %get3A_1663 = arith.constant 112 : index
    %get3A_1664 = tpu.vector_load %arg28[%get3A_1662, %get3A_1663] {strides = array<i32>} : memref<4x128xi32, #tpu.memory_space<vmem>>, vector<16xi32>,
    %gather3A_1665 = tpu.vector_load_idx %arg32[%add3A_1660, %get3A_1664] : memref<512x16xf32, #tpu.memory_space<vmem>>[vector<16xi32>, vector<16xi32>], vector<16xf32>,
    %swap3A_1666 = arith.constant 496 : index
    %swap3A_1667 = tpu.vector_load %arg34[%swap3A_1666] {strides = array<i32>} : memref<512xf32, #tpu.memory_space<vmem>>, vector<16xf32>,
    tpu.vector_store %arg34[%swap3A_1666], %gather3A_1665 {strides = array<i32>} : memref<512xf32, #tpu.memory_space<vmem>>, vector<16xf32>,
    %get3A_1668 = arith.constant 3 : i32
    %get3A_1669 = arith.index_cast %get3A_1668 : i32 to index
    %get3A_1670 = arith.constant 112 : index
    %get3A_1671 = tpu.vector_load %arg29[%get3A_1669, %get3A_1670] {strides = array<i32>} : memref<4x128xi32, #tpu.memory_space<vmem>>, vector<16xi32>,
    %gather3A_1672 = tpu.vector_load_idx %arg33[%add3A_1660, %get3A_1671] : memref<512x16xf32, #tpu.memory_space<vmem>>[vector<16xi32>, vector<16xi32>], vector<16xf32>,
    %swap3A_1673 = arith.constant 496 : index
    %swap3A_1674 = tpu.vector_load %arg35[%swap3A_1673] {strides = array<i32>} : memref<512xf32, #tpu.memory_space<vmem>>, vector<16xf32>,
    tpu.vector_store %arg35[%swap3A_1673], %gather3A_1672 {strides = array<i32>} : memref<512xf32, #tpu.memory_space<vmem>>, vector<16xf32>,
    "tpu.region"() ({
      %run_scoped3A = tpu.sem_alloc : memref<!tpu.dma_semaphore, #tpu.memory_space<semaphore_mem>>
      %dma_start3A_1675 = arith.constant 0 : i32
      %dma_start3A_1676 = tpu.memref_slice %arg8[%mul3A_2, %dma_start3A_1675] : memref<16384x64xf32, #tpu.memory_space<hbm>> -> memref<512x64xf32, #tpu.memory_space<hbm>>
      %dma_start3A_1677 = arith.constant 0 : i32
      %dma_start3A_1678 = tpu.memref_slice %arg8[%mul3A_2, %dma_start3A_1677] : memref<16384x64xf32, #tpu.memory_space<hbm>> -> memref<512x64xf32, #tpu.memory_space<hbm>>
      tpu.enqueue_dma source(%arg30 : memref<512x64xf32, #tpu.memory_space<vmem>>) target(%dma_start3A_1678 : memref<512x64xf32, #tpu.memory_space<hbm>>) target_semaphore(%run_scoped3A : memref<!tpu.dma_semaphore, #tpu.memory_space<semaphore_mem>>)
      %dma_wait3A_1679 = arith.constant 0 : i32
      %dma_wait3A_1680 = tpu.memref_slice %arg8[%mul3A_2, %dma_wait3A_1679] : memref<16384x64xf32, #tpu.memory_space<hbm>> -> memref<512x64xf32, #tpu.memory_space<hbm>>
      %dma_wait3A_1681 = arith.constant 0 : i32
      %dma_wait3A_1682 = tpu.memref_slice %arg8[%mul3A_2, %dma_wait3A_1681] : memref<16384x64xf32, #tpu.memory_space<hbm>> -> memref<512x64xf32, #tpu.memory_space<hbm>>
      tpu.wait_dma2 semaphore(%run_scoped3A : memref<!tpu.dma_semaphore, #tpu.memory_space<semaphore_mem>>) src(%arg30 : memref<512x64xf32, #tpu.memory_space<vmem>>) dst(%dma_wait3A_1682 : memref<512x64xf32, #tpu.memory_space<hbm>>)
      tpu.yield
    }) : () -> ()
    "tpu.region"() ({
      %run_scoped3A = tpu.sem_alloc : memref<!tpu.dma_semaphore, #tpu.memory_space<semaphore_mem>>
      %dma_start3A_1675 = arith.constant 0 : i32
      %dma_start3A_1676 = tpu.memref_slice %arg9[%mul3A_2, %dma_start3A_1675] : memref<16384x64xf32, #tpu.memory_space<hbm>> -> memref<512x64xf32, #tpu.memory_space<hbm>>
      %dma_start3A_1677 = arith.constant 0 : i32
      %dma_start3A_1678 = tpu.memref_slice %arg9[%mul3A_2, %dma_start3A_1677] : memref<16384x64xf32, #tpu.memory_space<hbm>> -> memref<512x64xf32, #tpu.memory_space<hbm>>
      tpu.enqueue_dma source(%arg31 : memref<512x64xf32, #tpu.memory_space<vmem>>) target(%dma_start3A_1678 : memref<512x64xf32, #tpu.memory_space<hbm>>) target_semaphore(%run_scoped3A : memref<!tpu.dma_semaphore, #tpu.memory_space<semaphore_mem>>)
      %dma_wait3A_1679 = arith.constant 0 : i32
      %dma_wait3A_1680 = tpu.memref_slice %arg9[%mul3A_2, %dma_wait3A_1679] : memref<16384x64xf32, #tpu.memory_space<hbm>> -> memref<512x64xf32, #tpu.memory_space<hbm>>
      %dma_wait3A_1681 = arith.constant 0 : i32
      %dma_wait3A_1682 = tpu.memref_slice %arg9[%mul3A_2, %dma_wait3A_1681] : memref<16384x64xf32, #tpu.memory_space<hbm>> -> memref<512x64xf32, #tpu.memory_space<hbm>>
      tpu.wait_dma2 semaphore(%run_scoped3A : memref<!tpu.dma_semaphore, #tpu.memory_space<semaphore_mem>>) src(%arg31 : memref<512x64xf32, #tpu.memory_space<vmem>>) dst(%dma_wait3A_1682 : memref<512x64xf32, #tpu.memory_space<hbm>>)
      tpu.yield
    }) : () -> ()
    "tpu.region"() ({
      %run_scoped3A = tpu.sem_alloc : memref<!tpu.dma_semaphore, #tpu.memory_space<semaphore_mem>>
      %dma_start3A_1675 = tpu.memref_slice %arg10[%mul3A_2] : memref<16384xf32, #tpu.memory_space<hbm>> -> memref<512xf32, #tpu.memory_space<hbm>>
      %dma_start3A_1676 = tpu.memref_slice %arg10[%mul3A_2] : memref<16384xf32, #tpu.memory_space<hbm>> -> memref<512xf32, #tpu.memory_space<hbm>>
      tpu.enqueue_dma source(%arg34 : memref<512xf32, #tpu.memory_space<vmem>>) target(%dma_start3A_1676 : memref<512xf32, #tpu.memory_space<hbm>>) target_semaphore(%run_scoped3A : memref<!tpu.dma_semaphore, #tpu.memory_space<semaphore_mem>>)
      %dma_wait3A_1677 = tpu.memref_slice %arg10[%mul3A_2] : memref<16384xf32, #tpu.memory_space<hbm>> -> memref<512xf32, #tpu.memory_space<hbm>>
      %dma_wait3A_1678 = tpu.memref_slice %arg10[%mul3A_2] : memref<16384xf32, #tpu.memory_space<hbm>> -> memref<512xf32, #tpu.memory_space<hbm>>
      tpu.wait_dma2 semaphore(%run_scoped3A : memref<!tpu.dma_semaphore, #tpu.memory_space<semaphore_mem>>) src(%arg34 : memref<512xf32, #tpu.memory_space<vmem>>) dst(%dma_wait3A_1678 : memref<512xf32, #tpu.memory_space<hbm>>)
      tpu.yield
    }) : () -> ()
    "tpu.region"() ({
      %run_scoped3A = tpu.sem_alloc : memref<!tpu.dma_semaphore, #tpu.memory_space<semaphore_mem>>
      %dma_start3A_1675 = tpu.memref_slice %arg11[%mul3A_2] : memref<16384xf32, #tpu.memory_space<hbm>> -> memref<512xf32, #tpu.memory_space<hbm>>
      %dma_start3A_1676 = tpu.memref_slice %arg11[%mul3A_2] : memref<16384xf32, #tpu.memory_space<hbm>> -> memref<512xf32, #tpu.memory_space<hbm>>
      tpu.enqueue_dma source(%arg35 : memref<512xf32, #tpu.memory_space<vmem>>) target(%dma_start3A_1676 : memref<512xf32, #tpu.memory_space<hbm>>) target_semaphore(%run_scoped3A : memref<!tpu.dma_semaphore, #tpu.memory_space<semaphore_mem>>)
      %dma_wait3A_1677 = tpu.memref_slice %arg11[%mul3A_2] : memref<16384xf32, #tpu.memory_space<hbm>> -> memref<512xf32, #tpu.memory_space<hbm>>
      %dma_wait3A_1678 = tpu.memref_slice %arg11[%mul3A_2] : memref<16384xf32, #tpu.memory_space<hbm>> -> memref<512xf32, #tpu.memory_space<hbm>>
      tpu.wait_dma2 semaphore(%run_scoped3A : memref<!tpu.dma_semaphore, #tpu.memory_space<semaphore_mem>>) src(%arg35 : memref<512xf32, #tpu.memory_space<vmem>>) dst(%dma_wait3A_1678 : memref<512xf32, #tpu.memory_space<hbm>>)
      tpu.yield
    }) : () -> ()
    return
  }
}

module attributes {stable_mosaic.version = 14 : i64} {
  func.func @_tc_body(%arg0: i32, %arg1: memref<1000x512xf32, #tpu.memory_space<vmem>>, %arg2: memref<512x64xf32, #tpu.memory_space<vmem>>, %arg3: memref<512x64xf32, #tpu.memory_space<vmem>>, %arg4: memref<1x1x512xf32, #tpu.memory_space<vmem>>, %arg5: memref<1x1x512xf32, #tpu.memory_space<vmem>>, %arg6: memref<32x1000xf32, #tpu.memory_space<vmem>>, %arg7: memref<32x1xf32, #tpu.memory_space<vmem>>, %arg8: memref<128x64xf32, #tpu.memory_space<vmem>>, %arg9: memref<128x64xf32, #tpu.memory_space<vmem>>, %arg10: memref<128x32xf32, #tpu.memory_space<vmem>>, %arg11: memref<128x1xf32, #tpu.memory_space<vmem>>, %arg12: memref<1x128xf32, #tpu.memory_space<vmem>>, %arg13: memref<1x1xf32, #tpu.memory_space<vmem>>, %arg14: memref<1x1x512xf32, #tpu.memory_space<vmem>>) attributes {dimension_semantics = [#tpu.dimension_semantics<arbitrary>], iteration_bounds = array<i64: 32>, scalar_prefetch = 0 : i64, scratch_operands = 0 : i64, tpu.core_type = #tpu.core_type<tc>, window_params = [{transform_indices = @transform_0, window_bounds = array<i64: 1000, 512>}, {transform_indices = @transform_1, window_bounds = array<i64: 512, 64>}, {transform_indices = @transform_2, window_bounds = array<i64: 512, 64>}, {transform_indices = @transform_3, window_bounds = array<i64: 1, 1, 512>}, {transform_indices = @transform_4, window_bounds = array<i64: 1, 1, 512>}, {pipeline_mode = #tpu.pipeline_mode<synchronous>, transform_indices = @transform_5, window_bounds = array<i64: 32, 1000>}, {pipeline_mode = #tpu.pipeline_mode<synchronous>, transform_indices = @transform_6, window_bounds = array<i64: 32, 1>}, {pipeline_mode = #tpu.pipeline_mode<synchronous>, transform_indices = @transform_7, window_bounds = array<i64: 128, 64>}, {pipeline_mode = #tpu.pipeline_mode<synchronous>, transform_indices = @transform_8, window_bounds = array<i64: 128, 64>}, {pipeline_mode = #tpu.pipeline_mode<synchronous>, transform_indices = @transform_9, window_bounds = array<i64: 128, 32>}, {pipeline_mode = #tpu.pipeline_mode<synchronous>, transform_indices = @transform_10, window_bounds = array<i64: 128, 1>}, {pipeline_mode = #tpu.pipeline_mode<synchronous>, transform_indices = @transform_11, window_bounds = array<i64: 1, 128>}, {pipeline_mode = #tpu.pipeline_mode<synchronous>, transform_indices = @transform_12, window_bounds = array<i64: 1, 1>}, {transform_indices = @transform_13, window_bounds = array<i64: 1, 1, 512>}]} {
    %get3A = arith.constant 0 : index
    %get3A_0 = arith.constant 0 : index
    %get3A_1 = vector.load %arg6[%get3A, %get3A_0] : memref<32x1000xf32, #tpu.memory_space<vmem>>, vector<32x1000xf32>
    %get3A_2 = arith.constant 0 : index
    %get3A_3 = arith.constant 0 : index
    %get3A_4 = vector.load %arg1[%get3A_2, %get3A_3] : memref<1000x512xf32, #tpu.memory_space<vmem>>, vector<1000x512xf32>
    %dot_general3A = arith.constant dense<0.000000e+00> : vector<32x512xf32>
    %dot_general3A_5 = tpu.matmul %get3A_1, %get3A_4, %dot_general3A {dimension_numbers = #tpu.dot_dimension_numbers<[1], [0], [0], [1], [0, 0, 1, 1], [], []>, transpose_lhs_hint = false} : vector<32x1000xf32>, vector<1000x512xf32>, vector<32x512xf32> -> vector<32x512xf32>
    %get3A_6 = arith.constant 0 : index
    %get3A_7 = arith.constant 0 : index
    %get3A_8 = vector.load %arg7[%get3A_6, %get3A_7] : memref<32x1xf32, #tpu.memory_space<vmem>>, vector<32x1xf32>
    %add3A = vector.broadcast %get3A_8 : vector<32x1xf32> to vector<32x512xf32>
    %add3A_9 = arith.addf %dot_general3A_5, %add3A : vector<32x512xf32>
    %max3A = arith.constant 0.000000e+00 : f32
    %max3A_10 = vector.broadcast %max3A : f32 to vector<32x512xf32>
    %max3A_11 = arith.maximumf %add3A_9, %max3A_10 : vector<32x512xf32>
    %get3A_12 = arith.constant 0 : index
    %get3A_13 = arith.constant 0 : index
    %get3A_14 = vector.load %arg2[%get3A_12, %get3A_13] : memref<512x64xf32, #tpu.memory_space<vmem>>, vector<512x64xf32>
    %get3A_15 = arith.constant 0 : index
    %get3A_16 = arith.constant 0 : index
    %get3A_17 = vector.load %arg3[%get3A_15, %get3A_16] : memref<512x64xf32, #tpu.memory_space<vmem>>, vector<512x64xf32>
    %get3A_18 = arith.constant 0 : index
    %get3A_19 = arith.constant 0 : index
    %get3A_20 = vector.load %arg8[%get3A_18, %get3A_19] : memref<128x64xf32, #tpu.memory_space<vmem>>, vector<128x64xf32>
    %dot_general3A_21 = arith.constant dense<0.000000e+00> : vector<128x512xf32>
    %dot_general3A_22 = tpu.matmul %get3A_20, %get3A_14, %dot_general3A_21 {dimension_numbers = #tpu.dot_dimension_numbers<[1], [1], [0], [0], [0, 0, 1, 0], [], []>, transpose_lhs_hint = false} : vector<128x64xf32>, vector<512x64xf32>, vector<128x512xf32> -> vector<128x512xf32>
    %get3A_23 = arith.constant 0 : index
    %get3A_24 = arith.constant 0 : index
    %get3A_25 = vector.load %arg9[%get3A_23, %get3A_24] : memref<128x64xf32, #tpu.memory_space<vmem>>, vector<128x64xf32>
    %dot_general3A_26 = arith.constant dense<0.000000e+00> : vector<128x512xf32>
    %dot_general3A_27 = tpu.matmul %get3A_25, %get3A_17, %dot_general3A_26 {dimension_numbers = #tpu.dot_dimension_numbers<[1], [1], [0], [0], [0, 0, 1, 0], [], []>, transpose_lhs_hint = false} : vector<128x64xf32>, vector<512x64xf32>, vector<128x512xf32> -> vector<128x512xf32>
    %add3A_28 = arith.addf %dot_general3A_22, %dot_general3A_27 : vector<128x512xf32>
    %get3A_29 = arith.constant 0 : index
    %get3A_30 = arith.constant 0 : index
    %get3A_31 = vector.load %arg10[%get3A_29, %get3A_30] : memref<128x32xf32, #tpu.memory_space<vmem>>, vector<128x32xf32>
    %dot_general3A_32 = arith.constant dense<0.000000e+00> : vector<128x512xf32>
    %dot_general3A_33 = tpu.matmul %get3A_31, %max3A_11, %dot_general3A_32 {dimension_numbers = #tpu.dot_dimension_numbers<[1], [0], [0], [1], [0, 0, 1, 1], [], []>, transpose_lhs_hint = false} : vector<128x32xf32>, vector<32x512xf32>, vector<128x512xf32> -> vector<128x512xf32>
    %add3A_34 = arith.addf %add3A_28, %dot_general3A_33 : vector<128x512xf32>
    %get3A_35 = arith.constant 0 : index
    %get3A_36 = arith.constant 0 : index
    %get3A_37 = vector.load %arg11[%get3A_35, %get3A_36] : memref<128x1xf32, #tpu.memory_space<vmem>>, vector<128x1xf32>
    %add3A_38 = vector.broadcast %get3A_37 : vector<128x1xf32> to vector<128x512xf32>
    %add3A_39 = arith.addf %add3A_34, %add3A_38 : vector<128x512xf32>
    %max3A_40 = arith.constant 0.000000e+00 : f32
    %max3A_41 = vector.broadcast %max3A_40 : f32 to vector<128x512xf32>
    %max3A_42 = arith.maximumf %add3A_39, %max3A_41 : vector<128x512xf32>
    %get3A_43 = arith.constant 0 : index
    %get3A_44 = arith.constant 0 : index
    %get3A_45 = vector.load %arg12[%get3A_43, %get3A_44] : memref<1x128xf32, #tpu.memory_space<vmem>>, vector<1x128xf32>
    %dot_general3A_46 = arith.constant dense<0.000000e+00> : vector<1x512xf32>
    %dot_general3A_47 = tpu.matmul %get3A_45, %max3A_42, %dot_general3A_46 {dimension_numbers = #tpu.dot_dimension_numbers<[1], [0], [0], [1], [0, 0, 1, 1], [], []>, transpose_lhs_hint = false} : vector<1x128xf32>, vector<128x512xf32>, vector<1x512xf32> -> vector<1x512xf32>
    %broadcast_in_dim3A = arith.constant 1.000000e+00 : f32
    %broadcast_in_dim3A_48 = vector.broadcast %broadcast_in_dim3A : f32 to vector<1x64xf32>
    %mul3A = arith.mulf %get3A_14, %get3A_17 : vector<512x64xf32>
    %dot_general3A_49 = arith.constant dense<0.000000e+00> : vector<1x512xf32>
    %dot_general3A_50 = tpu.matmul %broadcast_in_dim3A_48, %mul3A, %dot_general3A_49 {dimension_numbers = #tpu.dot_dimension_numbers<[1], [1], [0], [0], [0, 0, 1, 0], [], []>, transpose_lhs_hint = false} : vector<1x64xf32>, vector<512x64xf32>, vector<1x512xf32> -> vector<1x512xf32>
    %add3A_51 = arith.addf %dot_general3A_50, %dot_general3A_47 : vector<1x512xf32>
    %get3A_52 = arith.constant 0 : index
    %get3A_53 = arith.constant 0 : index
    %get3A_54 = arith.constant 0 : index
    %get3A_55 = vector.load %arg4[%get3A_52, %get3A_53, %get3A_54] : memref<1x1x512xf32, #tpu.memory_space<vmem>>, vector<1x1x512xf32>
    %get3A_56 = vector.shape_cast %get3A_55 : vector<1x1x512xf32> to vector<1x512xf32>
    %add3A_57 = arith.addf %add3A_51, %get3A_56 : vector<1x512xf32>
    %get3A_58 = arith.constant 0 : index
    %get3A_59 = arith.constant 0 : index
    %get3A_60 = arith.constant 0 : index
    %get3A_61 = vector.load %arg5[%get3A_58, %get3A_59, %get3A_60] : memref<1x1x512xf32, #tpu.memory_space<vmem>>, vector<1x1x512xf32>
    %get3A_62 = vector.shape_cast %get3A_61 : vector<1x1x512xf32> to vector<1x512xf32>
    %add3A_63 = arith.addf %add3A_57, %get3A_62 : vector<1x512xf32>
    %get3A_64 = arith.constant 0 : index
    %get3A_65 = arith.constant 0 : index
    %get3A_66 = vector.load %arg13[%get3A_64, %get3A_65] : memref<1x1xf32, #tpu.memory_space<vmem>>, vector<1x1xf32>
    %add3A_67 = vector.broadcast %get3A_66 : vector<1x1xf32> to vector<1x512xf32>
    %add3A_68 = arith.addf %add3A_63, %add3A_67 : vector<1x512xf32>
    %broadcast_in_dim3A_69 = vector.shape_cast %add3A_68 : vector<1x512xf32> to vector<1x1x512xf32>
    %swap3A = arith.constant 0 : index
    %swap3A_70 = arith.constant 0 : index
    %swap3A_71 = arith.constant 0 : index
    %swap3A_72 = vector.load %arg14[%swap3A, %swap3A_70, %swap3A_71] : memref<1x1x512xf32, #tpu.memory_space<vmem>>, vector<1x1x512xf32>
    tpu.vector_store %arg14[%swap3A, %swap3A_70, %swap3A_71], %broadcast_in_dim3A_69 {strides = array<i32>} : memref<1x1x512xf32, #tpu.memory_space<vmem>>, vector<1x1x512xf32>,
    return
  }
  func.func @transform_0(%arg0: i32) -> (i32, i32) {
    %c0_i32 = arith.constant 0 : i32
    %c0_i32_0 = arith.constant 0 : i32
    return %c0_i32, %arg0 : i32, i32
  }
  func.func @transform_1(%arg0: i32) -> (i32, i32) {
    %c0_i32 = arith.constant 0 : i32
    %c0_i32_0 = arith.constant 0 : i32
    return %arg0, %c0_i32 : i32, i32
  }
  func.func @transform_2(%arg0: i32) -> (i32, i32) {
    %c0_i32 = arith.constant 0 : i32
    %c0_i32_0 = arith.constant 0 : i32
    return %arg0, %c0_i32 : i32, i32
  }
  func.func @transform_3(%arg0: i32) -> (i32, i32, i32) {
    %c0_i32 = arith.constant 0 : i32
    %c0_i32_0 = arith.constant 0 : i32
    %c0_i32_1 = arith.constant 0 : i32
    return %arg0, %c0_i32, %c0_i32_0 : i32, i32, i32
  }
  func.func @transform_4(%arg0: i32) -> (i32, i32, i32) {
    %c0_i32 = arith.constant 0 : i32
    %c0_i32_0 = arith.constant 0 : i32
    %c0_i32_1 = arith.constant 0 : i32
    return %arg0, %c0_i32, %c0_i32_0 : i32, i32, i32
  }
  func.func @transform_5(%arg0: i32) -> (i32, i32) {
    %c0_i32 = arith.constant 0 : i32
    %c0_i32_0 = arith.constant 0 : i32
    %c0_i32_1 = arith.constant 0 : i32
    return %c0_i32, %c0_i32_0 : i32, i32
  }
  func.func @transform_6(%arg0: i32) -> (i32, i32) {
    %c0_i32 = arith.constant 0 : i32
    %c0_i32_0 = arith.constant 0 : i32
    %c0_i32_1 = arith.constant 0 : i32
    return %c0_i32, %c0_i32_0 : i32, i32
  }
  func.func @transform_7(%arg0: i32) -> (i32, i32) {
    %c0_i32 = arith.constant 0 : i32
    %c0_i32_0 = arith.constant 0 : i32
    %c0_i32_1 = arith.constant 0 : i32
    return %c0_i32, %c0_i32_0 : i32, i32
  }
  func.func @transform_8(%arg0: i32) -> (i32, i32) {
    %c0_i32 = arith.constant 0 : i32
    %c0_i32_0 = arith.constant 0 : i32
    %c0_i32_1 = arith.constant 0 : i32
    return %c0_i32, %c0_i32_0 : i32, i32
  }
  func.func @transform_9(%arg0: i32) -> (i32, i32) {
    %c0_i32 = arith.constant 0 : i32
    %c0_i32_0 = arith.constant 0 : i32
    %c0_i32_1 = arith.constant 0 : i32
    return %c0_i32, %c0_i32_0 : i32, i32
  }
  func.func @transform_10(%arg0: i32) -> (i32, i32) {
    %c0_i32 = arith.constant 0 : i32
    %c0_i32_0 = arith.constant 0 : i32
    %c0_i32_1 = arith.constant 0 : i32
    return %c0_i32, %c0_i32_0 : i32, i32
  }
  func.func @transform_11(%arg0: i32) -> (i32, i32) {
    %c0_i32 = arith.constant 0 : i32
    %c0_i32_0 = arith.constant 0 : i32
    %c0_i32_1 = arith.constant 0 : i32
    return %c0_i32, %c0_i32_0 : i32, i32
  }
  func.func @transform_12(%arg0: i32) -> (i32, i32) {
    %c0_i32 = arith.constant 0 : i32
    %c0_i32_0 = arith.constant 0 : i32
    %c0_i32_1 = arith.constant 0 : i32
    return %c0_i32, %c0_i32_0 : i32, i32
  }
  func.func @transform_13(%arg0: i32) -> (i32, i32, i32) {
    %c0_i32 = arith.constant 0 : i32
    %c0_i32_0 = arith.constant 0 : i32
    %c0_i32_1 = arith.constant 0 : i32
    return %arg0, %c0_i32, %c0_i32_0 : i32, i32, i32
  }
}

</mosaic_0001>

<sc_bundles>
// kernel: kernel.4.cloned.1.call-start
scs
__scs_entry_jumppad:
0x0: {  	(pc) =	sbr.rel $0x88, $3  }
0x1: {  	(tag) =	ssettag $0x0;
	lr =	simm.s32 $0x1  }
0x2: {  	[smem:$0x3F93] =	sst lr;
	_ =	strace $0xD0000000  }
0x3: {  	_ = 	snop  }
0x4: {  	_ = 	snop  }
0x5: {  	_ = 	snop  }
0x6: {  	_ = 	snop  }
0x7: {  	_ = 	snop  }
__scs_overlays_trampoline_lowered:
0x8: {  	[smem:$0x3FA2] =	sst s0  }
0x9: {  	[smem:$0x3FA3] =	sst s1  }
0xa: {  	[smem:$0x3FA4] =	sst s2  }
0xb: {  	[smem:$0x3FA5] =	sst s3  }
0xc: {  	[smem:$0x3FA6] =	sst s4  }
0xd: {  	[smem:$0x3FA7] =	sst s5  }
0xe: {  	[smem:$0x3FA8] =	sst s6  }
0xf: {  	[smem:$0x3FA9] =	sst s7  }
0x10: {  	[smem:$0x3FAA] =	sst s8  }
0x11: {  	[smem:$0x3FAB] =	sst s9;
	s0 =	simm.s32 @!p0 $0x0  }
0x12: {  	s1 =	sld [smem:$0x3F91];
	s0 =	simm.s32 @p0 $0x1  }
0x13: {  	[smem:$0x3FAC] =	sst s0;
	s0 =	simm.s32 @!p1 $0x0  }
0x14: {  	s2 =	sld [smem:$0x3F90];
	s0 =	simm.s32 @p1 $0x1  }
0x15: {  	[smem:$0x3FAD] =	sst s0;
	s0 =	simm.s32 @!p2 $0x0  }
0x16: {  	s3 =	sld [smem:$0x3FDB];
	s0 =	simm.s32 @p2 $0x1  }
0x17: {  	s4 =	simm.s32 $0x1BF5;
	[smem:$0x3FAF] =	sst s0  }
0x18: {  	s0 =	sld [smem:$0x3F92];
	_ =	swait.ge [sflag:s4], $0x0  }
0x19: {  	s7 =	sld [smem:$0x3F93]  }
0x1a: {  	s8 =	sadd.s32 $0xFFFFE003, lr  }
0x1b: {  	s9 =	sadd.s32 $0xFFFFFEF7, lr;
	s5 =	simm.s32 $0xFFFFFFFF;
	p2 =	slt.u32 s8, $0xFFFFF086  }
0x1c: {  	p1 =	slt.u32 s9, $0xF7A;
	s5 =	simm.s32 @!p2 $0x0  }
0x1d: {  	s5 =	simm.s32 @p1 $0x1;
	p0 =	seq.s32 s7, s2  }
0x1e: {  	s7 =	smul.u32 @!p0 $0xF7A, s2;
	p2 =	seq.s32 @!p0 s5, $0x0  }
0x1f: {  	s9 =	smul.u32 $0xF7A, s1;
	s8 =	simm.s32 @!p0 $0x1BF5;
	p2 =	por !p2, p0  }
0x20: {  	[sflag:s8] =	ssyncset.s32 @!p0 $0xFFFFF086;
	s6 =	sadd.s32 @!p0 s3, s7;
	s7 =	simm.s32 @!p0 $0x108  }
0x21: {  	s3 =	sadd.s32 s3, s9;
	s6 =	sadd.s32 @!p0 $0x88, s6;
	s7 =	simm.s32 @p2 $0x1082  }
0x22: {  	[simem:s7], [sflag:s8] =	dma.local @!p0 [hbm:s6], $0xF7A  }
0x23: {  	s9 =	sor.u32 $0xD0000000, s2;
	s6 =	simm.s32 $0x108;
	_ =	swait.ge @!p0 [sflag:s8], $0x0  }
0x24: {  	s3 =	sadd.s32 $0x88, s3;
	s6 =	simm.s32 @!p1 $0x1082;
	[sflag:s4] =	ssyncset.s32 $0xFFFFF086  }
0x25: {  	[simem:s6], [sflag:s4] =	dma.local [hbm:s3], $0xF7A  }
0x26: {  	[smem:$0x3F93] =	sst s1;
	(tag) =	ssettag s2;
	_ =	strace s9  }
0x27: {  	s1 =	sld [smem:$0x3FA3]  }
0x28: {  	s2 =	sld [smem:$0x3FA4]  }
0x29: {  	s4 =	sld [smem:$0x3FA6]  }
0x2a: {  	p0 =	seq.s32 s5, $0x0;
	s5 =	sld [smem:$0x3FA7]  }
0x2b: {  	s6 =	sld [smem:$0x3FA8]  }
0x2c: {  	s7 =	sld [smem:$0x3FA9]  }
0x2d: {  	s3 =	simm.s32 $0x108;
	s8 =	sld [smem:$0x3FAA]  }
0x2e: {  	s3 =	simm.s32 @!p0 $0x1082;
	s9 =	sld [smem:$0x3FAB]  }
0x2f: {  	lr =	sadd.s32 s0, s3;
	s0 =	sld [smem:$0x3FA2]  }
0x30: {  	s3 =	sld [smem:$0x3FA5]  }
0x31: {  	[smem:$0x3FAE] =	sst s10  }
0x32: {  	s10 =	sld [smem:$0x3FAC];
	_ =	sdelay $0x3  }
0x33: {  	p0 =	seq.s32 s10, $0x1;
	s10 =	sld [smem:$0x3FAE];
	_ =	sdelay $0x3  }
0x34: {  	[smem:$0x3FAE] =	sst s10  }
0x35: {  	s10 =	sld [smem:$0x3FAD];
	_ =	sdelay $0x3  }
0x36: {  	p1 =	seq.s32 s10, $0x1;
	s10 =	sld [smem:$0x3FAE];
	_ =	sdelay $0x3  }
0x37: {  	[smem:$0x3FAE] =	sst s10  }
0x38: {  	s10 =	sld [smem:$0x3FAF]  }
0x39: {  	_ = 	snop;
	(pc) =	sbr.ind lr, $3  }
0x3a: {  	_ = 	snop  }
0x3b: {  	_ = 	snop  }
0x3c: {  	p2 =	seq.s32 s10, $0x1;
	s10 =	sld [smem:$0x3FAE]  }
0x3d: {  	_ =	shalt  }
0x3e: {  	_ =	shalt  }
0x3f: {  	_ =	shalt  }
0x40: {  	_ =	shalt  }
0x41: {  	_ =	shalt  }
0x42: {  	_ =	shalt  }
0x43: {  	_ =	shalt  }
0x44: {  	_ =	shalt  }
0x45: {  	_ =	shalt  }
0x46: {  	_ =	shalt  }
0x47: {  	_ =	shalt  }
0x48: {  	_ =	shalt  }
0x49: {  	_ =	shalt  }
0x4a: {  	_ =	shalt  }
0x4b: {  	_ =	shalt  }
0x4c: {  	_ =	shalt  }
0x4d: {  	_ =	shalt  }
0x4e: {  	_ =	shalt  }
0x4f: {  	_ =	shalt  }
0x50: {  	_ =	shalt  }
0x51: {  	_ =	shalt  }
0x52: {  	_ =	shalt  }
0x53: {  	_ =	shalt  }
0x54: {  	_ =	shalt  }
0x55: {  	_ =	shalt  }
0x56: {  	_ =	shalt  }
0x57: {  	_ =	shalt  }
0x58: {  	_ =	shalt  }
0x59: {  	_ =	shalt  }
0x5a: {  	_ =	shalt  }
0x5b: {  	_ =	shalt  }
0x5c: {  	_ =	shalt  }
0x5d: {  	_ =	shalt  }
0x5e: {  	_ =	shalt  }
0x5f: {  	_ =	shalt  }
0x60: {  	_ =	shalt  }
0x61: {  	_ =	shalt  }
0x62: {  	_ =	shalt  }
0x63: {  	_ =	shalt  }
0x64: {  	_ =	shalt  }
0x65: {  	_ =	shalt  }
0x66: {  	_ =	shalt  }
0x67: {  	_ =	shalt  }
0x68: {  	_ =	shalt  }
0x69: {  	_ =	shalt  }
0x6a: {  	_ =	shalt  }
0x6b: {  	_ =	shalt  }
0x6c: {  	_ =	shalt  }
0x6d: {  	_ =	shalt  }
0x6e: {  	_ =	shalt  }
0x6f: {  	_ =	shalt  }
0x70: {  	_ =	shalt  }
0x71: {  	_ =	shalt  }
0x72: {  	_ =	shalt  }
0x73: {  	_ =	shalt  }
0x74: {  	_ =	shalt  }
0x75: {  	_ =	shalt  }
0x76: {  	_ =	shalt  }
0x77: {  	_ =	shalt  }
0x78: {  	_ =	shalt  }
0x79: {  	_ =	shalt  }
0x7a: {  	_ =	shalt  }
0x7b: {  	_ =	shalt  }
0x7c: {  	_ =	shalt  }
0x7d: {  	_ =	shalt  }
0x7e: {  	_ =	shalt  }
0x7f: {  	_ =	shalt  }
0x80: {  	_ =	shalt  }
0x81: {  	_ =	shalt  }
0x82: {  	_ =	shalt  }
0x83: {  	_ =	shalt  }
0x84: {  	_ =	shalt  }
0x85: {  	_ =	shalt  }
0x86: {  	_ =	shalt  }
0x87: {  	_ =	shalt  }
.Lfunc_end0:
.L_simem_size_0:
called_computation_lowered:
.L_overlay_start_0:
0x88: {  	s2 =	sld [smem:$0x3FD9]  }
0x89: {  	s3 =	sld [smem:$0x3FFE];
	_ =	sdelay $0x1  }
0x8a: {  	s1 =	srdreg.scid  }
0x8b: {  	s0 =	sand.u32 $0x1, s1  }
0x8c: {  	s17 =	sshll.u32 s0, $0xA;
	s2 =	sadd.s32 s3, s2  }
0x8d: {  	s2 =	sadd.s32 s2, s17  }
0x8e: {  	[smem:$0x3FBA] =	sst s2  }
0x8f: {  	_ = 	snop  }
0x90: {  	s2 =	sld [smem:$0x3FC9]  }
0x91: {  	s18 =	sld [smem:$0x3FC8]  }
0x92: {  	s4 =	sld [smem:$0x3FD0];
	(tm) =	ssettm $0x1  }
0x93: {  	s5 =	sld [smem:$0x3FFB];
	_ =	sdelay $0x3  }
0x94: {  	_ =	strace s5  }
0x95: {  	s5 =	sld [smem:$0x3FFC];
	_ =	sdelay $0x3  }
0x96: {  	_ =	strace s5  }
0x97: {  	s5 =	sld [smem:$0x3FFD];
	_ =	sdelay $0x3  }
0x98: {  	_ =	strace s5  }
0x99: {  	_ =	strace $0x8FFFFFFF  }
0x9a: {  	s19 =	sld [smem:$0x3FDB];
	_ =	sdelay $0x1  }
0x9b: {  	s6 =	simm.s32 $_scs_section_size  }
0x9c: {  	s7 =	simm.s32 $_size__tile_overlayer_lowered;
	s8 =	simm.s32 $_tile_overlayer_lowered  }
0x9d: {  	s22 =	simm.s32 $0x1BFF;
	s21 =	sshll.u32 s8, $0x1;
	s5 =	sadd.s32 s6, s19  }
0x9e: {  	s9 =	simm.s32 $0x0;
	s20 =	sshll.u32 s7, $0x1;
	s7 =	sadd.s32 s21, s5  }
0x9f: {  	[timem:s9], [sflag:s22] =	dma.local [hbm:s7], s20  }
0xa0: {  	_ =	swait.ge [sflag:s22], s20  }
0xa1: {  	s6 =	ssub.s32 $0x0, s20;
	[sflag:s22] =	ssyncset.done $0x0  }
0xa2: {  	[sflag:s22] =	ssyncadd.s32 s6;
	_ =	sdelay $0x1  }
0xa3: {  	s23 =	simm.s32 $0x1B8B  }
0xa4: {  	_ =	swait.ge [sflag:s23], $0x1  }
0xa5: {  	[sflag:s23] =	ssyncset.done $0x0  }
0xa6: {  	s25 =	simm.s32 $0x1B8E;
	s24 =	sld [smem:$0x3FFE];
	[sflag:s23] =	ssyncadd.s32 $0xFFFFFFFF  }
0xa7: {  	s26 =	simm.s32 $execute0_lowered;
	[smem:$0x3FD2] =	sst s25  }
0xa8: {  	s7 =	sshll.u32 s26, $0x1;
	_ =	strace $0x80000046;
	[dreg:$0x1] =	wrdreg $0xFFFFFFFF  }
0xa9: {  	s28 =	simm.s32 $_size_execute0_lowered;
	s5 =	sadd.s32 s5, s7;
	[dreg:$0x0] =	wrdreg $0x0  }
0xaa: {  	s7 =	sshll.u32 s28, $0x1;
	[dreg:$0x2] =	wrdreg s5  }
0xab: {  	[dreg:$0x3] =	wrdreg s7  }
0xac: {  	[dreg:$0x4] =	wrdreg $0xC0  }
0xad: {  	_ =	task [dreg:s9], $0x5FFFF  }
0xae: {  	[dreg:$0x1] =	wrdreg $0xFFFFFFFF  }
0xaf: {  	[dreg:$0x0] =	wrdreg $0x60  }
0xb0: {  	[dreg:$0x2] =	wrdreg s2  }
0xb1: {  	[dreg:$0x3] =	wrdreg s18  }
0xb2: {  	[dreg:$0x4] =	wrdreg s24  }
0xb3: {  	[dreg:$0x5] =	wrdreg s4  }
0xb4: {  	[dreg:$0x6] =	wrdreg $0x9  }
0xb5: {  	_ =	task.clear_ibuf [dreg:s9], $0x7FFFF;
	_ =	strace $0x90000046  }
0xb6: {  	s29 =	simm.s32 $0x9;
	_ =	strace $0x80000048  }
0xb7: {  	_ =	swait.ge [sflag:s29], $0x1  }
0xb8: {  	[sflag:s29] =	ssyncadd.s32 $0xFFFFFFFF  }
0xb9: {  	_ =	strace $0x90000048  }
0xba: {  	_ =	sfence  }
0xbb: {  	s30 =	sld [smem:$0x0];
	_ =	sdelay $0x2  }
0xbc: {  	s31 =	sshll.u32 s1, $0xD;
	s1 =	sshrl.u32 s1, $0x2  }
0xbd: {  	s3 =	sand.u32 $0x4000, s31;
	s1 =	sadd.s32 s1, s30  }
0xbe: {  	s0 =	sor.u32 s3, s0;
	s1 =	sshll.u32 s1, $0x11  }
0xbf: {  	s0 =	sor.u32 s1, s0  }
0xc0: {  	s0 =	sadd.s32 $0x8F2B, s0  }
0xc1: {  	[sflag:s0] =	ssyncadd.remote.s32 $0x1  }
0xc2: {  	_ =	sfence.sel $0xFFFF  }
0xc3: {  	[dreg:$0x0] =	wrdreg $0xFFFFFFFF;
	(pc) =	sbr.abs _section_cstart, $3  }
0xc4: {  	[dreg:$0x1] =	wrdreg $0xFFFFFFFF  }
0xc5: {  	_ =	task.clear_ibuf [dreg:s9], $0x2FFFF;
	_ =	strace $0x9FFFFFFF  }
0xc6: {  	(tm) =	ssettm $0x7FFFFFFF  }
0xc7: {  	_ =	shalt  }
tec
execute0_lowered:
.L_overlay_start_1:
0x0: {  	(tag) =	ssettag $0x1  }
0x1: {  	s0 =	rddreg [dreg:$0x0]  }
0x2: {  	s7 =	rddreg [dreg:$0x1]  }
0x3: {  	s8 =	rddreg [dreg:$0x2]  }
0x4: {  	s9 =	rddreg [dreg:$0x3];
	s2 =	srdreg.scid  }
0x5: {  	s1 =	stileid.u32;
	s16 =	simm.s32 $0x400;
	s17 =	simm.s32 $0x600  }
0x6: {  	s18 =	simm.s32 $0x2C00;
	s19 =	simm.s32 $0xAC00;
	s28 =	simm.s32 $0x780  }
0x7: {  	s29 =	simm.s32 $0x14400;
	s10 =	sand.u32 $0x1, s2;
	s2 =	simm.s32 $0x0  }
0x8: {  	s30 =	simm.s32 $0x1;
	s31 =	simm.s32 $0x14C00;
	[smem:$0x7FF] =	sst s2  }
0x9: {  	s3 =	sshll.u32 s1, $0xA;
	_ =	strace $0x80000047;
	[dreg:$0x11] =	wrdreg s16  }
0xa: {  	s4 =	sshll.u32 s10, $0x9;
	s1 =	ssub.s32 $0x2, s10;
	[dreg:$0x12] =	wrdreg s17  }
0xb: {  	s11 =	sor.u32 s4, s3;
	s3 =	sadd.s32 $0xF43C00, s8;
	[dreg:$0x13] =	wrdreg s18  }
0xc: {  	s4 =	sadd.s32 $0x188200, s8;
	s10 =	sshrl.u32 s1, $0x1;
	[dreg:$0x14] =	wrdreg s19  }
0xd: {  	s16 =	simm.s32 $0xC00;
	s17 =	simm.s32 $0x8C00;
	s18 =	simm.s32 $0x10C00  }
0xe: {  	s19 =	simm.s32 $0x12C00;
	s12 =	sshrl.u32 s11, $0x3;
	s11 =	sshll.u32 s11, $0x3  }
0xf: {  	s5 =	sadd.s32 s0, s12;
	s6 =	sadd.s32 s7, s12;
	s13 =	sor.u32 $0x10, s12  }
0x10: {  	s14 =	sor.u32 $0x20, s12;
	s23 =	sor.u32 $0x30, s12;
	[dreg:$0x5] =	wrdreg s5  }
0x11: {  	s11 =	sadd.s32 s11, s8;
	[dreg:$0x6] =	wrdreg s6;
	s20 =	sadd.s32 s0, s13  }
0x12: {  	s25 =	sadd.s32 s12, s8;
	s13 =	sadd.s32 s7, s13;
	[dreg:$0x7] =	wrdreg s20  }
0x13: {  	s5 =	sadd.s32 $0x1800, s8;
	s21 =	sadd.s32 s0, s14;
	[dreg:$0x8] =	wrdreg s13  }
0x14: {  	s6 =	sadd.s32 $0x20200, s8;
	s22 =	sadd.s32 s7, s14;
	[dreg:$0x9] =	wrdreg s21  }
0x15: {  	v0 =	vlaneseq.u32;
	s0 =	sadd.s32 s0, s23;
	s24 =	sadd.s32 s7, s23;
	[dreg:$0xa] =	wrdreg s22  }
0x16: {  	v0 =	vmul.u32 $0x10, v0;
	s26 =	sadd.s32 $0x43400, s11;
	s14 =	sadd.s32 s9, s12;
	[dreg:$0xb] =	wrdreg s0  }
0x17: {  	s8 =	ssub.s32 s1, s10;
	s15 =	sadd.s32 $0x63400, s25;
	[dreg:$0xc] =	wrdreg s24  }
0x18: {  	v1 =	vor.u32 $0x100, v0;
	s9 =	simm.s32 $0x200;
	s10 =	simm.s32 $0x80;
	[dreg:$0xd] =	wrdreg s26  }
0x19: {  	v2 =	vor.u32 $0x200, v0;
	v3 =	vor.u32 $0x300, v0;
	v4 =	vor.u32 $0x400, v0;
	s12 =	simm.s32 $0x100;
	s23 =	simm.s32 $0x13400;
	[dreg:$0xf] =	wrdreg s14  }
0x1a: {  	v5 =	vor.u32 $0x500, v0;
	v6 =	vor.u32 $0x600, v0;
	v7 =	vor.u32 $0x700, v0;
	s25 =	simm.s32 $0xCC00;
	s13 =	sadd.s32 $0x23400, s11;
	[dreg:$0x10] =	wrdreg s15  }
0x1b: {  	v8 =	vor.u32 $0x800, v0;
	v9 =	vor.u32 $0x900, v0;
	v10 =	vor.u32 $0xA00, v0;
	s7 =	smax.u32 s8, $0x1;
	s8 =	simm.s32 $0x2;
	[dreg:$0x18] =	wrdreg s23  }
0x1c: {  	v11 =	vor.u32 $0xB00, v0;
	v12 =	vor.u32 $0xC00, v0;
	v13 =	vor.u32 $0xD00, v0;
	s11 =	simm.s32 $0x280;
	s20 =	simm.s32 $0x480;
	[dreg:$0x1a] =	wrdreg s25  }
0x1d: {  	v14 =	vor.u32 $0xE00, v0;
	v15 =	vor.u32 $0xF00, v0;
	v16 =	vor.u32 $0x1000, v0;
	s21 =	simm.s32 $0x11400;
	s22 =	simm.s32 $0x680;
	[dreg:$0xe] =	wrdreg s13  }
0x1e: {  	v17 =	vor.u32 $0x1100, v0;
	v18 =	vor.u32 $0x1200, v0;
	v19 =	vor.u32 $0x1300, v0;
	s14 =	simm.s32 $0x180;
	s15 =	simm.s32 $0x380;
	[dreg:$0x15] =	wrdreg s20  }
0x1f: {  	v20 =	vor.u32 $0x1400, v0;
	v21 =	vor.u32 $0x1500, v0;
	v22 =	vor.u32 $0x1600, v0;
	s24 =	simm.s32 $0x4C00;
	s26 =	simm.s32 $0x500;
	[dreg:$0x16] =	wrdreg s21  }
0x20: {  	v23 =	vor.u32 $0x1700, v0;
	v24 =	vor.u32 $0x1800, v0;
	v25 =	vor.u32 $0x1900, v0;
	s23 =	simm.s32 $0x6C00;
	s25 =	simm.s32 $0x580;
	[dreg:$0x17] =	wrdreg s22  }
0x21: {  	v26 =	vor.u32 $0x1A00, v0;
	v27 =	vor.u32 $0x1B00, v0;
	v28 =	vor.u32 $0x1C00, v0;
	s0 =	simm.s32 $0x14E00;
	s13 =	simm.s32 $0x300;
	[dreg:$0x19] =	wrdreg s24  }
0x22: {  	v29 =	vor.u32 $0x1D00, v0;
	v30 =	vor.u32 $0x1E00, v0;
	v31 =	vor.u32 $0x1F00, v0;
	[dreg:$0x1b] =	wrdreg s26;
	s24 =	simm.s32 $0xEC00;
	s26 =	simm.s32 $0x12400  }
.LBB2_1:
0x23: {  	s1 =	rddreg [dreg:$0x5]  }
0x24: {  	[tilespmem:s2], [sflag:$0x2] =	stream.linear.gather [hbm4b:s1+s2], $0x80, $0x38;
	[tilespmem:$0x15000] =	vst v63  }
0x25: {  	_ =	swait.ge [sflag:s8], $0x80  }
0x26: {  	[sflag:s8] =	ssyncset.done $0x0  }
0x27: {  	s21 =	rddreg [dreg:$0x6];
	[sflag:s8] =	ssyncadd.s32 $0xFFFFFF80  }
0x28: {  	[tilespmem:s9], [sflag:$0x2] =	stream.linear.gather [hbm4b:s21+s2], $0x80, $0x38;
	[tilespmem:$0x15000] =	vst v63  }
0x29: {  	_ =	swait.ge [sflag:s8], $0x80  }
0x2a: {  	[sflag:s8] =	ssyncset.done $0x0  }
0x2b: {  	s22 =	rddreg [dreg:$0x7];
	[sflag:s8] =	ssyncadd.s32 $0xFFFFFF80  }
0x2c: {  	[tilespmem:s10], [sflag:$0x2] =	stream.linear.gather [hbm4b:s22+s2], $0x80, $0x38;
	[tilespmem:$0x15000] =	vst v63  }
0x2d: {  	_ =	swait.ge [sflag:s8], $0x80  }
0x2e: {  	[sflag:s8] =	ssyncset.done $0x0  }
0x2f: {  	s20 =	rddreg [dreg:$0x8];
	[sflag:s8] =	ssyncadd.s32 $0xFFFFFF80  }
0x30: {  	[tilespmem:s11], [sflag:$0x2] =	stream.linear.gather [hbm4b:s20+s2], $0x80, $0x38;
	[tilespmem:$0x15000] =	vst v63  }
0x31: {  	_ =	swait.ge [sflag:s8], $0x80  }
0x32: {  	[sflag:s8] =	ssyncset.done $0x0  }
0x33: {  	s21 =	rddreg [dreg:$0x9];
	[sflag:s8] =	ssyncadd.s32 $0xFFFFFF80  }
0x34: {  	[tilespmem:s12], [sflag:$0x2] =	stream.linear.gather [hbm4b:s21+s2], $0x80, $0x38;
	[tilespmem:$0x15000] =	vst v63  }
0x35: {  	_ =	swait.ge [sflag:s8], $0x80  }
0x36: {  	[sflag:s8] =	ssyncset.done $0x0  }
0x37: {  	s22 =	rddreg [dreg:$0xa];
	[sflag:s8] =	ssyncadd.s32 $0xFFFFFF80  }
0x38: {  	[tilespmem:s13], [sflag:$0x2] =	stream.linear.gather [hbm4b:s22+s2], $0x80, $0x38;
	[tilespmem:$0x15000] =	vst v63  }
0x39: {  	_ =	swait.ge [sflag:s8], $0x80  }
0x3a: {  	[sflag:s8] =	ssyncset.done $0x0  }
0x3b: {  	s20 =	rddreg [dreg:$0xb];
	[sflag:s8] =	ssyncadd.s32 $0xFFFFFF80  }
0x3c: {  	[tilespmem:s14], [sflag:$0x2] =	stream.linear.gather [hbm4b:s20+s2], $0x80, $0x38;
	[tilespmem:$0x15000] =	vst v63  }
0x3d: {  	_ =	swait.ge [sflag:s8], $0x80  }
0x3e: {  	[sflag:s8] =	ssyncset.done $0x0  }
0x3f: {  	s21 =	rddreg [dreg:$0xc];
	[sflag:s8] =	ssyncadd.s32 $0xFFFFFF80  }
0x40: {  	[tilespmem:s15], [sflag:$0x2] =	stream.linear.gather [hbm4b:s21+s2], $0x80, $0x38;
	[tilespmem:$0x15000] =	vst v63  }
0x41: {  	_ =	swait.ge [sflag:s8], $0x80  }
0x42: {  	[sflag:s8] =	ssyncset.done $0x0  }
0x43: {  	[sflag:s8] =	ssyncadd.s32 $0xFFFFFF80  }
0x44: {  	v32 =	vld [tilespmem:$0x0];
	_ =	sdelay $0x1  }
0x45: {  	v33 =	vld [tilespmem:$0x200];
	_ =	sdelay $0x1  }
0x46: {  	v34 =	vld [tilespmem:$0x10]  }
0x47: {  	v35 =	vshrl.u32 v32, $0x4  }
0x48: {  	v59 =	vld [tilespmem:$0x210];
	v32 =	vand.u32 $0xF, v32;
	[tilespmem:$0x400] =	vst v35  }
0x49: {  	v60 =	vshrl.u32 v33, $0x4;
	[tilespmem:$0x800] =	vst v32  }
0x4a: {  	v62 =	vld [tilespmem:$0x20];
	v61 =	vand.u32 $0xF, v33;
	[tilespmem:$0x600] =	vst v60  }
0x4b: {  	v63 =	vshrl.u32 v34, $0x4;
	[tilespmem:$0xA00] =	vst v61  }
0x4c: {  	v37 =	vld [tilespmem:$0x220];
	v36 =	vand.u32 $0xF, v34;
	[tilespmem:$0x410] =	vst v63  }
0x4d: {  	v38 =	vshrl.u32 v59, $0x4;
	[tilespmem:$0x810] =	vst v36  }
0x4e: {  	v40 =	vld [tilespmem:$0x30];
	v39 =	vand.u32 $0xF, v59;
	[tilespmem:$0x610] =	vst v38  }
0x4f: {  	v41 =	vshrl.u32 v62, $0x4;
	[tilespmem:$0xA10] =	vst v39  }
0x50: {  	v43 =	vld [tilespmem:$0x230];
	v42 =	vand.u32 $0xF, v62;
	[tilespmem:$0x420] =	vst v41  }
0x51: {  	v44 =	vshrl.u32 v37, $0x4;
	[tilespmem:$0x820] =	vst v42  }
0x52: {  	v46 =	vld [tilespmem:$0x40];
	v45 =	vand.u32 $0xF, v37;
	[tilespmem:$0x620] =	vst v44  }
0x53: {  	v47 =	vshrl.u32 v40, $0x4;
	[tilespmem:$0xA20] =	vst v45  }
0x54: {  	v49 =	vld [tilespmem:$0x240];
	v48 =	vand.u32 $0xF, v40;
	[tilespmem:$0x430] =	vst v47  }
0x55: {  	v50 =	vshrl.u32 v43, $0x4;
	[tilespmem:$0x830] =	vst v48  }
0x56: {  	v52 =	vld [tilespmem:$0x50];
	v51 =	vand.u32 $0xF, v43;
	[tilespmem:$0x630] =	vst v50  }
0x57: {  	v55 =	vld [tilespmem:$0x250];
	v53 =	vshrl.u32 v46, $0x4;
	[tilespmem:$0xA30] =	vst v51  }
0x58: {  	v58 =	vld [tilespmem:$0x60];
	v54 =	vand.u32 $0xF, v46;
	[tilespmem:$0x440] =	vst v53  }
0x59: {  	v56 =	vshrl.u32 v49, $0x4;
	[tilespmem:$0x840] =	vst v54  }
0x5a: {  	v57 =	vand.u32 $0xF, v49;
	[tilespmem:$0x640] =	vst v56  }
0x5b: {  	v59 =	vshrl.u32 v52, $0x4;
	[tilespmem:$0xA40] =	vst v57  }
0x5c: {  	v62 =	vshrl.u32 v55, $0x4;
	[tilespmem:$0x450] =	vst v59;
	v61 =	vld [tilespmem:$0x260]  }
0x5d: {  	v37 =	vshrl.u32 v58, $0x4;
	[tilespmem:$0x650] =	vst v62  }
0x5e: {  	v60 =	vand.u32 $0xF, v52;
	v36 =	vld [tilespmem:$0x70];
	[tilespmem:$0x460] =	vst v37  }
0x5f: {  	v63 =	vand.u32 $0xF, v55;
	[tilespmem:$0x850] =	vst v60  }
0x60: {  	v38 =	vand.u32 $0xF, v58;
	v39 =	vld [tilespmem:$0x270];
	[tilespmem:$0xA50] =	vst v63  }
0x61: {  	[tilespmem:$0x860] =	vst v38;
	v40 =	vshrl.u32 v61, $0x4  }
0x62: {  	v42 =	vld [tilespmem:$0x80];
	v41 =	vand.u32 $0xF, v61;
	[tilespmem:$0x660] =	vst v40  }
0x63: {  	v43 =	vshrl.u32 v36, $0x4;
	[tilespmem:$0xA60] =	vst v41  }
0x64: {  	v45 =	vld [tilespmem:$0x280];
	v44 =	vand.u32 $0xF, v36;
	[tilespmem:$0x470] =	vst v43  }
0x65: {  	v46 =	vshrl.u32 v39, $0x4;
	[tilespmem:$0x870] =	vst v44  }
0x66: {  	v48 =	vld [tilespmem:$0x90];
	v47 =	vand.u32 $0xF, v39;
	[tilespmem:$0x670] =	vst v46  }
0x67: {  	v49 =	vshrl.u32 v42, $0x4;
	[tilespmem:$0xA70] =	vst v47  }
0x68: {  	v51 =	vld [tilespmem:$0x290];
	v50 =	vand.u32 $0xF, v42;
	[tilespmem:$0x480] =	vst v49  }
0x69: {  	v52 =	vshrl.u32 v45, $0x4;
	[tilespmem:$0x880] =	vst v50  }
0x6a: {  	v54 =	vld [tilespmem:$0xA0];
	v53 =	vand.u32 $0xF, v45;
	[tilespmem:$0x680] =	vst v52  }
0x6b: {  	v55 =	vshrl.u32 v48, $0x4;
	[tilespmem:$0xA80] =	vst v53  }
0x6c: {  	v57 =	vld [tilespmem:$0x2A0];
	v56 =	vand.u32 $0xF, v48;
	[tilespmem:$0x490] =	vst v55  }
0x6d: {  	v58 =	vshrl.u32 v51, $0x4;
	[tilespmem:$0x890] =	vst v56  }
0x6e: {  	v60 =	vld [tilespmem:$0xB0];
	v59 =	vand.u32 $0xF, v51;
	[tilespmem:$0x690] =	vst v58  }
0x6f: {  	v61 =	vshrl.u32 v54, $0x4;
	[tilespmem:$0xA90] =	vst v59  }
0x70: {  	v63 =	vld [tilespmem:$0x2B0];
	v62 =	vand.u32 $0xF, v54;
	[tilespmem:$0x4A0] =	vst v61  }
0x71: {  	v36 =	vshrl.u32 v57, $0x4;
	[tilespmem:$0x8A0] =	vst v62  }
0x72: {  	v38 =	vld [tilespmem:$0xC0];
	v37 =	vand.u32 $0xF, v57;
	[tilespmem:$0x6A0] =	vst v36  }
0x73: {  	[tilespmem:$0xAA0] =	vst v37;
	v39 =	vshrl.u32 v60, $0x4  }
0x74: {  	v40 =	vand.u32 $0xF, v60;
	v41 =	vld [tilespmem:$0x2C0];
	[tilespmem:$0x4B0] =	vst v39  }
0x75: {  	v42 =	vshrl.u32 v63, $0x4;
	[tilespmem:$0x8B0] =	vst v40  }
0x76: {  	v43 =	vand.u32 $0xF, v63;
	v44 =	vld [tilespmem:$0xD0];
	[tilespmem:$0x6B0] =	vst v42  }
0x77: {  	v45 =	vshrl.u32 v38, $0x4;
	[tilespmem:$0xAB0] =	vst v43  }
0x78: {  	v46 =	vand.u32 $0xF, v38;
	v47 =	vld [tilespmem:$0x2D0];
	[tilespmem:$0x4C0] =	vst v45  }
0x79: {  	[tilespmem:$0x8C0] =	vst v46;
	v48 =	vshrl.u32 v41, $0x4  }
0x7a: {  	v50 =	vld [tilespmem:$0xE0];
	v49 =	vand.u32 $0xF, v41;
	[tilespmem:$0x6C0] =	vst v48  }
0x7b: {  	v51 =	vshrl.u32 v44, $0x4;
	[tilespmem:$0xAC0] =	vst v49  }
0x7c: {  	v53 =	vld [tilespmem:$0x2E0];
	v52 =	vand.u32 $0xF, v44;
	[tilespmem:$0x4D0] =	vst v51  }
0x7d: {  	v54 =	vshrl.u32 v47, $0x4;
	[tilespmem:$0x8D0] =	vst v52  }
0x7e: {  	v56 =	vld [tilespmem:$0xF0];
	v55 =	vand.u32 $0xF, v47;
	[tilespmem:$0x6D0] =	vst v54  }
0x7f: {  	v57 =	vshrl.u32 v50, $0x4;
	[tilespmem:$0xAD0] =	vst v55  }
0x80: {  	v59 =	vld [tilespmem:$0x2F0];
	v58 =	vand.u32 $0xF, v50;
	[tilespmem:$0x4E0] =	vst v57  }
0x81: {  	v60 =	vshrl.u32 v53, $0x4;
	[tilespmem:$0x8E0] =	vst v58  }
0x82: {  	v62 =	vld [tilespmem:$0x100];
	v61 =	vand.u32 $0xF, v53;
	[tilespmem:$0x6E0] =	vst v60  }
0x83: {  	v63 =	vshrl.u32 v56, $0x4;
	[tilespmem:$0xAE0] =	vst v61  }
0x84: {  	v37 =	vld [tilespmem:$0x300];
	v36 =	vand.u32 $0xF, v56;
	[tilespmem:$0x4F0] =	vst v63  }
0x85: {  	v38 =	vshrl.u32 v59, $0x4;
	[tilespmem:$0x8F0] =	vst v36  }
0x86: {  	v40 =	vld [tilespmem:$0x110];
	v39 =	vand.u32 $0xF, v59;
	[tilespmem:$0x6F0] =	vst v38  }
0x87: {  	v41 =	vshrl.u32 v62, $0x4;
	[tilespmem:$0xAF0] =	vst v39  }
0x88: {  	v43 =	vld [tilespmem:$0x310];
	v42 =	vand.u32 $0xF, v62;
	[tilespmem:$0x500] =	vst v41  }
0x89: {  	v44 =	vshrl.u32 v37, $0x4;
	[tilespmem:$0x900] =	vst v42  }
0x8a: {  	v46 =	vld [tilespmem:$0x120];
	v45 =	vand.u32 $0xF, v37;
	[tilespmem:$0x700] =	vst v44  }
0x8b: {  	[tilespmem:$0xB00] =	vst v45;
	v47 =	vshrl.u32 v40, $0x4  }
0x8c: {  	v48 =	vand.u32 $0xF, v40;
	v49 =	vld [tilespmem:$0x320];
	[tilespmem:$0x510] =	vst v47  }
0x8d: {  	v50 =	vshrl.u32 v43, $0x4;
	[tilespmem:$0x910] =	vst v48  }
0x8e: {  	v51 =	vand.u32 $0xF, v43;
	v52 =	vld [tilespmem:$0x130];
	[tilespmem:$0x710] =	vst v50  }
0x8f: {  	v53 =	vshrl.u32 v46, $0x4;
	[tilespmem:$0xB10] =	vst v51  }
0x90: {  	v54 =	vand.u32 $0xF, v46;
	v55 =	vld [tilespmem:$0x330];
	[tilespmem:$0x520] =	vst v53  }
0x91: {  	[tilespmem:$0x920] =	vst v54;
	v56 =	vshrl.u32 v49, $0x4  }
0x92: {  	v58 =	vld [tilespmem:$0x140];
	v57 =	vand.u32 $0xF, v49;
	[tilespmem:$0x720] =	vst v56  }
0x93: {  	v59 =	vshrl.u32 v52, $0x4;
	[tilespmem:$0xB20] =	vst v57  }
0x94: {  	v61 =	vld [tilespmem:$0x340];
	v60 =	vand.u32 $0xF, v52;
	[tilespmem:$0x530] =	vst v59  }
0x95: {  	v62 =	vshrl.u32 v55, $0x4;
	[tilespmem:$0x930] =	vst v60  }
0x96: {  	v36 =	vld [tilespmem:$0x150];
	v63 =	vand.u32 $0xF, v55;
	[tilespmem:$0x730] =	vst v62  }
0x97: {  	v37 =	vshrl.u32 v58, $0x4;
	[tilespmem:$0xB30] =	vst v63  }
0x98: {  	v39 =	vld [tilespmem:$0x350];
	v38 =	vand.u32 $0xF, v58;
	[tilespmem:$0x540] =	vst v37  }
0x99: {  	v40 =	vshrl.u32 v61, $0x4;
	[tilespmem:$0x940] =	vst v38  }
0x9a: {  	v42 =	vld [tilespmem:$0x160];
	v41 =	vand.u32 $0xF, v61;
	[tilespmem:$0x740] =	vst v40  }
0x9b: {  	v43 =	vshrl.u32 v36, $0x4;
	[tilespmem:$0xB40] =	vst v41  }
0x9c: {  	v45 =	vld [tilespmem:$0x360];
	v44 =	vand.u32 $0xF, v36;
	[tilespmem:$0x550] =	vst v43  }
0x9d: {  	v46 =	vshrl.u32 v39, $0x4;
	[tilespmem:$0x950] =	vst v44  }
0x9e: {  	v48 =	vld [tilespmem:$0x170];
	v47 =	vand.u32 $0xF, v39;
	[tilespmem:$0x750] =	vst v46  }
0x9f: {  	v49 =	vshrl.u32 v42, $0x4;
	[tilespmem:$0xB50] =	vst v47  }
0xa0: {  	v51 =	vld [tilespmem:$0x370];
	v50 =	vand.u32 $0xF, v42;
	[tilespmem:$0x560] =	vst v49  }
0xa1: {  	v52 =	vshrl.u32 v45, $0x4;
	[tilespmem:$0x960] =	vst v50  }
0xa2: {  	v54 =	vld [tilespmem:$0x180];
	v53 =	vand.u32 $0xF, v45;
	[tilespmem:$0x760] =	vst v52  }
0xa3: {  	[tilespmem:$0xB60] =	vst v53;
	v55 =	vshrl.u32 v48, $0x4  }
0xa4: {  	v56 =	vand.u32 $0xF, v48;
	v57 =	vld [tilespmem:$0x380];
	[tilespmem:$0x570] =	vst v55  }
0xa5: {  	v58 =	vshrl.u32 v51, $0x4;
	[tilespmem:$0x970] =	vst v56  }
0xa6: {  	v59 =	vand.u32 $0xF, v51;
	v60 =	vld [tilespmem:$0x190];
	[tilespmem:$0x770] =	vst v58  }
0xa7: {  	v61 =	vshrl.u32 v54, $0x4;
	[tilespmem:$0xB70] =	vst v59  }
0xa8: {  	v62 =	vand.u32 $0xF, v54;
	v63 =	vld [tilespmem:$0x390];
	[tilespmem:$0x580] =	vst v61  }
0xa9: {  	[tilespmem:$0x980] =	vst v62;
	v36 =	vshrl.u32 v57, $0x4  }
0xaa: {  	v38 =	vld [tilespmem:$0x1A0];
	v37 =	vand.u32 $0xF, v57;
	[tilespmem:$0x780] =	vst v36  }
0xab: {  	v39 =	vshrl.u32 v60, $0x4;
	[tilespmem:$0xB80] =	vst v37  }
0xac: {  	v41 =	vld [tilespmem:$0x3A0];
	v40 =	vand.u32 $0xF, v60;
	[tilespmem:$0x590] =	vst v39  }
0xad: {  	v42 =	vshrl.u32 v63, $0x4;
	[tilespmem:$0x990] =	vst v40  }
0xae: {  	v44 =	vld [tilespmem:$0x1B0];
	v43 =	vand.u32 $0xF, v63;
	[tilespmem:$0x790] =	vst v42  }
0xaf: {  	v45 =	vshrl.u32 v38, $0x4;
	[tilespmem:$0xB90] =	vst v43  }
0xb0: {  	v47 =	vld [tilespmem:$0x3B0];
	v46 =	vand.u32 $0xF, v38;
	[tilespmem:$0x5A0] =	vst v45  }
0xb1: {  	v48 =	vshrl.u32 v41, $0x4;
	[tilespmem:$0x9A0] =	vst v46  }
0xb2: {  	v50 =	vld [tilespmem:$0x1C0];
	v49 =	vand.u32 $0xF, v41;
	[tilespmem:$0x7A0] =	vst v48  }
0xb3: {  	v51 =	vshrl.u32 v44, $0x4;
	[tilespmem:$0xBA0] =	vst v49  }
0xb4: {  	v53 =	vld [tilespmem:$0x3C0];
	v52 =	vand.u32 $0xF, v44;
	[tilespmem:$0x5B0] =	vst v51  }
0xb5: {  	v54 =	vshrl.u32 v47, $0x4;
	[tilespmem:$0x9B0] =	vst v52  }
0xb6: {  	v56 =	vld [tilespmem:$0x1D0];
	v55 =	vand.u32 $0xF, v47;
	[tilespmem:$0x7B0] =	vst v54  }
0xb7: {  	v57 =	vshrl.u32 v50, $0x4;
	[tilespmem:$0xBB0] =	vst v55  }
0xb8: {  	v59 =	vld [tilespmem:$0x3D0];
	v58 =	vand.u32 $0xF, v50;
	[tilespmem:$0x5C0] =	vst v57  }
0xb9: {  	v60 =	vshrl.u32 v53, $0x4;
	[tilespmem:$0x9C0] =	vst v58  }
0xba: {  	v62 =	vld [tilespmem:$0x1E0];
	v61 =	vand.u32 $0xF, v53;
	[tilespmem:$0x7C0] =	vst v60  }
0xbb: {  	[tilespmem:$0xBC0] =	vst v61;
	v63 =	vshrl.u32 v56, $0x4  }
0xbc: {  	v36 =	vand.u32 $0xF, v56;
	v37 =	vld [tilespmem:$0x3E0];
	[tilespmem:$0x5D0] =	vst v63  }
0xbd: {  	v38 =	vshrl.u32 v59, $0x4;
	[tilespmem:$0x9D0] =	vst v36  }
0xbe: {  	v39 =	vand.u32 $0xF, v59;
	v40 =	vld [tilespmem:$0x1F0];
	[tilespmem:$0x7D0] =	vst v38  }
0xbf: {  	v41 =	vshrl.u32 v62, $0x4;
	[tilespmem:$0xBD0] =	vst v39  }
0xc0: {  	v42 =	vand.u32 $0xF, v62;
	v43 =	vld [tilespmem:$0x3F0];
	[tilespmem:$0x5E0] =	vst v41  }
0xc1: {  	[tilespmem:$0x9E0] =	vst v42;
	v44 =	vshrl.u32 v37, $0x4  }
0xc2: {  	v45 =	vand.u32 $0xF, v37;
	[tilespmem:$0x7E0] =	vst v44  }
0xc3: {  	v46 =	vshrl.u32 v40, $0x4;
	[tilespmem:$0xBE0] =	vst v45  }
0xc4: {  	v47 =	vand.u32 $0xF, v40;
	[tilespmem:$0x5F0] =	vst v46  }
0xc5: {  	v48 =	vshrl.u32 v43, $0x4;
	[tilespmem:$0x9F0] =	vst v47  }
0xc6: {  	v49 =	vand.u32 $0xF, v43;
	[tilespmem:$0x7F0] =	vst v48  }
0xc7: {  	s22 =	rddreg [dreg:$0x11];
	[tilespmem:$0xBF0] =	vst v49  }
0xc8: {  	[tilespmem:s16], [sflag:$0x1] =	stream.indirect.gather [hbm4b:s3+s10], $0x40, s2, s10, $0xb8;
	[tilespmem:$0x15000] =	vst v63  }
0xc9: {  	s20 =	rddreg [dreg:$0x12]  }
0xca: {  	[tilespmem:s17], [sflag:$0x1] =	stream.indirect.gather [hbm4b:s4+s10], $0x40, s9, s10, $0xb8;
	[tilespmem:$0x15000] =	vst v63  }
0xcb: {  	s21 =	rddreg [dreg:$0x13]  }
0xcc: {  	[tilespmem:s18], [sflag:$0x1] =	stream.indirect.gather [hbm4b:s5+s10], $0x10, s22, s10, $0xb8;
	[tilespmem:$0x15000] =	vst v63  }
0xcd: {  	s1 =	rddreg [dreg:$0x15]  }
0xce: {  	[tilespmem:s19], [sflag:$0x1] =	stream.indirect.gather [hbm4b:s6+s10], $0x10, s20, s10, $0xb8;
	[tilespmem:$0x15000] =	vst v63  }
0xcf: {  	s22 =	rddreg [dreg:$0x14]  }
0xd0: {  	[tilespmem:s21], [sflag:$0x1] =	stream.indirect.gather [hbm4b:s3+s10], $0x40, s10, s10, $0xb8;
	[tilespmem:$0x15000] =	vst v63  }
0xd1: {  	s20 =	rddreg [dreg:$0x16]  }
0xd2: {  	[tilespmem:s22], [sflag:$0x1] =	stream.indirect.gather [hbm4b:s4+s10], $0x40, s11, s10, $0xb8;
	[tilespmem:$0x15000] =	vst v63  }
0xd3: {  	s21 =	rddreg [dreg:$0x17]  }
0xd4: {  	[tilespmem:s20], [sflag:$0x1] =	stream.indirect.gather [hbm4b:s5+s10], $0x10, s1, s10, $0xb8;
	[tilespmem:$0x15000] =	vst v63  }
0xd5: {  	s22 =	rddreg [dreg:$0x18]  }
0xd6: {  	[tilespmem:s22], [sflag:$0x1] =	stream.indirect.gather [hbm4b:s6+s10], $0x10, s21, s10, $0xb8;
	[tilespmem:$0x15000] =	vst v63  }
0xd7: {  	s20 =	rddreg [dreg:$0x19]  }
0xd8: {  	[tilespmem:s20], [sflag:$0x1] =	stream.indirect.gather [hbm4b:s3+s10], $0x40, s12, s10, $0xb8;
	[tilespmem:$0x15000] =	vst v63  }
0xd9: {  	s22 =	rddreg [dreg:$0x1a]  }
0xda: {  	[tilespmem:s22], [sflag:$0x1] =	stream.indirect.gather [hbm4b:s4+s10], $0x40, s13, s10, $0xb8;
	[tilespmem:$0x15000] =	vst v63  }
0xdb: {  	s21 =	rddreg [dreg:$0x1b];
	s22 =	simm.s32 $0x11C00  }
0xdc: {  	[tilespmem:s22], [sflag:$0x1] =	stream.indirect.gather [hbm4b:s5+s10], $0x10, s21, s10, $0xb8;
	[tilespmem:$0x15000] =	vst v63  }
0xdd: {  	s20 =	simm.s32 $0x700;
	s21 =	simm.s32 $0x13C00  }
0xde: {  	[tilespmem:s21], [sflag:$0x1] =	stream.indirect.gather [hbm4b:s6+s10], $0x10, s20, s10, $0xb8;
	[tilespmem:$0x15000] =	vst v63  }
0xdf: {  	_ = 	snop  }
0xe0: {  	[tilespmem:s23], [sflag:$0x1] =	stream.indirect.gather [hbm4b:s3+s10], $0x40, s14, s10, $0xb8;
	[tilespmem:$0x15000] =	vst v63  }
0xe1: {  	_ = 	snop  }
0xe2: {  	[tilespmem:s24], [sflag:$0x1] =	stream.indirect.gather [hbm4b:s4+s10], $0x40, s15, s10, $0xb8;
	[tilespmem:$0x15000] =	vst v63  }
0xe3: {  	_ = 	snop  }
0xe4: {  	[tilespmem:s26], [sflag:$0x1] =	stream.indirect.gather [hbm4b:s5+s10], $0x10, s25, s10, $0xb8;
	[tilespmem:$0x15000] =	vst v63  }
0xe5: {  	_ = 	snop  }
0xe6: {  	[tilespmem:s29], [sflag:$0x1] =	stream.indirect.gather [hbm4b:s6+s10], $0x10, s28, s10, $0xb8;
	[tilespmem:$0x15000] =	vst v63  }
0xe7: {  	_ =	swait.ge [sflag:s30], $0x2000  }
0xe8: {  	[sflag:s30] =	ssyncset.done $0x0  }
0xe9: {  	[sflag:s30] =	ssyncadd.s32 $0xFFFFE000  }
0xea: {  	_ =	swait.ge [sflag:s30], $0x2000  }
0xeb: {  	[sflag:s30] =	ssyncset.done $0x0  }
0xec: {  	[sflag:s30] =	ssyncadd.s32 $0xFFFFE000  }
0xed: {  	_ =	swait.ge [sflag:s30], $0x800  }
0xee: {  	[sflag:s30] =	ssyncset.done $0x0  }
0xef: {  	[sflag:s30] =	ssyncadd.s32 $0xFFFFF800  }
0xf0: {  	_ =	swait.ge [sflag:s30], $0x800  }
0xf1: {  	[sflag:s30] =	ssyncset.done $0x0  }
0xf2: {  	[sflag:s30] =	ssyncadd.s32 $0xFFFFF800  }
0xf3: {  	_ =	swait.ge [sflag:s30], $0x2000  }
0xf4: {  	[sflag:s30] =	ssyncset.done $0x0  }
0xf5: {  	[sflag:s30] =	ssyncadd.s32 $0xFFFFE000  }
0xf6: {  	_ =	swait.ge [sflag:s30], $0x2000  }
0xf7: {  	[sflag:s30] =	ssyncset.done $0x0  }
0xf8: {  	[sflag:s30] =	ssyncadd.s32 $0xFFFFE000  }
0xf9: {  	_ =	swait.ge [sflag:s30], $0x800  }
0xfa: {  	[sflag:s30] =	ssyncset.done $0x0  }
0xfb: {  	[sflag:s30] =	ssyncadd.s32 $0xFFFFF800  }
0xfc: {  	_ =	swait.ge [sflag:s30], $0x800  }
0xfd: {  	[sflag:s30] =	ssyncset.done $0x0  }
0xfe: {  	[sflag:s30] =	ssyncadd.s32 $0xFFFFF800  }
0xff: {  	_ =	swait.ge [sflag:s30], $0x2000  }
0x100: {  	[sflag:s30] =	ssyncset.done $0x0  }
0x101: {  	[sflag:s30] =	ssyncadd.s32 $0xFFFFE000  }
0x102: {  	_ =	swait.ge [sflag:s30], $0x2000  }
0x103: {  	[sflag:s30] =	ssyncset.done $0x0  }
0x104: {  	[sflag:s30] =	ssyncadd.s32 $0xFFFFE000  }
0x105: {  	_ =	swait.ge [sflag:s30], $0x800  }
0x106: {  	[sflag:s30] =	ssyncset.done $0x0  }
0x107: {  	[sflag:s30] =	ssyncadd.s32 $0xFFFFF800  }
0x108: {  	_ =	swait.ge [sflag:s30], $0x800  }
0x109: {  	[sflag:s30] =	ssyncset.done $0x0  }
0x10a: {  	[sflag:s30] =	ssyncadd.s32 $0xFFFFF800  }
0x10b: {  	_ =	swait.ge [sflag:s30], $0x2000  }
0x10c: {  	[sflag:s30] =	ssyncset.done $0x0  }
0x10d: {  	[sflag:s30] =	ssyncadd.s32 $0xFFFFE000  }
0x10e: {  	_ =	swait.ge [sflag:s30], $0x2000  }
0x10f: {  	[sflag:s30] =	ssyncset.done $0x0  }
0x110: {  	[sflag:s30] =	ssyncadd.s32 $0xFFFFE000  }
0x111: {  	_ =	swait.ge [sflag:s30], $0x800  }
0x112: {  	[sflag:s30] =	ssyncset.done $0x0  }
0x113: {  	[sflag:s30] =	ssyncadd.s32 $0xFFFFF800  }
0x114: {  	_ =	swait.ge [sflag:s30], $0x800  }
0x115: {  	[sflag:s30] =	ssyncset.done $0x0  }
0x116: {  	[sflag:s30] =	ssyncadd.s32 $0xFFFFF800  }
0x117: {  	v50 =	vld [tilespmem:$0x800];
	_ =	sdelay $0x4  }
0x118: {  	v32 =	vadd.s32 v0, v50  }
0x119: {  	v51 =	vld [tilespmem:$0xA00];
	_ =	sdelay $0x3  }
0x11a: {  	v32 =	vld.idx.msk [tilespmem:v32+s18+$0x0], $0xffff  }
0x11b: {  	v33 =	vadd.s32 v0, v51  }
0x11c: {  	v52 =	vld [tilespmem:$0x810];
	_ =	sdelay $0x2  }
0x11d: {  	[tilespmem:$0x14C00] =	vst v32  }
0x11e: {  	v32 =	vld.idx.msk [tilespmem:v33+s19+$0x0], $0xffff  }
0x11f: {  	v53 =	vadd.s32 v1, v52  }
0x120: {  	v54 =	vld [tilespmem:$0xA10];
	_ =	sdelay $0x2  }
0x121: {  	[tilespmem:$0x14E00] =	vst v32  }
0x122: {  	v32 =	vld.idx.msk [tilespmem:v53+s18+$0x0], $0xffff  }
0x123: {  	v55 =	vadd.s32 v1, v54  }
0x124: {  	v56 =	vld [tilespmem:$0x820];
	_ =	sdelay $0x2  }
0x125: {  	[tilespmem:$0x14C10] =	vst v32  }
0x126: {  	v32 =	vld.idx.msk [tilespmem:v55+s19+$0x0], $0xffff  }
0x127: {  	v57 =	vadd.s32 v2, v56  }
0x128: {  	v58 =	vld [tilespmem:$0xA20];
	_ =	sdelay $0x2  }
0x129: {  	[tilespmem:$0x14E10] =	vst v32  }
0x12a: {  	v32 =	vld.idx.msk [tilespmem:v57+s18+$0x0], $0xffff  }
0x12b: {  	v59 =	vadd.s32 v2, v58  }
0x12c: {  	v60 =	vld [tilespmem:$0x830];
	_ =	sdelay $0x2  }
0x12d: {  	[tilespmem:$0x14C20] =	vst v32  }
0x12e: {  	v32 =	vld.idx.msk [tilespmem:v59+s19+$0x0], $0xffff  }
0x12f: {  	v61 =	vadd.s32 v3, v60  }
0x130: {  	v62 =	vld [tilespmem:$0xA30];
	_ =	sdelay $0x2  }
0x131: {  	[tilespmem:$0x14E20] =	vst v32  }
0x132: {  	v32 =	vld.idx.msk [tilespmem:v61+s18+$0x0], $0xffff  }
0x133: {  	v63 =	vadd.s32 v3, v62  }
0x134: {  	v36 =	vld [tilespmem:$0x840];
	_ =	sdelay $0x2  }
0x135: {  	[tilespmem:$0x14C30] =	vst v32  }
0x136: {  	v32 =	vld.idx.msk [tilespmem:v63+s19+$0x0], $0xffff  }
0x137: {  	v37 =	vadd.s32 v4, v36  }
0x138: {  	v38 =	vld [tilespmem:$0xA40];
	_ =	sdelay $0x2  }
0x139: {  	[tilespmem:$0x14E30] =	vst v32  }
0x13a: {  	v32 =	vld.idx.msk [tilespmem:v37+s18+$0x0], $0xffff  }
0x13b: {  	v39 =	vadd.s32 v4, v38  }
0x13c: {  	v40 =	vld [tilespmem:$0x850];
	_ =	sdelay $0x2  }
0x13d: {  	[tilespmem:$0x14C40] =	vst v32  }
0x13e: {  	v32 =	vld.idx.msk [tilespmem:v39+s19+$0x0], $0xffff  }
0x13f: {  	v41 =	vadd.s32 v5, v40  }
0x140: {  	v42 =	vld [tilespmem:$0xA50];
	_ =	sdelay $0x2  }
0x141: {  	[tilespmem:$0x14E40] =	vst v32  }
0x142: {  	v32 =	vld.idx.msk [tilespmem:v41+s18+$0x0], $0xffff  }
0x143: {  	v43 =	vadd.s32 v5, v42  }
0x144: {  	v44 =	vld [tilespmem:$0x860];
	_ =	sdelay $0x2  }
0x145: {  	[tilespmem:$0x14C50] =	vst v32  }
0x146: {  	v32 =	vld.idx.msk [tilespmem:v43+s19+$0x0], $0xffff  }
0x147: {  	v45 =	vadd.s32 v6, v44  }
0x148: {  	v46 =	vld [tilespmem:$0xA60];
	_ =	sdelay $0x2  }
0x149: {  	[tilespmem:$0x14E50] =	vst v32  }
0x14a: {  	v32 =	vld.idx.msk [tilespmem:v45+s18+$0x0], $0xffff  }
0x14b: {  	v47 =	vadd.s32 v6, v46  }
0x14c: {  	v48 =	vld [tilespmem:$0x870];
	_ =	sdelay $0x2  }
0x14d: {  	[tilespmem:$0x14C60] =	vst v32  }
0x14e: {  	v32 =	vld.idx.msk [tilespmem:v47+s19+$0x0], $0xffff  }
0x14f: {  	v49 =	vadd.s32 v7, v48  }
0x150: {  	v50 =	vld [tilespmem:$0xA70];
	_ =	sdelay $0x2  }
0x151: {  	[tilespmem:$0x14E60] =	vst v32  }
0x152: {  	v32 =	vld.idx.msk [tilespmem:v49+s18+$0x0], $0xffff  }
0x153: {  	v51 =	vadd.s32 v7, v50  }
0x154: {  	v52 =	vld [tilespmem:$0x880];
	_ =	sdelay $0x2  }
0x155: {  	[tilespmem:$0x14C70] =	vst v32  }
0x156: {  	v32 =	vld.idx.msk [tilespmem:v51+s19+$0x0], $0xffff  }
0x157: {  	v53 =	vadd.s32 v8, v52  }
0x158: {  	v54 =	vld [tilespmem:$0xA80];
	_ =	sdelay $0x2  }
0x159: {  	[tilespmem:$0x14E70] =	vst v32  }
0x15a: {  	v32 =	vld.idx.msk [tilespmem:v53+s18+$0x0], $0xffff  }
0x15b: {  	v55 =	vadd.s32 v8, v54  }
0x15c: {  	v56 =	vld [tilespmem:$0x890];
	_ =	sdelay $0x2  }
0x15d: {  	[tilespmem:$0x14C80] =	vst v32  }
0x15e: {  	v32 =	vld.idx.msk [tilespmem:v55+s19+$0x0], $0xffff  }
0x15f: {  	v57 =	vadd.s32 v9, v56  }
0x160: {  	v58 =	vld [tilespmem:$0xA90];
	_ =	sdelay $0x2  }
0x161: {  	[tilespmem:$0x14E80] =	vst v32  }
0x162: {  	v32 =	vld.idx.msk [tilespmem:v57+s18+$0x0], $0xffff  }
0x163: {  	v59 =	vadd.s32 v9, v58  }
0x164: {  	v60 =	vld [tilespmem:$0x8A0];
	_ =	sdelay $0x2  }
0x165: {  	[tilespmem:$0x14C90] =	vst v32  }
0x166: {  	v32 =	vld.idx.msk [tilespmem:v59+s19+$0x0], $0xffff  }
0x167: {  	v61 =	vadd.s32 v10, v60  }
0x168: {  	v62 =	vld [tilespmem:$0xAA0];
	_ =	sdelay $0x2  }
0x169: {  	[tilespmem:$0x14E90] =	vst v32  }
0x16a: {  	v32 =	vld.idx.msk [tilespmem:v61+s18+$0x0], $0xffff  }
0x16b: {  	v63 =	vadd.s32 v10, v62  }
0x16c: {  	v36 =	vld [tilespmem:$0x8B0];
	_ =	sdelay $0x2  }
0x16d: {  	[tilespmem:$0x14CA0] =	vst v32  }
0x16e: {  	v32 =	vld.idx.msk [tilespmem:v63+s19+$0x0], $0xffff  }
0x16f: {  	v37 =	vadd.s32 v11, v36  }
0x170: {  	v38 =	vld [tilespmem:$0xAB0];
	_ =	sdelay $0x2  }
0x171: {  	[tilespmem:$0x14EA0] =	vst v32  }
0x172: {  	v32 =	vld.idx.msk [tilespmem:v37+s18+$0x0], $0xffff  }
0x173: {  	v39 =	vadd.s32 v11, v38  }
0x174: {  	v40 =	vld [tilespmem:$0x8C0];
	_ =	sdelay $0x2  }
0x175: {  	[tilespmem:$0x14CB0] =	vst v32  }
0x176: {  	v32 =	vld.idx.msk [tilespmem:v39+s19+$0x0], $0xffff  }
0x177: {  	v41 =	vadd.s32 v12, v40  }
0x178: {  	v42 =	vld [tilespmem:$0xAC0];
	_ =	sdelay $0x2  }
0x179: {  	[tilespmem:$0x14EB0] =	vst v32  }
0x17a: {  	v32 =	vld.idx.msk [tilespmem:v41+s18+$0x0], $0xffff  }
0x17b: {  	v43 =	vadd.s32 v12, v42  }
0x17c: {  	v44 =	vld [tilespmem:$0x8D0];
	_ =	sdelay $0x2  }
0x17d: {  	[tilespmem:$0x14CC0] =	vst v32  }
0x17e: {  	v32 =	vld.idx.msk [tilespmem:v43+s19+$0x0], $0xffff  }
0x17f: {  	v45 =	vadd.s32 v13, v44  }
0x180: {  	v46 =	vld [tilespmem:$0xAD0];
	_ =	sdelay $0x2  }
0x181: {  	[tilespmem:$0x14EC0] =	vst v32  }
0x182: {  	v32 =	vld.idx.msk [tilespmem:v45+s18+$0x0], $0xffff  }
0x183: {  	v47 =	vadd.s32 v13, v46  }
0x184: {  	v48 =	vld [tilespmem:$0x8E0];
	_ =	sdelay $0x2  }
0x185: {  	[tilespmem:$0x14CD0] =	vst v32  }
0x186: {  	v32 =	vld.idx.msk [tilespmem:v47+s19+$0x0], $0xffff  }
0x187: {  	v49 =	vadd.s32 v14, v48  }
0x188: {  	v50 =	vld [tilespmem:$0xAE0];
	_ =	sdelay $0x2  }
0x189: {  	[tilespmem:$0x14ED0] =	vst v32  }
0x18a: {  	v32 =	vld.idx.msk [tilespmem:v49+s18+$0x0], $0xffff  }
0x18b: {  	v51 =	vadd.s32 v14, v50  }
0x18c: {  	v52 =	vld [tilespmem:$0x8F0];
	_ =	sdelay $0x2  }
0x18d: {  	[tilespmem:$0x14CE0] =	vst v32  }
0x18e: {  	v32 =	vld.idx.msk [tilespmem:v51+s19+$0x0], $0xffff  }
0x18f: {  	v53 =	vadd.s32 v15, v52  }
0x190: {  	v54 =	vld [tilespmem:$0xAF0];
	_ =	sdelay $0x2  }
0x191: {  	[tilespmem:$0x14EE0] =	vst v32  }
0x192: {  	v32 =	vld.idx.msk [tilespmem:v53+s18+$0x0], $0xffff  }
0x193: {  	v55 =	vadd.s32 v15, v54  }
0x194: {  	v56 =	vld [tilespmem:$0x900];
	_ =	sdelay $0x2  }
0x195: {  	[tilespmem:$0x14CF0] =	vst v32  }
0x196: {  	v32 =	vld.idx.msk [tilespmem:v55+s19+$0x0], $0xffff  }
0x197: {  	v57 =	vadd.s32 v16, v56  }
0x198: {  	v58 =	vld [tilespmem:$0xB00];
	_ =	sdelay $0x2  }
0x199: {  	[tilespmem:$0x14EF0] =	vst v32  }
0x19a: {  	v32 =	vld.idx.msk [tilespmem:v57+s18+$0x0], $0xffff  }
0x19b: {  	v59 =	vadd.s32 v16, v58  }
0x19c: {  	v60 =	vld [tilespmem:$0x910];
	_ =	sdelay $0x2  }
0x19d: {  	[tilespmem:$0x14D00] =	vst v32  }
0x19e: {  	v32 =	vld.idx.msk [tilespmem:v59+s19+$0x0], $0xffff  }
0x19f: {  	v61 =	vadd.s32 v17, v60  }
0x1a0: {  	v62 =	vld [tilespmem:$0xB10];
	_ =	sdelay $0x2  }
0x1a1: {  	[tilespmem:$0x14F00] =	vst v32  }
0x1a2: {  	v32 =	vld.idx.msk [tilespmem:v61+s18+$0x0], $0xffff  }
0x1a3: {  	v63 =	vadd.s32 v17, v62  }
0x1a4: {  	v36 =	vld [tilespmem:$0x920];
	_ =	sdelay $0x2  }
0x1a5: {  	[tilespmem:$0x14D10] =	vst v32  }
0x1a6: {  	v32 =	vld.idx.msk [tilespmem:v63+s19+$0x0], $0xffff  }
0x1a7: {  	v37 =	vadd.s32 v18, v36  }
0x1a8: {  	v38 =	vld [tilespmem:$0xB20];
	_ =	sdelay $0x2  }
0x1a9: {  	[tilespmem:$0x14F10] =	vst v32  }
0x1aa: {  	v32 =	vld.idx.msk [tilespmem:v37+s18+$0x0], $0xffff  }
0x1ab: {  	v39 =	vadd.s32 v18, v38  }
0x1ac: {  	v40 =	vld [tilespmem:$0x930];
	_ =	sdelay $0x2  }
0x1ad: {  	[tilespmem:$0x14D20] =	vst v32  }
0x1ae: {  	v32 =	vld.idx.msk [tilespmem:v39+s19+$0x0], $0xffff  }
0x1af: {  	v41 =	vadd.s32 v19, v40  }
0x1b0: {  	v42 =	vld [tilespmem:$0xB30];
	_ =	sdelay $0x2  }
0x1b1: {  	[tilespmem:$0x14F20] =	vst v32  }
0x1b2: {  	v32 =	vld.idx.msk [tilespmem:v41+s18+$0x0], $0xffff  }
0x1b3: {  	v43 =	vadd.s32 v19, v42  }
0x1b4: {  	v44 =	vld [tilespmem:$0x940];
	_ =	sdelay $0x2  }
0x1b5: {  	[tilespmem:$0x14D30] =	vst v32  }
0x1b6: {  	v32 =	vld.idx.msk [tilespmem:v43+s19+$0x0], $0xffff  }
0x1b7: {  	v45 =	vadd.s32 v20, v44  }
0x1b8: {  	v46 =	vld [tilespmem:$0xB40];
	_ =	sdelay $0x2  }
0x1b9: {  	[tilespmem:$0x14F30] =	vst v32  }
0x1ba: {  	v32 =	vld.idx.msk [tilespmem:v45+s18+$0x0], $0xffff  }
0x1bb: {  	v47 =	vadd.s32 v20, v46  }
0x1bc: {  	v48 =	vld [tilespmem:$0x950];
	_ =	sdelay $0x2  }
0x1bd: {  	[tilespmem:$0x14D40] =	vst v32  }
0x1be: {  	v32 =	vld.idx.msk [tilespmem:v47+s19+$0x0], $0xffff  }
0x1bf: {  	v49 =	vadd.s32 v21, v48  }
0x1c0: {  	v50 =	vld [tilespmem:$0xB50];
	_ =	sdelay $0x2  }
0x1c1: {  	[tilespmem:$0x14F40] =	vst v32  }
0x1c2: {  	v32 =	vld.idx.msk [tilespmem:v49+s18+$0x0], $0xffff  }
0x1c3: {  	v51 =	vadd.s32 v21, v50  }
0x1c4: {  	v52 =	vld [tilespmem:$0x960];
	_ =	sdelay $0x2  }
0x1c5: {  	[tilespmem:$0x14D50] =	vst v32  }
0x1c6: {  	v32 =	vld.idx.msk [tilespmem:v51+s19+$0x0], $0xffff  }
0x1c7: {  	v53 =	vadd.s32 v22, v52  }
0x1c8: {  	v54 =	vld [tilespmem:$0xB60];
	_ =	sdelay $0x2  }
0x1c9: {  	[tilespmem:$0x14F50] =	vst v32  }
0x1ca: {  	v32 =	vld.idx.msk [tilespmem:v53+s18+$0x0], $0xffff  }
0x1cb: {  	v55 =	vadd.s32 v22, v54  }
0x1cc: {  	v56 =	vld [tilespmem:$0x970];
	_ =	sdelay $0x2  }
0x1cd: {  	[tilespmem:$0x14D60] =	vst v32  }
0x1ce: {  	v32 =	vld.idx.msk [tilespmem:v55+s19+$0x0], $0xffff  }
0x1cf: {  	v57 =	vadd.s32 v23, v56  }
0x1d0: {  	v58 =	vld [tilespmem:$0xB70];
	_ =	sdelay $0x2  }
0x1d1: {  	[tilespmem:$0x14F60] =	vst v32  }
0x1d2: {  	v32 =	vld.idx.msk [tilespmem:v57+s18+$0x0], $0xffff  }
0x1d3: {  	v59 =	vadd.s32 v23, v58  }
0x1d4: {  	v60 =	vld [tilespmem:$0x980];
	_ =	sdelay $0x2  }
0x1d5: {  	[tilespmem:$0x14D70] =	vst v32  }
0x1d6: {  	v32 =	vld.idx.msk [tilespmem:v59+s19+$0x0], $0xffff  }
0x1d7: {  	v61 =	vadd.s32 v24, v60  }
0x1d8: {  	v62 =	vld [tilespmem:$0xB80];
	_ =	sdelay $0x2  }
0x1d9: {  	[tilespmem:$0x14F70] =	vst v32  }
0x1da: {  	v32 =	vld.idx.msk [tilespmem:v61+s18+$0x0], $0xffff  }
0x1db: {  	v63 =	vadd.s32 v24, v62  }
0x1dc: {  	v36 =	vld [tilespmem:$0x990];
	_ =	sdelay $0x2  }
0x1dd: {  	[tilespmem:$0x14D80] =	vst v32  }
0x1de: {  	v32 =	vld.idx.msk [tilespmem:v63+s19+$0x0], $0xffff  }
0x1df: {  	v37 =	vadd.s32 v25, v36  }
0x1e0: {  	v38 =	vld [tilespmem:$0xB90];
	_ =	sdelay $0x2  }
0x1e1: {  	[tilespmem:$0x14F80] =	vst v32  }
0x1e2: {  	v32 =	vld.idx.msk [tilespmem:v37+s18+$0x0], $0xffff  }
0x1e3: {  	v39 =	vadd.s32 v25, v38  }
0x1e4: {  	v40 =	vld [tilespmem:$0x9A0];
	_ =	sdelay $0x2  }
0x1e5: {  	[tilespmem:$0x14D90] =	vst v32  }
0x1e6: {  	v32 =	vld.idx.msk [tilespmem:v39+s19+$0x0], $0xffff  }
0x1e7: {  	v41 =	vadd.s32 v26, v40  }
0x1e8: {  	v42 =	vld [tilespmem:$0xBA0];
	_ =	sdelay $0x2  }
0x1e9: {  	[tilespmem:$0x14F90] =	vst v32  }
0x1ea: {  	v32 =	vld.idx.msk [tilespmem:v41+s18+$0x0], $0xffff  }
0x1eb: {  	v43 =	vadd.s32 v26, v42  }
0x1ec: {  	v44 =	vld [tilespmem:$0x9B0];
	_ =	sdelay $0x2  }
0x1ed: {  	[tilespmem:$0x14DA0] =	vst v32  }
0x1ee: {  	v32 =	vld.idx.msk [tilespmem:v43+s19+$0x0], $0xffff  }
0x1ef: {  	v45 =	vadd.s32 v27, v44  }
0x1f0: {  	v46 =	vld [tilespmem:$0xBB0];
	_ =	sdelay $0x2  }
0x1f1: {  	[tilespmem:$0x14FA0] =	vst v32  }
0x1f2: {  	v32 =	vld.idx.msk [tilespmem:v45+s18+$0x0], $0xffff  }
0x1f3: {  	v47 =	vadd.s32 v27, v46  }
0x1f4: {  	v48 =	vld [tilespmem:$0x9C0];
	_ =	sdelay $0x2  }
0x1f5: {  	[tilespmem:$0x14DB0] =	vst v32  }
0x1f6: {  	v32 =	vld.idx.msk [tilespmem:v47+s19+$0x0], $0xffff  }
0x1f7: {  	v49 =	vadd.s32 v28, v48  }
0x1f8: {  	v50 =	vld [tilespmem:$0xBC0];
	_ =	sdelay $0x2  }
0x1f9: {  	[tilespmem:$0x14FB0] =	vst v32  }
0x1fa: {  	v32 =	vld.idx.msk [tilespmem:v49+s18+$0x0], $0xffff  }
0x1fb: {  	v51 =	vadd.s32 v28, v50  }
0x1fc: {  	v52 =	vld [tilespmem:$0x9D0];
	_ =	sdelay $0x2  }
0x1fd: {  	[tilespmem:$0x14DC0] =	vst v32  }
0x1fe: {  	v32 =	vld.idx.msk [tilespmem:v51+s19+$0x0], $0xffff  }
0x1ff: {  	v53 =	vadd.s32 v29, v52  }
0x200: {  	v54 =	vld [tilespmem:$0xBD0];
	_ =	sdelay $0x2  }
0x201: {  	[tilespmem:$0x14FC0] =	vst v32  }
0x202: {  	v32 =	vld.idx.msk [tilespmem:v53+s18+$0x0], $0xffff  }
0x203: {  	v55 =	vadd.s32 v29, v54  }
0x204: {  	v56 =	vld [tilespmem:$0x9E0];
	_ =	sdelay $0x2  }
0x205: {  	[tilespmem:$0x14DD0] =	vst v32  }
0x206: {  	v32 =	vld.idx.msk [tilespmem:v55+s19+$0x0], $0xffff  }
0x207: {  	v57 =	vadd.s32 v30, v56  }
0x208: {  	v58 =	vld [tilespmem:$0xBE0];
	_ =	sdelay $0x2  }
0x209: {  	[tilespmem:$0x14FD0] =	vst v32  }
0x20a: {  	v32 =	vld.idx.msk [tilespmem:v57+s18+$0x0], $0xffff  }
0x20b: {  	v59 =	vadd.s32 v30, v58  }
0x20c: {  	v60 =	vld [tilespmem:$0x9F0];
	_ =	sdelay $0x2  }
0x20d: {  	[tilespmem:$0x14DE0] =	vst v32  }
0x20e: {  	v32 =	vld.idx.msk [tilespmem:v59+s19+$0x0], $0xffff  }
0x20f: {  	v61 =	vadd.s32 v31, v60  }
0x210: {  	v62 =	vld [tilespmem:$0xBF0];
	_ =	sdelay $0x2  }
0x211: {  	[tilespmem:$0x14FE0] =	vst v32  }
0x212: {  	v32 =	vld.idx.msk [tilespmem:v61+s18+$0x0], $0xffff  }
0x213: {  	v63 =	vadd.s32 v31, v62;
	_ =	sdelay $0x3  }
0x214: {  	[tilespmem:$0x14DF0] =	vst v32  }
0x215: {  	v32 =	vld.idx.msk [tilespmem:v63+s19+$0x0], $0xffff;
	_ =	sdelay $0x4  }
0x216: {  	s22 =	rddreg [dreg:$0xd];
	[tilespmem:$0x14FF0] =	vst v32  }
0x217: {  	[hbm4b:s22+s2] =	stream.linear.scatter [tilespmem:s16], [sflag:$0x2], $0x8000, $0x38;
	[tilespmem:$0x15000] =	vst v63  }
0x218: {  	_ =	swait.ge [sflag:s8], $0x8000  }
0x219: {  	[sflag:s8] =	ssyncset.done $0x0  }
0x21a: {  	s20 =	rddreg [dreg:$0xe];
	[sflag:s8] =	ssyncadd.s32 $0xFFFF8000  }
0x21b: {  	[hbm4b:s20+s2] =	stream.linear.scatter [tilespmem:s17], [sflag:$0x2], $0x8000, $0x38;
	[tilespmem:$0x15000] =	vst v63  }
0x21c: {  	_ =	swait.ge [sflag:s8], $0x8000  }
0x21d: {  	[sflag:s8] =	ssyncset.done $0x0  }
0x21e: {  	s21 =	rddreg [dreg:$0xf];
	[sflag:s8] =	ssyncadd.s32 $0xFFFF8000  }
0x21f: {  	[hbm4b:s21+s2] =	stream.linear.scatter [tilespmem:s31], [sflag:$0x2], $0x200, $0x38;
	[tilespmem:$0x15000] =	vst v63  }
0x220: {  	_ =	swait.ge [sflag:s8], $0x200  }
0x221: {  	p0 =	sne.s32 s7, $0x1;
	[sflag:s8] =	ssyncset.done $0x0  }
.Ltmp0:
0x222: {  	s22 =	rddreg [dreg:$0x10];
	[sflag:s8] =	ssyncadd.s32 $0xFFFFFE00;
	(pc) =	sbr.rel @p0 .LBB2_1-.Ltmp0, $4  }
0x223: {  	[hbm4b:s22+s2] =	stream.linear.scatter [tilespmem:s0], [sflag:$0x2], $0x200, $0x38;
	[tilespmem:$0x15000] =	vst v63  }
0x224: {  	_ =	swait.ge [sflag:s8], $0x200  }
0x225: {  	[sflag:s8] =	ssyncset.done $0x0  }
0x226: {  	s7 =	sadd.s32 $0xFFFFFFFF, s7;
	[sflag:s8] =	ssyncadd.s32 $0xFFFFFE00  }
0x227: {  	_ =	sfence.sel $0x180000  }
0x228: {  	[bflag:$0x0] =	sbarrier.arrive $0xFFFF  }
0x229: {  	_ =	strace $0x90000047  }
0x22a: {  	s0 =	stileid.u32;
	[bflag:$0x2] =	sbarrier.arrive $0xFFFF  }
0x22b: {  	p0 =	sne.s32 s0, $0x0;
	s0 =	rddreg [dreg:$0x4]  }
0x22c: {  	s0 =	sadd.s32 @!p0 $0x100000, s0  }
0x22d: {  	[sflag:s0] =	ssyncadd.tile.s32 @!p0 $0x1;
	_ =	shalt  }
.Lfunc_end2:
_tile_overlayer_lowered:
.L_overlay_start_2:
0x22e: {  	(tag) =	ssettag $0x2  }
0x22f: {  	s0 =	rddreg [dreg:$0x0];
	s2 =	stileid.u32  }
0x230: {  	s1 =	rddreg [dreg:$0x1];
	p0 =	sne.s32 s2, $0x0  }
0x231: {  	s3 =	rddreg [dreg:$0x2];
	[bflag:$0x3] =	sbarrier.arrive $0xFFFF;
	s2 =	simm.s32 @!p0 $0x1C02  }
0x232: {  	[timem:s3], [sflag:s2] =	dma.local @!p0 [hbm:s0], s1  }
0x233: {  	s0 =	simm.s32 @!p0 $0x2  }
0x234: {  	_ =	swait.ge @!p0 [sflag:s0], s1  }
0x235: {  	s1 =	ssub.s32 @!p0 $0x0, s1;
	[sflag:s0] =	ssyncset.done @!p0 $0x0  }
0x236: {  	[sflag:s0] =	ssyncadd.s32 @!p0 s1  }
0x237: {  	[bflag:$0x3] =	sbarrier.arrive $0xFFFF  }
0x238: {  	_ =	shalt  }

</sc_bundles>
